<compile_context>
chip_gen: v7x
topology: tpu7x:2x2x1
jax: 0.10.2.dev20260603
libtpu: 0.0.44.dev20260713+nightly
codegen_flags: <defaults>
</compile_context>

<pallas_src>
import dataclasses
import functools

import jax
import jax.numpy as jnp
from jax import lax
from jax.experimental import pallas as pl
from jax.experimental.pallas import tpu as pltpu
from jax.experimental.pallas import tpu_sc as plsc

N = 10000
E = 160000
D = 256
DH = 128

NUM_SC = 2
NUM_TILES = 16
CHUNK = 128
BLK_CHUNKS = 8
NUM_BLKS = 10
CHUNKS_PER_TILE = NUM_BLKS * BLK_CHUNKS
E_PAD = NUM_TILES * CHUNKS_PER_TILE * CHUNK
N_PAD = 10112
ROWS_PER_TILE = N_PAD // NUM_TILES

BLK = 2000


def _sc_aggregate(x_pair, srcs, dsts, zacc):
    mesh = plsc.VectorSubcoreMesh(core_axis_name="c", subcore_axis_name="s")
    cp = pltpu.CompilerParams()
    if "needs_layout_passes" in pltpu.CompilerParams.__dataclass_fields__:
        cp = dataclasses.replace(cp, needs_layout_passes=False)

    @functools.partial(
        pl.kernel,
        compiler_params=cp,
        out_type=[
            jax.ShapeDtypeStruct((NUM_SC, N_PAD, DH), jnp.float32),
            jax.ShapeDtypeStruct((NUM_TILES, N_PAD), jnp.float32),
        ],
        mesh=mesh,
        scratch_types=[
            pltpu.VMEM((2, BLK_CHUNKS * CHUNK), jnp.int32),
            pltpu.VMEM((2, BLK_CHUNKS * CHUNK), jnp.int32),
            pltpu.VMEM((2, CHUNK, DH), jnp.float32),
            pltpu.VMEM((N_PAD,), jnp.float32),
            pltpu.VMEM_SHARED((N_PAD, DH), jnp.float32),
            pltpu.SemaphoreType.DMA,
            pltpu.SemaphoreType.DMA,
            pltpu.SemaphoreType.DMA,
            pltpu.SemaphoreType.DMA,
            pltpu.SemaphoreType.DMA,
            pltpu.SemaphoreType.DMA,
        ],
    )
    def agg(xp, srcs_h, dsts_h, zacc_h, sum_out, deg_out,
            src_v, dst_v, rows_v, deg_v, acc_sh, gs0, gs1, ss0, ss1,
            is0, is1):
        c = lax.axis_index("c")
        s = lax.axis_index("s")
        row0 = s * ROWS_PER_TILE
        ones16 = jnp.ones((16,), jnp.float32)
        gsems = (gs0, gs1)
        ssems = (ss0, ss1)

        def start_gather(sl, i, b):
            pltpu.async_copy(xp.at[src_v.at[sl, pl.ds(i * CHUNK, CHUNK)]],
                             rows_v.at[b], gsems[b])

        def wait_gather(b):
            pltpu.make_async_copy(
                xp.at[src_v.at[0, pl.ds(0, CHUNK)]], rows_v.at[b],
                gsems[b]).wait()

        def fixup_src(sl):
            @pl.when(c == 1)
            def _():
                @pl.loop(0, BLK_CHUNKS * CHUNK // 16)
                def _(k):
                    sl16 = (sl, pl.ds(k * 16, 16))
                    src_v[sl16] = src_v[sl16] + 1

        def start_scatter(sl, i, b):
            pltpu.async_copy(
                rows_v.at[b],
                acc_sh.at[dst_v.at[sl, pl.ds(i * CHUNK, CHUNK)]],
                ssems[b], add=True)

        def wait_scatter(b):
            pltpu.make_async_copy(
                rows_v.at[b], acc_sh.at[dst_v.at[0, pl.ds(0, CHUNK)]],
                ssems[b]).wait()

        blk_len = BLK_CHUNKS * CHUNK

        def start_idx_load(blk, sl):
            off = (s * NUM_BLKS + blk) * blk_len
            pltpu.async_copy(srcs_h.at[pl.ds(off, blk_len)],
                             src_v.at[sl], is0)
            pltpu.async_copy(dsts_h.at[pl.ds(off, blk_len)],
                             dst_v.at[sl], is1)

        def wait_idx_load():
            pltpu.make_async_copy(
                srcs_h.at[pl.ds(0, blk_len)], src_v.at[0], is0).wait()
            pltpu.make_async_copy(
                dsts_h.at[pl.ds(0, blk_len)], dst_v.at[0], is1).wait()

        pltpu.sync_copy(zacc_h, acc_sh.at[pl.ds(row0, ROWS_PER_TILE)])

        @pl.when(c == 0)
        def _():
            @pl.loop(0, N_PAD // 16)
            def _(i):
                deg_v[pl.ds(i * 16, 16)] = jnp.zeros((16,), jnp.float32)

        plsc.subcore_barrier()

        off0 = s * NUM_BLKS * blk_len
        pltpu.sync_copy(srcs_h.at[pl.ds(off0, blk_len)], src_v.at[0])
        pltpu.sync_copy(dsts_h.at[pl.ds(off0, blk_len)], dst_v.at[0])
        fixup_src(0)
        start_gather(0, 0, 0)

        @pl.loop(0, NUM_BLKS, step=2)
        def _(blk0):
            for u in (0, 1):
                for i in range(BLK_CHUNKS):
                    b = i % 2
                    wait_gather(b)
                    if i == 2:
                        if u == 0:
                            start_idx_load(blk0 + 1, 1)
                        else:
                            @pl.when(blk0 < NUM_BLKS - 2)
                            def _():
                                start_idx_load(blk0 + 2, 0)
                    if i < BLK_CHUNKS - 1:
                        if u == 0 and i == 0:
                            @pl.when(blk0 > 0)
                            def _():
                                wait_scatter(1)
                        else:
                            wait_scatter(1 - b)
                        start_gather(u, i + 1, 1 - b)
                    else:
                        if u == 0:
                            wait_idx_load()
                            fixup_src(1)
                            wait_scatter(1 - b)
                            start_gather(1, 0, 1 - b)
                        else:
                            @pl.when(blk0 < NUM_BLKS - 2)
                            def _():
                                wait_idx_load()
                                fixup_src(0)
                                wait_scatter(1 - b)
                                start_gather(0, 0, 1 - b)
                    start_scatter(u, i, b)

                    @pl.when(c == 0)
                    def _():
                        @pl.loop(0, CHUNK // 16)
                        def _(k):
                            idx = dst_v[u, pl.ds(i * CHUNK + k * 16, 16)]
                            plsc.addupdate_scatter(deg_v, [idx], ones16)

        wait_scatter(0)
        wait_scatter(1)

        @pl.when(c == 0)
        def _():
            pltpu.sync_copy(deg_v, deg_out.at[s])

        plsc.subcore_barrier()

        pltpu.sync_copy(acc_sh.at[pl.ds(row0, ROWS_PER_TILE)],
                        sum_out.at[c, pl.ds(row0, ROWS_PER_TILE)])

    return agg(x_pair, srcs, dsts, zacc)


def _tc_root_body(x_ref, wrT_ref, b_ref, o_ref):
    dn = (((1,), (0,)), ((), ()))
    o_ref[...] = lax.dot_general(
        x_ref[...], wrT_ref[...], dn,
        preferred_element_type=jnp.float32) + b_ref[...]


def _tc_root(x, wrT, b2):
    return pl.pallas_call(
        _tc_root_body,
        grid=(N // BLK,),
        in_specs=[
            pl.BlockSpec((BLK, D), lambda i: (i, 0)),
            pl.BlockSpec((D, D), lambda i: (0, 0)),
            pl.BlockSpec((1, D), lambda i: (0, 0)),
        ],
        out_specs=pl.BlockSpec((BLK, D), lambda i: (i, 0)),
        out_shape=jax.ShapeDtypeStruct((N, D), jnp.float32),
    )(x, wrT, b2)


def _tc_body(s_ref, d_ref, yr_ref, wlT_ref, o_ref):
    deg = jnp.sum(d_ref[...], axis=1).reshape(BLK, 1)
    inv = 1.0 / jnp.maximum(deg, 1.0)
    mlo = s_ref[0] * inv
    mhi = s_ref[1] * inv
    wlT = wlT_ref[...]
    dn = (((1,), (0,)), ((), ()))
    out = lax.dot_general(mlo, wlT[:DH, :], dn,
                          preferred_element_type=jnp.float32)
    out += lax.dot_general(mhi, wlT[DH:, :], dn,
                           preferred_element_type=jnp.float32)
    o_ref[...] = out + yr_ref[...]


def _tc_finish(summed, deg16, y_r, wlT):
    return pl.pallas_call(
        _tc_body,
        grid=(N // BLK,),
        in_specs=[
            pl.BlockSpec((NUM_SC, BLK, DH), lambda i: (0, i, 0)),
            pl.BlockSpec((BLK, NUM_TILES), lambda i: (i, 0)),
            pl.BlockSpec((BLK, D), lambda i: (i, 0)),
            pl.BlockSpec((D, D), lambda i: (0, 0)),
        ],
        out_specs=pl.BlockSpec((BLK, D), lambda i: (i, 0)),
        out_shape=jax.ShapeDtypeStruct((N, D), jnp.float32),
    )(summed, deg16, y_r, wlT)


def kernel(x, edge_index, W_l, b_l, W_r):
    src = edge_index[0].astype(jnp.int32)
    dst = edge_index[1].astype(jnp.int32)

    x_pair = x.reshape(2 * N, DH)

    pad = E_PAD - E
    pad_src = (jnp.arange(pad, dtype=jnp.int32) * 97) % N
    pad_dst = N + (jnp.arange(pad, dtype=jnp.int32) % (N_PAD - N))
    srcs = jnp.concatenate([src, pad_src]) * 2
    dsts = jnp.concatenate([dst, pad_dst])
    zacc = jnp.zeros((ROWS_PER_TILE, DH), jnp.float32)

    y_r = _tc_root(x, W_r.T, b_l.reshape(1, D))
    summed, deg16 = _sc_aggregate(x_pair, srcs, dsts, zacc)
    deg16 = deg16.T

    return _tc_finish(summed, deg16, y_r, W_l.T)

# --- scband reference (transcript-rebuilt; emitter-appended) ---
"""Pipeline reference for scband-sagelayer2-41240275976353 (READ-ONLY COPY).

The authoritative reference and input builder live on the scoring server;
editing this copy changes nothing except your own understanding.
"""

import jax, jax.numpy as jnp
import numpy as np

N = 10000
E = 160000
D_IN = 256
D_OUT = 256


def setup_inputs(seed: int = 0) -> dict:
    key = jax.random.key(seed)
    k1, k2, k3, k4 = jax.random.split(key, 4)
    x = jax.random.normal(k1, (N, D_IN), dtype=jnp.float32)
    edge_index = jax.random.randint(k2, (2, E), 0, N, dtype=jnp.int32)
    # SAGEConv parameters (PyG default: mean aggregation, root_weight=True)
    # lin_l: applied to aggregated neighbor features (has bias)
    # lin_r: applied to root/self features (no bias)
    W_l = jax.random.normal(k3, (D_OUT, D_IN), dtype=jnp.float32) * 0.05
    b_l = jnp.zeros((D_OUT,), dtype=jnp.float32)
    W_r = jax.random.normal(k4, (D_OUT, D_IN), dtype=jnp.float32) * 0.05
    return {"x": x, "edge_index": edge_index, "W_l": W_l, "b_l": b_l, "W_r": W_r}


def reference(x, edge_index, W_l, b_l, W_r):
    # SAGEConv forward: out = lin_l(mean_{j in N(i)} x_j) + lin_r(x_i)
    src = edge_index[0]
    dst = edge_index[1]
    msgs = x[src]  # gather neighbor features, [E, D_IN]
    summed = jax.ops.segment_sum(msgs, dst, num_segments=N)  # scatter-add by dst
    deg = jax.ops.segment_sum(jnp.ones((E,), dtype=x.dtype), dst, num_segments=N)
    mean_agg = summed / jnp.clip(deg, 1.0, None)[:, None]
    out = mean_agg @ W_l.T + b_l + x @ W_r.T
    return out

if __name__ == "__main__":
    import jax
    _d = setup_inputs()
    print(jax.jit(kernel)(*tuple(_d.values())))

</pallas_src>

<mosaic_0001>
#map = affine_map<(d0, d1) -> (0, 0)>
#map1 = affine_map<(d0, d1) -> (0)>
#map2 = affine_map<(d0, d1) -> (0, 0, 0)>
module attributes {stable_mosaic.version = 14 : i64} {
  func.func @agg(%arg0: i32, %arg1: i32, %arg2: memref<20000x128xf32, #tpu.memory_space<hbm>>, %arg3: memref<163840xi32, #tpu.memory_space<hbm>>, %arg4: memref<163840xi32, #tpu.memory_space<hbm>>, %arg5: memref<632x128xf32, #tpu.memory_space<hbm>>, %arg6: memref<2x10112x128xf32, #tpu.memory_space<hbm>>, %arg7: memref<16x10112xf32, #tpu.memory_space<hbm>>, %arg8: memref<2x1024xi32, #tpu.memory_space<vmem>>, %arg9: memref<2x1024xi32, #tpu.memory_space<vmem>>, %arg10: memref<2x128x128xf32, #tpu.memory_space<vmem>>, %arg11: memref<10112xf32, #tpu.memory_space<vmem>>, %arg12: memref<10112x128xf32, #tpu.memory_space<vmem_shared>>, %arg13: memref<!tpu.dma_semaphore, #tpu.memory_space<semaphore_mem>>, %arg14: memref<!tpu.dma_semaphore, #tpu.memory_space<semaphore_mem>>, %arg15: memref<!tpu.dma_semaphore, #tpu.memory_space<semaphore_mem>>, %arg16: memref<!tpu.dma_semaphore, #tpu.memory_space<semaphore_mem>>, %arg17: memref<!tpu.dma_semaphore, #tpu.memory_space<semaphore_mem>>, %arg18: memref<!tpu.dma_semaphore, #tpu.memory_space<semaphore_mem>>) attributes {dimension_semantics = [#tpu.dimension_semantics<core_parallel>, #tpu.dimension_semantics<subcore_parallel>], iteration_bounds = array<i64: 2, 16>, scalar_prefetch = 0 : i64, scratch_operands = 11 : i64, tpu.core_type = #tpu.core_type<sc_vector_subcore>, window_params = [{transform_indices = #map}, {transform_indices = #map1}, {transform_indices = #map1}, {transform_indices = #map}, {transform_indices = #map2}, {transform_indices = #map}]} {
    %mul3A = arith.constant 632 : i32
    %mul3A_0 = arith.muli %arg1, %mul3A : i32
    %broadcast_in_dim3A = arith.constant 1.000000e+00 : f32
    %broadcast_in_dim3A_1 = vector.broadcast %broadcast_in_dim3A : f32 to vector<16xf32>
    "tpu.region"() ({
      %run_scoped3A_58 = tpu.sem_alloc : memref<!tpu.dma_semaphore, #tpu.memory_space<semaphore_mem>>
      %dma_start3A_59 = arith.constant 0 : i32
      %dma_start3A_60 = tpu.memref_slice %arg12[%mul3A_0, %dma_start3A_59] : memref<10112x128xf32, #tpu.memory_space<vmem_shared>> -> memref<632x128xf32, #tpu.memory_space<vmem_shared>>
      tpu.enqueue_dma source(%arg5 : memref<632x128xf32, #tpu.memory_space<hbm>>) target(%dma_start3A_60 : memref<632x128xf32, #tpu.memory_space<vmem_shared>>) target_semaphore(%run_scoped3A_58 : memref<!tpu.dma_semaphore, #tpu.memory_space<semaphore_mem>>)
      %dma_wait3A_61 = arith.constant 0 : i32
      %dma_wait3A_62 = tpu.memref_slice %arg12[%mul3A_0, %dma_wait3A_61] : memref<10112x128xf32, #tpu.memory_space<vmem_shared>> -> memref<632x128xf32, #tpu.memory_space<vmem_shared>>
      tpu.wait_dma2 semaphore(%run_scoped3A_58 : memref<!tpu.dma_semaphore, #tpu.memory_space<semaphore_mem>>) src(%arg5 : memref<632x128xf32, #tpu.memory_space<hbm>>) dst(%dma_wait3A_62 : memref<632x128xf32, #tpu.memory_space<vmem_shared>>)
      tpu.yield
    }) : () -> ()
    %eq3A = arith.constant 0 : i32
    %eq3A_2 = arith.cmpi eq, %arg0, %eq3A : i32
    %convert_element_type3A = arith.extui %eq3A_2 : i1 to i32
    %cond3A = arith.constant 0 : i32
    %cond3A_3 = arith.cmpi ne, %convert_element_type3A, %cond3A : i32
    scf.if %cond3A_3 {
      %scan3A_58 = arith.constant 0 : i32
      %scan3A_59 = arith.constant 632 : i32
      %scan3A_60 = arith.addi %scan3A_58, %scan3A_59 : i32
      %scan3A_61 = arith.constant 1 : i32
      scf.for %scan3A_63 = %scan3A_58 to %scan3A_60 step %scan3A_61  : i32 {
        %mul3A_64 = arith.constant 1 : i32
        %mul3A_65 = arith.muli %scan3A_63, %mul3A_64 : i32
        %add3A = arith.constant 0 : i32
        %add3A_66 = arith.addi %add3A, %mul3A_65 : i32
        %broadcast_in_dim3A_67 = arith.constant 0.000000e+00 : f32
        %broadcast_in_dim3A_68 = vector.broadcast %broadcast_in_dim3A_67 : f32 to vector<16xf32>
        %mul3A_69 = arith.constant 16 : i32
        %mul3A_70 = arith.muli %add3A_66, %mul3A_69 : i32
        %swap3A = arith.index_cast %mul3A_70 : i32 to index
        %swap3A_71 = tpu.vector_load %arg11[%swap3A] {strides = array<i32>} : memref<10112xf32, #tpu.memory_space<vmem>>, vector<16xf32>,
        tpu.vector_store %arg11[%swap3A], %broadcast_in_dim3A_68 {strides = array<i32>} : memref<10112xf32, #tpu.memory_space<vmem>>, vector<16xf32>,
      }
      %scan3A_62 = arith.constant 632 : i32
    } else {
    }
    %barrier3A = arith.constant 0 : index
    tpu.barrier barrier_id(%barrier3A)
    %mul3A_4 = arith.constant 10 : i32
    %mul3A_5 = arith.muli %arg1, %mul3A_4 : i32
    %mul3A_6 = arith.constant 1024 : i32
    %mul3A_7 = arith.muli %mul3A_5, %mul3A_6 : i32
    %run_scoped3A = arith.constant 0 : i32
    "tpu.region"() ({
      %run_scoped3A_58 = tpu.sem_alloc : memref<!tpu.dma_semaphore, #tpu.memory_space<semaphore_mem>>
      %dma_start3A_59 = arith.constant 0 : i32
      %dma_start3A_60 = tpu.memref_slice %arg8[%run_scoped3A, %dma_start3A_59] : memref<2x1024xi32, #tpu.memory_space<vmem>> -> memref<1x1024xi32, #tpu.memory_space<vmem>>
      %dma_start3A_61 = tpu.memref_squeeze %dma_start3A_60 : memref<1x1024xi32, #tpu.memory_space<vmem>> -> memref<1024xi32, #tpu.memory_space<vmem>>
      %dma_start3A_62 = tpu.memref_slice %arg3[%mul3A_7] : memref<163840xi32, #tpu.memory_space<hbm>> -> memref<1024xi32, #tpu.memory_space<hbm>>
      %dma_start3A_63 = arith.constant 0 : i32
      %dma_start3A_64 = tpu.memref_slice %arg8[%run_scoped3A, %dma_start3A_63] : memref<2x1024xi32, #tpu.memory_space<vmem>> -> memref<1x1024xi32, #tpu.memory_space<vmem>>
      %dma_start3A_65 = tpu.memref_squeeze %dma_start3A_64 : memref<1x1024xi32, #tpu.memory_space<vmem>> -> memref<1024xi32, #tpu.memory_space<vmem>>
      %dma_start3A_66 = tpu.memref_slice %arg3[%mul3A_7] : memref<163840xi32, #tpu.memory_space<hbm>> -> memref<1024xi32, #tpu.memory_space<hbm>>
      tpu.enqueue_dma source(%dma_start3A_66 : memref<1024xi32, #tpu.memory_space<hbm>>) target(%dma_start3A_65 : memref<1024xi32, #tpu.memory_space<vmem>>) target_semaphore(%run_scoped3A_58 : memref<!tpu.dma_semaphore, #tpu.memory_space<semaphore_mem>>)
      %dma_wait3A_67 = arith.constant 0 : i32
      %dma_wait3A_68 = tpu.memref_slice %arg8[%run_scoped3A, %dma_wait3A_67] : memref<2x1024xi32, #tpu.memory_space<vmem>> -> memref<1x1024xi32, #tpu.memory_space<vmem>>
      %dma_wait3A_69 = tpu.memref_squeeze %dma_wait3A_68 : memref<1x1024xi32, #tpu.memory_space<vmem>> -> memref<1024xi32, #tpu.memory_space<vmem>>
      %dma_wait3A_70 = tpu.memref_slice %arg3[%mul3A_7] : memref<163840xi32, #tpu.memory_space<hbm>> -> memref<1024xi32, #tpu.memory_space<hbm>>
      %dma_wait3A_71 = arith.constant 0 : i32
      %dma_wait3A_72 = tpu.memref_slice %arg8[%run_scoped3A, %dma_wait3A_71] : memref<2x1024xi32, #tpu.memory_space<vmem>> -> memref<1x1024xi32, #tpu.memory_space<vmem>>
      %dma_wait3A_73 = tpu.memref_squeeze %dma_wait3A_72 : memref<1x1024xi32, #tpu.memory_space<vmem>> -> memref<1024xi32, #tpu.memory_space<vmem>>
      %dma_wait3A_74 = tpu.memref_slice %arg3[%mul3A_7] : memref<163840xi32, #tpu.memory_space<hbm>> -> memref<1024xi32, #tpu.memory_space<hbm>>
      tpu.wait_dma2 semaphore(%run_scoped3A_58 : memref<!tpu.dma_semaphore, #tpu.memory_space<semaphore_mem>>) src(%dma_wait3A_74 : memref<1024xi32, #tpu.memory_space<hbm>>) dst(%dma_wait3A_73 : memref<1024xi32, #tpu.memory_space<vmem>>)
      tpu.yield
    }) : () -> ()
    %run_scoped3A_8 = arith.constant 0 : i32
    "tpu.region"() ({
      %run_scoped3A_58 = tpu.sem_alloc : memref<!tpu.dma_semaphore, #tpu.memory_space<semaphore_mem>>
      %dma_start3A_59 = arith.constant 0 : i32
      %dma_start3A_60 = tpu.memref_slice %arg9[%run_scoped3A_8, %dma_start3A_59] : memref<2x1024xi32, #tpu.memory_space<vmem>> -> memref<1x1024xi32, #tpu.memory_space<vmem>>
      %dma_start3A_61 = tpu.memref_squeeze %dma_start3A_60 : memref<1x1024xi32, #tpu.memory_space<vmem>> -> memref<1024xi32, #tpu.memory_space<vmem>>
      %dma_start3A_62 = tpu.memref_slice %arg4[%mul3A_7] : memref<163840xi32, #tpu.memory_space<hbm>> -> memref<1024xi32, #tpu.memory_space<hbm>>
      %dma_start3A_63 = arith.constant 0 : i32
      %dma_start3A_64 = tpu.memref_slice %arg9[%run_scoped3A_8, %dma_start3A_63] : memref<2x1024xi32, #tpu.memory_space<vmem>> -> memref<1x1024xi32, #tpu.memory_space<vmem>>
      %dma_start3A_65 = tpu.memref_squeeze %dma_start3A_64 : memref<1x1024xi32, #tpu.memory_space<vmem>> -> memref<1024xi32, #tpu.memory_space<vmem>>
      %dma_start3A_66 = tpu.memref_slice %arg4[%mul3A_7] : memref<163840xi32, #tpu.memory_space<hbm>> -> memref<1024xi32, #tpu.memory_space<hbm>>
      tpu.enqueue_dma source(%dma_start3A_66 : memref<1024xi32, #tpu.memory_space<hbm>>) target(%dma_start3A_65 : memref<1024xi32, #tpu.memory_space<vmem>>) target_semaphore(%run_scoped3A_58 : memref<!tpu.dma_semaphore, #tpu.memory_space<semaphore_mem>>)
      %dma_wait3A_67 = arith.constant 0 : i32
      %dma_wait3A_68 = tpu.memref_slice %arg9[%run_scoped3A_8, %dma_wait3A_67] : memref<2x1024xi32, #tpu.memory_space<vmem>> -> memref<1x1024xi32, #tpu.memory_space<vmem>>
      %dma_wait3A_69 = tpu.memref_squeeze %dma_wait3A_68 : memref<1x1024xi32, #tpu.memory_space<vmem>> -> memref<1024xi32, #tpu.memory_space<vmem>>
      %dma_wait3A_70 = tpu.memref_slice %arg4[%mul3A_7] : memref<163840xi32, #tpu.memory_space<hbm>> -> memref<1024xi32, #tpu.memory_space<hbm>>
      %dma_wait3A_71 = arith.constant 0 : i32
      %dma_wait3A_72 = tpu.memref_slice %arg9[%run_scoped3A_8, %dma_wait3A_71] : memref<2x1024xi32, #tpu.memory_space<vmem>> -> memref<1x1024xi32, #tpu.memory_space<vmem>>
      %dma_wait3A_73 = tpu.memref_squeeze %dma_wait3A_72 : memref<1x1024xi32, #tpu.memory_space<vmem>> -> memref<1024xi32, #tpu.memory_space<vmem>>
      %dma_wait3A_74 = tpu.memref_slice %arg4[%mul3A_7] : memref<163840xi32, #tpu.memory_space<hbm>> -> memref<1024xi32, #tpu.memory_space<hbm>>
      tpu.wait_dma2 semaphore(%run_scoped3A_58 : memref<!tpu.dma_semaphore, #tpu.memory_space<semaphore_mem>>) src(%dma_wait3A_74 : memref<1024xi32, #tpu.memory_space<hbm>>) dst(%dma_wait3A_73 : memref<1024xi32, #tpu.memory_space<vmem>>)
      tpu.yield
    }) : () -> ()
    %eq3A_9 = arith.constant 1 : i32
    %eq3A_10 = arith.cmpi eq, %arg0, %eq3A_9 : i32
    %convert_element_type3A_11 = arith.extui %eq3A_10 : i1 to i32
    %cond3A_12 = arith.constant 0 : i32
    %cond3A_13 = arith.cmpi ne, %convert_element_type3A_11, %cond3A_12 : i32
    scf.if %cond3A_13 {
      %scan3A_58 = arith.constant 0 : i32
      %scan3A_59 = arith.constant 64 : i32
      %scan3A_60 = arith.addi %scan3A_58, %scan3A_59 : i32
      %scan3A_61 = arith.constant 1 : i32
      scf.for %scan3A_63 = %scan3A_58 to %scan3A_60 step %scan3A_61  : i32 {
        %mul3A_64 = arith.constant 1 : i32
        %mul3A_65 = arith.muli %scan3A_63, %mul3A_64 : i32
        %add3A = arith.constant 0 : i32
        %add3A_66 = arith.addi %add3A, %mul3A_65 : i32
        %mul3A_67 = arith.constant 16 : i32
        %mul3A_68 = arith.muli %add3A_66, %mul3A_67 : i32
        %get3A = arith.constant 0 : i32
        %get3A_69 = arith.index_cast %get3A : i32 to index
        %get3A_70 = arith.index_cast %mul3A_68 : i32 to index
        %get3A_71 = tpu.vector_load %arg8[%get3A_69, %get3A_70] {strides = array<i32>} : memref<2x1024xi32, #tpu.memory_space<vmem>>, vector<16xi32>,
        %add3A_72 = arith.constant 1 : i32
        %add3A_73 = vector.broadcast %add3A_72 : i32 to vector<16xi32>
        %add3A_74 = arith.addi %get3A_71, %add3A_73 : vector<16xi32>
        %swap3A = arith.constant 0 : i32
        %swap3A_75 = arith.index_cast %swap3A : i32 to index
        %swap3A_76 = arith.index_cast %mul3A_68 : i32 to index
        %swap3A_77 = tpu.vector_load %arg8[%swap3A_75, %swap3A_76] {strides = array<i32>} : memref<2x1024xi32, #tpu.memory_space<vmem>>, vector<16xi32>,
        tpu.vector_store %arg8[%swap3A_75, %swap3A_76], %add3A_74 {strides = array<i32>} : memref<2x1024xi32, #tpu.memory_space<vmem>>, vector<16xi32>,
      }
      %scan3A_62 = arith.constant 64 : i32
    } else {
    }
    %dma_start3A = arith.constant 0 : i32
    %dma_start3A_14 = arith.constant 0 : i32
    %dma_start3A_15 = arith.constant 0 : i32
    %dma_start3A_16 = arith.constant 0 : i32
    %dma_start3A_17 = tpu.memref_slice %arg10[%dma_start3A_14, %dma_start3A_15, %dma_start3A_16] : memref<2x128x128xf32, #tpu.memory_space<vmem>> -> memref<1x128x128xf32, #tpu.memory_space<vmem>>
    %dma_start3A_18 = tpu.memref_squeeze %dma_start3A_17 : memref<1x128x128xf32, #tpu.memory_space<vmem>> -> memref<128x128xf32, #tpu.memory_space<vmem>>
    %dma_start3A_19 = arith.constant 0 : i32
    %dma_start3A_20 = tpu.memref_slice %arg8[%dma_start3A, %dma_start3A_19] : memref<2x1024xi32, #tpu.memory_space<vmem>> -> memref<1x128xi32, #tpu.memory_space<vmem>>
    %dma_start3A_21 = tpu.memref_squeeze %dma_start3A_20 : memref<1x128xi32, #tpu.memory_space<vmem>> -> memref<128xi32, #tpu.memory_space<vmem>>
    %dma_start3A_22 = arith.constant 0 : i32
    %dma_start3A_23 = arith.constant 0 : i32
    %dma_start3A_24 = tpu.memref_slice %arg2[%dma_start3A_22, %dma_start3A_23] : memref<20000x128xf32, #tpu.memory_space<hbm>> -> memref<20000x128xf32, #tpu.memory_space<hbm>>
    tpu.enqueue_indirect_dma source(%dma_start3A_24 : memref<20000x128xf32, #tpu.memory_space<hbm>>) target(%dma_start3A_18 : memref<128x128xf32, #tpu.memory_space<vmem>>) offsets(%dma_start3A_21 : memref<128xi32, #tpu.memory_space<vmem>>) semaphore(%arg13 : memref<!tpu.dma_semaphore, #tpu.memory_space<semaphore_mem>>)
    %scan3A = arith.constant 0 : i32
    %scan3A_25 = arith.constant 5 : i32
    %scan3A_26 = arith.addi %scan3A, %scan3A_25 : i32
    %scan3A_27 = arith.constant 1 : i32
    scf.for %scan3A_58 = %scan3A to %scan3A_26 step %scan3A_27  : i32 {
      %mul3A_59 = arith.constant 2 : i32
      %mul3A_60 = arith.muli %scan3A_58, %mul3A_59 : i32
      %add3A = arith.constant 0 : i32
      %add3A_61 = arith.addi %add3A, %mul3A_60 : i32
      %dma_wait3A_62 = arith.constant 0 : i32
      %dma_wait3A_63 = arith.constant 0 : i32
      %dma_wait3A_64 = arith.constant 0 : i32
      %dma_wait3A_65 = arith.constant 0 : i32
      %dma_wait3A_66 = tpu.memref_slice %arg10[%dma_wait3A_63, %dma_wait3A_64, %dma_wait3A_65] : memref<2x128x128xf32, #tpu.memory_space<vmem>> -> memref<1x128x128xf32, #tpu.memory_space<vmem>>
      %dma_wait3A_67 = tpu.memref_squeeze %dma_wait3A_66 : memref<1x128x128xf32, #tpu.memory_space<vmem>> -> memref<128x128xf32, #tpu.memory_space<vmem>>
      %dma_wait3A_68 = arith.constant 0 : i32
      %dma_wait3A_69 = tpu.memref_slice %arg8[%dma_wait3A_62, %dma_wait3A_68] : memref<2x1024xi32, #tpu.memory_space<vmem>> -> memref<1x128xi32, #tpu.memory_space<vmem>>
      %dma_wait3A_70 = tpu.memref_squeeze %dma_wait3A_69 : memref<1x128xi32, #tpu.memory_space<vmem>> -> memref<128xi32, #tpu.memory_space<vmem>>
      %dma_wait3A_71 = arith.constant 0 : i32
      %dma_wait3A_72 = arith.constant 0 : i32
      %dma_wait3A_73 = tpu.memref_slice %arg2[%dma_wait3A_71, %dma_wait3A_72] : memref<20000x128xf32, #tpu.memory_space<hbm>> -> memref<20000x128xf32, #tpu.memory_space<hbm>>
      tpu.wait_indirect_dma semaphore(%arg13 : memref<!tpu.dma_semaphore, #tpu.memory_space<semaphore_mem>>) src(%dma_wait3A_73 : memref<20000x128xf32, #tpu.memory_space<hbm>>) dst(%dma_wait3A_67 : memref<128x128xf32, #tpu.memory_space<vmem>>)
      %gt3A = arith.constant 0 : i32
      %gt3A_74 = arith.cmpi sgt, %add3A_61, %gt3A : i32
      %convert_element_type3A_75 = arith.extui %gt3A_74 : i1 to i32
      %cond3A_76 = arith.constant 0 : i32
      %cond3A_77 = arith.cmpi ne, %convert_element_type3A_75, %cond3A_76 : i32
      scf.if %cond3A_77 {
        %dma_wait3A_939 = arith.constant 1 : i32
        %dma_wait3A_940 = arith.constant 0 : i32
        %dma_wait3A_941 = arith.constant 0 : i32
        %dma_wait3A_942 = arith.constant 0 : i32
        %dma_wait3A_943 = tpu.memref_slice %arg10[%dma_wait3A_939, %dma_wait3A_941, %dma_wait3A_942] : memref<2x128x128xf32, #tpu.memory_space<vmem>> -> memref<1x128x128xf32, #tpu.memory_space<vmem>>
        %dma_wait3A_944 = tpu.memref_squeeze %dma_wait3A_943 : memref<1x128x128xf32, #tpu.memory_space<vmem>> -> memref<128x128xf32, #tpu.memory_space<vmem>>
        %dma_wait3A_945 = arith.constant 0 : i32
        %dma_wait3A_946 = tpu.memref_slice %arg9[%dma_wait3A_940, %dma_wait3A_945] : memref<2x1024xi32, #tpu.memory_space<vmem>> -> memref<1x128xi32, #tpu.memory_space<vmem>>
        %dma_wait3A_947 = tpu.memref_squeeze %dma_wait3A_946 : memref<1x128xi32, #tpu.memory_space<vmem>> -> memref<128xi32, #tpu.memory_space<vmem>>
        %dma_wait3A_948 = arith.constant 0 : i32
        %dma_wait3A_949 = arith.constant 0 : i32
        %dma_wait3A_950 = tpu.memref_slice %arg12[%dma_wait3A_948, %dma_wait3A_949] : memref<10112x128xf32, #tpu.memory_space<vmem_shared>> -> memref<10112x128xf32, #tpu.memory_space<vmem_shared>>
        tpu.wait_indirect_dma semaphore(%arg16 : memref<!tpu.dma_semaphore, #tpu.memory_space<semaphore_mem>>) src(%dma_wait3A_944 : memref<128x128xf32, #tpu.memory_space<vmem>>) dst(%dma_wait3A_950 : memref<10112x128xf32, #tpu.memory_space<vmem_shared>>)
      } else {
      }
      %dma_start3A_78 = arith.constant 0 : i32
      %dma_start3A_79 = arith.constant 1 : i32
      %dma_start3A_80 = arith.constant 0 : i32
      %dma_start3A_81 = arith.constant 0 : i32
      %dma_start3A_82 = tpu.memref_slice %arg10[%dma_start3A_79, %dma_start3A_80, %dma_start3A_81] : memref<2x128x128xf32, #tpu.memory_space<vmem>> -> memref<1x128x128xf32, #tpu.memory_space<vmem>>
      %dma_start3A_83 = tpu.memref_squeeze %dma_start3A_82 : memref<1x128x128xf32, #tpu.memory_space<vmem>> -> memref<128x128xf32, #tpu.memory_space<vmem>>
      %dma_start3A_84 = arith.constant 128 : i32
      %dma_start3A_85 = tpu.memref_slice %arg8[%dma_start3A_78, %dma_start3A_84] : memref<2x1024xi32, #tpu.memory_space<vmem>> -> memref<1x128xi32, #tpu.memory_space<vmem>>
      %dma_start3A_86 = tpu.memref_squeeze %dma_start3A_85 : memref<1x128xi32, #tpu.memory_space<vmem>> -> memref<128xi32, #tpu.memory_space<vmem>>
      %dma_start3A_87 = arith.constant 0 : i32
      %dma_start3A_88 = arith.constant 0 : i32
      %dma_start3A_89 = tpu.memref_slice %arg2[%dma_start3A_87, %dma_start3A_88] : memref<20000x128xf32, #tpu.memory_space<hbm>> -> memref<20000x128xf32, #tpu.memory_space<hbm>>
      tpu.enqueue_indirect_dma source(%dma_start3A_89 : memref<20000x128xf32, #tpu.memory_space<hbm>>) target(%dma_start3A_83 : memref<128x128xf32, #tpu.memory_space<vmem>>) offsets(%dma_start3A_86 : memref<128xi32, #tpu.memory_space<vmem>>) semaphore(%arg14 : memref<!tpu.dma_semaphore, #tpu.memory_space<semaphore_mem>>)
      %dma_start3A_90 = arith.constant 0 : i32
      %dma_start3A_91 = arith.constant 0 : i32
      %dma_start3A_92 = arith.constant 0 : i32
      %dma_start3A_93 = arith.constant 0 : i32
      %dma_start3A_94 = tpu.memref_slice %arg10[%dma_start3A_90, %dma_start3A_92, %dma_start3A_93] : memref<2x128x128xf32, #tpu.memory_space<vmem>> -> memref<1x128x128xf32, #tpu.memory_space<vmem>>
      %dma_start3A_95 = tpu.memref_squeeze %dma_start3A_94 : memref<1x128x128xf32, #tpu.memory_space<vmem>> -> memref<128x128xf32, #tpu.memory_space<vmem>>
      %dma_start3A_96 = arith.constant 0 : i32
      %dma_start3A_97 = tpu.memref_slice %arg9[%dma_start3A_91, %dma_start3A_96] : memref<2x1024xi32, #tpu.memory_space<vmem>> -> memref<1x128xi32, #tpu.memory_space<vmem>>
      %dma_start3A_98 = tpu.memref_squeeze %dma_start3A_97 : memref<1x128xi32, #tpu.memory_space<vmem>> -> memref<128xi32, #tpu.memory_space<vmem>>
      %dma_start3A_99 = arith.constant 0 : i32
      %dma_start3A_100 = arith.constant 0 : i32
      %dma_start3A_101 = tpu.memref_slice %arg12[%dma_start3A_99, %dma_start3A_100] : memref<10112x128xf32, #tpu.memory_space<vmem_shared>> -> memref<10112x128xf32, #tpu.memory_space<vmem_shared>>
      tpu.enqueue_indirect_dma source(%dma_start3A_95 : memref<128x128xf32, #tpu.memory_space<vmem>>) target(%dma_start3A_101 : memref<10112x128xf32, #tpu.memory_space<vmem_shared>>) offsets(%dma_start3A_98 : memref<128xi32, #tpu.memory_space<vmem>>) semaphore(%arg15 : memref<!tpu.dma_semaphore, #tpu.memory_space<semaphore_mem>>) {add = true}
      %eq3A_102 = arith.constant 0 : i32
      %eq3A_103 = arith.cmpi eq, %arg0, %eq3A_102 : i32
      %convert_element_type3A_104 = arith.extui %eq3A_103 : i1 to i32
      %cond3A_105 = arith.constant 0 : i32
      %cond3A_106 = arith.cmpi ne, %convert_element_type3A_104, %cond3A_105 : i32
      scf.if %cond3A_106 {
        %scan3A_939 = arith.constant 0 : i32
        %scan3A_940 = arith.constant 8 : i32
        %scan3A_941 = arith.addi %scan3A_939, %scan3A_940 : i32
        %scan3A_942 = arith.constant 1 : i32
        scf.for %scan3A_944 = %scan3A_939 to %scan3A_941 step %scan3A_942  : i32 {
          %mul3A_945 = arith.constant 1 : i32
          %mul3A_946 = arith.muli %scan3A_944, %mul3A_945 : i32
          %add3A_947 = arith.constant 0 : i32
          %add3A_948 = arith.addi %add3A_947, %mul3A_946 : i32
          %mul3A_949 = arith.constant 16 : i32
          %mul3A_950 = arith.muli %add3A_948, %mul3A_949 : i32
          %add3A_951 = arith.constant 0 : i32
          %add3A_952 = arith.addi %add3A_951, %mul3A_950 : i32
          %get3A = arith.constant 0 : i32
          %get3A_953 = arith.index_cast %get3A : i32 to index
          %get3A_954 = arith.index_cast %add3A_952 : i32 to index
          %get3A_955 = tpu.vector_load %arg9[%get3A_953, %get3A_954] {strides = array<i32>} : memref<2x1024xi32, #tpu.memory_space<vmem>>, vector<16xi32>,
          tpu.vector_store_idx %arg11[%get3A_955], %broadcast_in_dim3A_1 {add = true} : memref<10112xf32, #tpu.memory_space<vmem>>[vector<16xi32>], vector<16xf32>,
        }
        %scan3A_943 = arith.constant 8 : i32
      } else {
      }
      %dma_wait3A_107 = arith.constant 0 : i32
      %dma_wait3A_108 = arith.constant 1 : i32
      %dma_wait3A_109 = arith.constant 0 : i32
      %dma_wait3A_110 = arith.constant 0 : i32
      %dma_wait3A_111 = tpu.memref_slice %arg10[%dma_wait3A_108, %dma_wait3A_109, %dma_wait3A_110] : memref<2x128x128xf32, #tpu.memory_space<vmem>> -> memref<1x128x128xf32, #tpu.memory_space<vmem>>
      %dma_wait3A_112 = tpu.memref_squeeze %dma_wait3A_111 : memref<1x128x128xf32, #tpu.memory_space<vmem>> -> memref<128x128xf32, #tpu.memory_space<vmem>>
      %dma_wait3A_113 = arith.constant 0 : i32
      %dma_wait3A_114 = tpu.memref_slice %arg8[%dma_wait3A_107, %dma_wait3A_113] : memref<2x1024xi32, #tpu.memory_space<vmem>> -> memref<1x128xi32, #tpu.memory_space<vmem>>
      %dma_wait3A_115 = tpu.memref_squeeze %dma_wait3A_114 : memref<1x128xi32, #tpu.memory_space<vmem>> -> memref<128xi32, #tpu.memory_space<vmem>>
      %dma_wait3A_116 = arith.constant 0 : i32
      %dma_wait3A_117 = arith.constant 0 : i32
      %dma_wait3A_118 = tpu.memref_slice %arg2[%dma_wait3A_116, %dma_wait3A_117] : memref<20000x128xf32, #tpu.memory_space<hbm>> -> memref<20000x128xf32, #tpu.memory_space<hbm>>
      tpu.wait_indirect_dma semaphore(%arg14 : memref<!tpu.dma_semaphore, #tpu.memory_space<semaphore_mem>>) src(%dma_wait3A_118 : memref<20000x128xf32, #tpu.memory_space<hbm>>) dst(%dma_wait3A_112 : memref<128x128xf32, #tpu.memory_space<vmem>>)
      %dma_wait3A_119 = arith.constant 0 : i32
      %dma_wait3A_120 = arith.constant 0 : i32
      %dma_wait3A_121 = arith.constant 0 : i32
      %dma_wait3A_122 = arith.constant 0 : i32
      %dma_wait3A_123 = tpu.memref_slice %arg10[%dma_wait3A_119, %dma_wait3A_121, %dma_wait3A_122] : memref<2x128x128xf32, #tpu.memory_space<vmem>> -> memref<1x128x128xf32, #tpu.memory_space<vmem>>
      %dma_wait3A_124 = tpu.memref_squeeze %dma_wait3A_123 : memref<1x128x128xf32, #tpu.memory_space<vmem>> -> memref<128x128xf32, #tpu.memory_space<vmem>>
      %dma_wait3A_125 = arith.constant 0 : i32
      %dma_wait3A_126 = tpu.memref_slice %arg9[%dma_wait3A_120, %dma_wait3A_125] : memref<2x1024xi32, #tpu.memory_space<vmem>> -> memref<1x128xi32, #tpu.memory_space<vmem>>
      %dma_wait3A_127 = tpu.memref_squeeze %dma_wait3A_126 : memref<1x128xi32, #tpu.memory_space<vmem>> -> memref<128xi32, #tpu.memory_space<vmem>>
      %dma_wait3A_128 = arith.constant 0 : i32
      %dma_wait3A_129 = arith.constant 0 : i32
      %dma_wait3A_130 = tpu.memref_slice %arg12[%dma_wait3A_128, %dma_wait3A_129] : memref<10112x128xf32, #tpu.memory_space<vmem_shared>> -> memref<10112x128xf32, #tpu.memory_space<vmem_shared>>
      tpu.wait_indirect_dma semaphore(%arg15 : memref<!tpu.dma_semaphore, #tpu.memory_space<semaphore_mem>>) src(%dma_wait3A_124 : memref<128x128xf32, #tpu.memory_space<vmem>>) dst(%dma_wait3A_130 : memref<10112x128xf32, #tpu.memory_space<vmem_shared>>)
      %dma_start3A_131 = arith.constant 0 : i32
      %dma_start3A_132 = arith.constant 0 : i32
      %dma_start3A_133 = arith.constant 0 : i32
      %dma_start3A_134 = arith.constant 0 : i32
      %dma_start3A_135 = tpu.memref_slice %arg10[%dma_start3A_132, %dma_start3A_133, %dma_start3A_134] : memref<2x128x128xf32, #tpu.memory_space<vmem>> -> memref<1x128x128xf32, #tpu.memory_space<vmem>>
      %dma_start3A_136 = tpu.memref_squeeze %dma_start3A_135 : memref<1x128x128xf32, #tpu.memory_space<vmem>> -> memref<128x128xf32, #tpu.memory_space<vmem>>
      %dma_start3A_137 = arith.constant 256 : i32
      %dma_start3A_138 = tpu.memref_slice %arg8[%dma_start3A_131, %dma_start3A_137] : memref<2x1024xi32, #tpu.memory_space<vmem>> -> memref<1x128xi32, #tpu.memory_space<vmem>>
      %dma_start3A_139 = tpu.memref_squeeze %dma_start3A_138 : memref<1x128xi32, #tpu.memory_space<vmem>> -> memref<128xi32, #tpu.memory_space<vmem>>
      %dma_start3A_140 = arith.constant 0 : i32
      %dma_start3A_141 = arith.constant 0 : i32
      %dma_start3A_142 = tpu.memref_slice %arg2[%dma_start3A_140, %dma_start3A_141] : memref<20000x128xf32, #tpu.memory_space<hbm>> -> memref<20000x128xf32, #tpu.memory_space<hbm>>
      tpu.enqueue_indirect_dma source(%dma_start3A_142 : memref<20000x128xf32, #tpu.memory_space<hbm>>) target(%dma_start3A_136 : memref<128x128xf32, #tpu.memory_space<vmem>>) offsets(%dma_start3A_139 : memref<128xi32, #tpu.memory_space<vmem>>) semaphore(%arg13 : memref<!tpu.dma_semaphore, #tpu.memory_space<semaphore_mem>>)
      %dma_start3A_143 = arith.constant 1 : i32
      %dma_start3A_144 = arith.constant 0 : i32
      %dma_start3A_145 = arith.constant 0 : i32
      %dma_start3A_146 = arith.constant 0 : i32
      %dma_start3A_147 = tpu.memref_slice %arg10[%dma_start3A_143, %dma_start3A_145, %dma_start3A_146] : memref<2x128x128xf32, #tpu.memory_space<vmem>> -> memref<1x128x128xf32, #tpu.memory_space<vmem>>
      %dma_start3A_148 = tpu.memref_squeeze %dma_start3A_147 : memref<1x128x128xf32, #tpu.memory_space<vmem>> -> memref<128x128xf32, #tpu.memory_space<vmem>>
      %dma_start3A_149 = arith.constant 128 : i32
      %dma_start3A_150 = tpu.memref_slice %arg9[%dma_start3A_144, %dma_start3A_149] : memref<2x1024xi32, #tpu.memory_space<vmem>> -> memref<1x128xi32, #tpu.memory_space<vmem>>
      %dma_start3A_151 = tpu.memref_squeeze %dma_start3A_150 : memref<1x128xi32, #tpu.memory_space<vmem>> -> memref<128xi32, #tpu.memory_space<vmem>>
      %dma_start3A_152 = arith.constant 0 : i32
      %dma_start3A_153 = arith.constant 0 : i32
      %dma_start3A_154 = tpu.memref_slice %arg12[%dma_start3A_152, %dma_start3A_153] : memref<10112x128xf32, #tpu.memory_space<vmem_shared>> -> memref<10112x128xf32, #tpu.memory_space<vmem_shared>>
      tpu.enqueue_indirect_dma source(%dma_start3A_148 : memref<128x128xf32, #tpu.memory_space<vmem>>) target(%dma_start3A_154 : memref<10112x128xf32, #tpu.memory_space<vmem_shared>>) offsets(%dma_start3A_151 : memref<128xi32, #tpu.memory_space<vmem>>) semaphore(%arg16 : memref<!tpu.dma_semaphore, #tpu.memory_space<semaphore_mem>>) {add = true}
      %eq3A_155 = arith.constant 0 : i32
      %eq3A_156 = arith.cmpi eq, %arg0, %eq3A_155 : i32
      %convert_element_type3A_157 = arith.extui %eq3A_156 : i1 to i32
      %cond3A_158 = arith.constant 0 : i32
      %cond3A_159 = arith.cmpi ne, %convert_element_type3A_157, %cond3A_158 : i32
      scf.if %cond3A_159 {
        %scan3A_939 = arith.constant 0 : i32
        %scan3A_940 = arith.constant 8 : i32
        %scan3A_941 = arith.addi %scan3A_939, %scan3A_940 : i32
        %scan3A_942 = arith.constant 1 : i32
        scf.for %scan3A_944 = %scan3A_939 to %scan3A_941 step %scan3A_942  : i32 {
          %mul3A_945 = arith.constant 1 : i32
          %mul3A_946 = arith.muli %scan3A_944, %mul3A_945 : i32
          %add3A_947 = arith.constant 0 : i32
          %add3A_948 = arith.addi %add3A_947, %mul3A_946 : i32
          %mul3A_949 = arith.constant 16 : i32
          %mul3A_950 = arith.muli %add3A_948, %mul3A_949 : i32
          %add3A_951 = arith.constant 128 : i32
          %add3A_952 = arith.addi %add3A_951, %mul3A_950 : i32
          %get3A = arith.constant 0 : i32
          %get3A_953 = arith.index_cast %get3A : i32 to index
          %get3A_954 = arith.index_cast %add3A_952 : i32 to index
          %get3A_955 = tpu.vector_load %arg9[%get3A_953, %get3A_954] {strides = array<i32>} : memref<2x1024xi32, #tpu.memory_space<vmem>>, vector<16xi32>,
          tpu.vector_store_idx %arg11[%get3A_955], %broadcast_in_dim3A_1 {add = true} : memref<10112xf32, #tpu.memory_space<vmem>>[vector<16xi32>], vector<16xf32>,
        }
        %scan3A_943 = arith.constant 8 : i32
      } else {
      }
      %dma_wait3A_160 = arith.constant 0 : i32
      %dma_wait3A_161 = arith.constant 0 : i32
      %dma_wait3A_162 = arith.constant 0 : i32
      %dma_wait3A_163 = arith.constant 0 : i32
      %dma_wait3A_164 = tpu.memref_slice %arg10[%dma_wait3A_161, %dma_wait3A_162, %dma_wait3A_163] : memref<2x128x128xf32, #tpu.memory_space<vmem>> -> memref<1x128x128xf32, #tpu.memory_space<vmem>>
      %dma_wait3A_165 = tpu.memref_squeeze %dma_wait3A_164 : memref<1x128x128xf32, #tpu.memory_space<vmem>> -> memref<128x128xf32, #tpu.memory_space<vmem>>
      %dma_wait3A_166 = arith.constant 0 : i32
      %dma_wait3A_167 = tpu.memref_slice %arg8[%dma_wait3A_160, %dma_wait3A_166] : memref<2x1024xi32, #tpu.memory_space<vmem>> -> memref<1x128xi32, #tpu.memory_space<vmem>>
      %dma_wait3A_168 = tpu.memref_squeeze %dma_wait3A_167 : memref<1x128xi32, #tpu.memory_space<vmem>> -> memref<128xi32, #tpu.memory_space<vmem>>
      %dma_wait3A_169 = arith.constant 0 : i32
      %dma_wait3A_170 = arith.constant 0 : i32
      %dma_wait3A_171 = tpu.memref_slice %arg2[%dma_wait3A_169, %dma_wait3A_170] : memref<20000x128xf32, #tpu.memory_space<hbm>> -> memref<20000x128xf32, #tpu.memory_space<hbm>>
      tpu.wait_indirect_dma semaphore(%arg13 : memref<!tpu.dma_semaphore, #tpu.memory_space<semaphore_mem>>) src(%dma_wait3A_171 : memref<20000x128xf32, #tpu.memory_space<hbm>>) dst(%dma_wait3A_165 : memref<128x128xf32, #tpu.memory_space<vmem>>)
      %add3A_172 = arith.constant 1 : i32
      %add3A_173 = arith.addi %add3A_61, %add3A_172 : i32
      %mul3A_174 = arith.constant 10 : i32
      %mul3A_175 = arith.muli %arg1, %mul3A_174 : i32
      %add3A_176 = arith.addi %mul3A_175, %add3A_173 : i32
      %mul3A_177 = arith.constant 1024 : i32
      %mul3A_178 = arith.muli %add3A_176, %mul3A_177 : i32
      %dma_start3A_179 = arith.constant 1 : i32
      %dma_start3A_180 = arith.constant 0 : i32
      %dma_start3A_181 = tpu.memref_slice %arg8[%dma_start3A_179, %dma_start3A_180] : memref<2x1024xi32, #tpu.memory_space<vmem>> -> memref<1x1024xi32, #tpu.memory_space<vmem>>
      %dma_start3A_182 = tpu.memref_squeeze %dma_start3A_181 : memref<1x1024xi32, #tpu.memory_space<vmem>> -> memref<1024xi32, #tpu.memory_space<vmem>>
      %dma_start3A_183 = tpu.memref_slice %arg3[%mul3A_178] : memref<163840xi32, #tpu.memory_space<hbm>> -> memref<1024xi32, #tpu.memory_space<hbm>>
      %dma_start3A_184 = arith.constant 0 : i32
      %dma_start3A_185 = tpu.memref_slice %arg8[%dma_start3A_179, %dma_start3A_184] : memref<2x1024xi32, #tpu.memory_space<vmem>> -> memref<1x1024xi32, #tpu.memory_space<vmem>>
      %dma_start3A_186 = tpu.memref_squeeze %dma_start3A_185 : memref<1x1024xi32, #tpu.memory_space<vmem>> -> memref<1024xi32, #tpu.memory_space<vmem>>
      %dma_start3A_187 = tpu.memref_slice %arg3[%mul3A_178] : memref<163840xi32, #tpu.memory_space<hbm>> -> memref<1024xi32, #tpu.memory_space<hbm>>
      tpu.enqueue_dma source(%dma_start3A_187 : memref<1024xi32, #tpu.memory_space<hbm>>) target(%dma_start3A_186 : memref<1024xi32, #tpu.memory_space<vmem>>) target_semaphore(%arg17 : memref<!tpu.dma_semaphore, #tpu.memory_space<semaphore_mem>>)
      %dma_start3A_188 = arith.constant 1 : i32
      %dma_start3A_189 = arith.constant 0 : i32
      %dma_start3A_190 = tpu.memref_slice %arg9[%dma_start3A_188, %dma_start3A_189] : memref<2x1024xi32, #tpu.memory_space<vmem>> -> memref<1x1024xi32, #tpu.memory_space<vmem>>
      %dma_start3A_191 = tpu.memref_squeeze %dma_start3A_190 : memref<1x1024xi32, #tpu.memory_space<vmem>> -> memref<1024xi32, #tpu.memory_space<vmem>>
      %dma_start3A_192 = tpu.memref_slice %arg4[%mul3A_178] : memref<163840xi32, #tpu.memory_space<hbm>> -> memref<1024xi32, #tpu.memory_space<hbm>>
      %dma_start3A_193 = arith.constant 0 : i32
      %dma_start3A_194 = tpu.memref_slice %arg9[%dma_start3A_188, %dma_start3A_193] : memref<2x1024xi32, #tpu.memory_space<vmem>> -> memref<1x1024xi32, #tpu.memory_space<vmem>>
      %dma_start3A_195 = tpu.memref_squeeze %dma_start3A_194 : memref<1x1024xi32, #tpu.memory_space<vmem>> -> memref<1024xi32, #tpu.memory_space<vmem>>
      %dma_start3A_196 = tpu.memref_slice %arg4[%mul3A_178] : memref<163840xi32, #tpu.memory_space<hbm>> -> memref<1024xi32, #tpu.memory_space<hbm>>
      tpu.enqueue_dma source(%dma_start3A_196 : memref<1024xi32, #tpu.memory_space<hbm>>) target(%dma_start3A_195 : memref<1024xi32, #tpu.memory_space<vmem>>) target_semaphore(%arg18 : memref<!tpu.dma_semaphore, #tpu.memory_space<semaphore_mem>>)
      %dma_wait3A_197 = arith.constant 1 : i32
      %dma_wait3A_198 = arith.constant 0 : i32
      %dma_wait3A_199 = arith.constant 0 : i32
      %dma_wait3A_200 = arith.constant 0 : i32
      %dma_wait3A_201 = tpu.memref_slice %arg10[%dma_wait3A_197, %dma_wait3A_199, %dma_wait3A_200] : memref<2x128x128xf32, #tpu.memory_space<vmem>> -> memref<1x128x128xf32, #tpu.memory_space<vmem>>
      %dma_wait3A_202 = tpu.memref_squeeze %dma_wait3A_201 : memref<1x128x128xf32, #tpu.memory_space<vmem>> -> memref<128x128xf32, #tpu.memory_space<vmem>>
      %dma_wait3A_203 = arith.constant 0 : i32
      %dma_wait3A_204 = tpu.memref_slice %arg9[%dma_wait3A_198, %dma_wait3A_203] : memref<2x1024xi32, #tpu.memory_space<vmem>> -> memref<1x128xi32, #tpu.memory_space<vmem>>
      %dma_wait3A_205 = tpu.memref_squeeze %dma_wait3A_204 : memref<1x128xi32, #tpu.memory_space<vmem>> -> memref<128xi32, #tpu.memory_space<vmem>>
      %dma_wait3A_206 = arith.constant 0 : i32
      %dma_wait3A_207 = arith.constant 0 : i32
      %dma_wait3A_208 = tpu.memref_slice %arg12[%dma_wait3A_206, %dma_wait3A_207] : memref<10112x128xf32, #tpu.memory_space<vmem_shared>> -> memref<10112x128xf32, #tpu.memory_space<vmem_shared>>
      tpu.wait_indirect_dma semaphore(%arg16 : memref<!tpu.dma_semaphore, #tpu.memory_space<semaphore_mem>>) src(%dma_wait3A_202 : memref<128x128xf32, #tpu.memory_space<vmem>>) dst(%dma_wait3A_208 : memref<10112x128xf32, #tpu.memory_space<vmem_shared>>)
      %dma_start3A_209 = arith.constant 0 : i32
      %dma_start3A_210 = arith.constant 1 : i32
      %dma_start3A_211 = arith.constant 0 : i32
      %dma_start3A_212 = arith.constant 0 : i32
      %dma_start3A_213 = tpu.memref_slice %arg10[%dma_start3A_210, %dma_start3A_211, %dma_start3A_212] : memref<2x128x128xf32, #tpu.memory_space<vmem>> -> memref<1x128x128xf32, #tpu.memory_space<vmem>>
      %dma_start3A_214 = tpu.memref_squeeze %dma_start3A_213 : memref<1x128x128xf32, #tpu.memory_space<vmem>> -> memref<128x128xf32, #tpu.memory_space<vmem>>
      %dma_start3A_215 = arith.constant 384 : i32
      %dma_start3A_216 = tpu.memref_slice %arg8[%dma_start3A_209, %dma_start3A_215] : memref<2x1024xi32, #tpu.memory_space<vmem>> -> memref<1x128xi32, #tpu.memory_space<vmem>>
      %dma_start3A_217 = tpu.memref_squeeze %dma_start3A_216 : memref<1x128xi32, #tpu.memory_space<vmem>> -> memref<128xi32, #tpu.memory_space<vmem>>
      %dma_start3A_218 = arith.constant 0 : i32
      %dma_start3A_219 = arith.constant 0 : i32
      %dma_start3A_220 = tpu.memref_slice %arg2[%dma_start3A_218, %dma_start3A_219] : memref<20000x128xf32, #tpu.memory_space<hbm>> -> memref<20000x128xf32, #tpu.memory_space<hbm>>
      tpu.enqueue_indirect_dma source(%dma_start3A_220 : memref<20000x128xf32, #tpu.memory_space<hbm>>) target(%dma_start3A_214 : memref<128x128xf32, #tpu.memory_space<vmem>>) offsets(%dma_start3A_217 : memref<128xi32, #tpu.memory_space<vmem>>) semaphore(%arg14 : memref<!tpu.dma_semaphore, #tpu.memory_space<semaphore_mem>>)
      %dma_start3A_221 = arith.constant 0 : i32
      %dma_start3A_222 = arith.constant 0 : i32
      %dma_start3A_223 = arith.constant 0 : i32
      %dma_start3A_224 = arith.constant 0 : i32
      %dma_start3A_225 = tpu.memref_slice %arg10[%dma_start3A_221, %dma_start3A_223, %dma_start3A_224] : memref<2x128x128xf32, #tpu.memory_space<vmem>> -> memref<1x128x128xf32, #tpu.memory_space<vmem>>
      %dma_start3A_226 = tpu.memref_squeeze %dma_start3A_225 : memref<1x128x128xf32, #tpu.memory_space<vmem>> -> memref<128x128xf32, #tpu.memory_space<vmem>>
      %dma_start3A_227 = arith.constant 256 : i32
      %dma_start3A_228 = tpu.memref_slice %arg9[%dma_start3A_222, %dma_start3A_227] : memref<2x1024xi32, #tpu.memory_space<vmem>> -> memref<1x128xi32, #tpu.memory_space<vmem>>
      %dma_start3A_229 = tpu.memref_squeeze %dma_start3A_228 : memref<1x128xi32, #tpu.memory_space<vmem>> -> memref<128xi32, #tpu.memory_space<vmem>>
      %dma_start3A_230 = arith.constant 0 : i32
      %dma_start3A_231 = arith.constant 0 : i32
      %dma_start3A_232 = tpu.memref_slice %arg12[%dma_start3A_230, %dma_start3A_231] : memref<10112x128xf32, #tpu.memory_space<vmem_shared>> -> memref<10112x128xf32, #tpu.memory_space<vmem_shared>>
      tpu.enqueue_indirect_dma source(%dma_start3A_226 : memref<128x128xf32, #tpu.memory_space<vmem>>) target(%dma_start3A_232 : memref<10112x128xf32, #tpu.memory_space<vmem_shared>>) offsets(%dma_start3A_229 : memref<128xi32, #tpu.memory_space<vmem>>) semaphore(%arg15 : memref<!tpu.dma_semaphore, #tpu.memory_space<semaphore_mem>>) {add = true}
      %eq3A_233 = arith.constant 0 : i32
      %eq3A_234 = arith.cmpi eq, %arg0, %eq3A_233 : i32
      %convert_element_type3A_235 = arith.extui %eq3A_234 : i1 to i32
      %cond3A_236 = arith.constant 0 : i32
      %cond3A_237 = arith.cmpi ne, %convert_element_type3A_235, %cond3A_236 : i32
      scf.if %cond3A_237 {
        %scan3A_939 = arith.constant 0 : i32
        %scan3A_940 = arith.constant 8 : i32
        %scan3A_941 = arith.addi %scan3A_939, %scan3A_940 : i32
        %scan3A_942 = arith.constant 1 : i32
        scf.for %scan3A_944 = %scan3A_939 to %scan3A_941 step %scan3A_942  : i32 {
          %mul3A_945 = arith.constant 1 : i32
          %mul3A_946 = arith.muli %scan3A_944, %mul3A_945 : i32
          %add3A_947 = arith.constant 0 : i32
          %add3A_948 = arith.addi %add3A_947, %mul3A_946 : i32
          %mul3A_949 = arith.constant 16 : i32
          %mul3A_950 = arith.muli %add3A_948, %mul3A_949 : i32
          %add3A_951 = arith.constant 256 : i32
          %add3A_952 = arith.addi %add3A_951, %mul3A_950 : i32
          %get3A = arith.constant 0 : i32
          %get3A_953 = arith.index_cast %get3A : i32 to index
          %get3A_954 = arith.index_cast %add3A_952 : i32 to index
          %get3A_955 = tpu.vector_load %arg9[%get3A_953, %get3A_954] {strides = array<i32>} : memref<2x1024xi32, #tpu.memory_space<vmem>>, vector<16xi32>,
          tpu.vector_store_idx %arg11[%get3A_955], %broadcast_in_dim3A_1 {add = true} : memref<10112xf32, #tpu.memory_space<vmem>>[vector<16xi32>], vector<16xf32>,
        }
        %scan3A_943 = arith.constant 8 : i32
      } else {
      }
      %dma_wait3A_238 = arith.constant 0 : i32
      %dma_wait3A_239 = arith.constant 1 : i32
      %dma_wait3A_240 = arith.constant 0 : i32
      %dma_wait3A_241 = arith.constant 0 : i32
      %dma_wait3A_242 = tpu.memref_slice %arg10[%dma_wait3A_239, %dma_wait3A_240, %dma_wait3A_241] : memref<2x128x128xf32, #tpu.memory_space<vmem>> -> memref<1x128x128xf32, #tpu.memory_space<vmem>>
      %dma_wait3A_243 = tpu.memref_squeeze %dma_wait3A_242 : memref<1x128x128xf32, #tpu.memory_space<vmem>> -> memref<128x128xf32, #tpu.memory_space<vmem>>
      %dma_wait3A_244 = arith.constant 0 : i32
      %dma_wait3A_245 = tpu.memref_slice %arg8[%dma_wait3A_238, %dma_wait3A_244] : memref<2x1024xi32, #tpu.memory_space<vmem>> -> memref<1x128xi32, #tpu.memory_space<vmem>>
      %dma_wait3A_246 = tpu.memref_squeeze %dma_wait3A_245 : memref<1x128xi32, #tpu.memory_space<vmem>> -> memref<128xi32, #tpu.memory_space<vmem>>
      %dma_wait3A_247 = arith.constant 0 : i32
      %dma_wait3A_248 = arith.constant 0 : i32
      %dma_wait3A_249 = tpu.memref_slice %arg2[%dma_wait3A_247, %dma_wait3A_248] : memref<20000x128xf32, #tpu.memory_space<hbm>> -> memref<20000x128xf32, #tpu.memory_space<hbm>>
      tpu.wait_indirect_dma semaphore(%arg14 : memref<!tpu.dma_semaphore, #tpu.memory_space<semaphore_mem>>) src(%dma_wait3A_249 : memref<20000x128xf32, #tpu.memory_space<hbm>>) dst(%dma_wait3A_243 : memref<128x128xf32, #tpu.memory_space<vmem>>)
      %dma_wait3A_250 = arith.constant 0 : i32
      %dma_wait3A_251 = arith.constant 0 : i32
      %dma_wait3A_252 = arith.constant 0 : i32
      %dma_wait3A_253 = arith.constant 0 : i32
      %dma_wait3A_254 = tpu.memref_slice %arg10[%dma_wait3A_250, %dma_wait3A_252, %dma_wait3A_253] : memref<2x128x128xf32, #tpu.memory_space<vmem>> -> memref<1x128x128xf32, #tpu.memory_space<vmem>>
      %dma_wait3A_255 = tpu.memref_squeeze %dma_wait3A_254 : memref<1x128x128xf32, #tpu.memory_space<vmem>> -> memref<128x128xf32, #tpu.memory_space<vmem>>
      %dma_wait3A_256 = arith.constant 0 : i32
      %dma_wait3A_257 = tpu.memref_slice %arg9[%dma_wait3A_251, %dma_wait3A_256] : memref<2x1024xi32, #tpu.memory_space<vmem>> -> memref<1x128xi32, #tpu.memory_space<vmem>>
      %dma_wait3A_258 = tpu.memref_squeeze %dma_wait3A_257 : memref<1x128xi32, #tpu.memory_space<vmem>> -> memref<128xi32, #tpu.memory_space<vmem>>
      %dma_wait3A_259 = arith.constant 0 : i32
      %dma_wait3A_260 = arith.constant 0 : i32
      %dma_wait3A_261 = tpu.memref_slice %arg12[%dma_wait3A_259, %dma_wait3A_260] : memref<10112x128xf32, #tpu.memory_space<vmem_shared>> -> memref<10112x128xf32, #tpu.memory_space<vmem_shared>>
      tpu.wait_indirect_dma semaphore(%arg15 : memref<!tpu.dma_semaphore, #tpu.memory_space<semaphore_mem>>) src(%dma_wait3A_255 : memref<128x128xf32, #tpu.memory_space<vmem>>) dst(%dma_wait3A_261 : memref<10112x128xf32, #tpu.memory_space<vmem_shared>>)
      %dma_start3A_262 = arith.constant 0 : i32
      %dma_start3A_263 = arith.constant 0 : i32
      %dma_start3A_264 = arith.constant 0 : i32
      %dma_start3A_265 = arith.constant 0 : i32
      %dma_start3A_266 = tpu.memref_slice %arg10[%dma_start3A_263, %dma_start3A_264, %dma_start3A_265] : memref<2x128x128xf32, #tpu.memory_space<vmem>> -> memref<1x128x128xf32, #tpu.memory_space<vmem>>
      %dma_start3A_267 = tpu.memref_squeeze %dma_start3A_266 : memref<1x128x128xf32, #tpu.memory_space<vmem>> -> memref<128x128xf32, #tpu.memory_space<vmem>>
      %dma_start3A_268 = arith.constant 512 : i32
      %dma_start3A_269 = tpu.memref_slice %arg8[%dma_start3A_262, %dma_start3A_268] : memref<2x1024xi32, #tpu.memory_space<vmem>> -> memref<1x128xi32, #tpu.memory_space<vmem>>
      %dma_start3A_270 = tpu.memref_squeeze %dma_start3A_269 : memref<1x128xi32, #tpu.memory_space<vmem>> -> memref<128xi32, #tpu.memory_space<vmem>>
      %dma_start3A_271 = arith.constant 0 : i32
      %dma_start3A_272 = arith.constant 0 : i32
      %dma_start3A_273 = tpu.memref_slice %arg2[%dma_start3A_271, %dma_start3A_272] : memref<20000x128xf32, #tpu.memory_space<hbm>> -> memref<20000x128xf32, #tpu.memory_space<hbm>>
      tpu.enqueue_indirect_dma source(%dma_start3A_273 : memref<20000x128xf32, #tpu.memory_space<hbm>>) target(%dma_start3A_267 : memref<128x128xf32, #tpu.memory_space<vmem>>) offsets(%dma_start3A_270 : memref<128xi32, #tpu.memory_space<vmem>>) semaphore(%arg13 : memref<!tpu.dma_semaphore, #tpu.memory_space<semaphore_mem>>)
      %dma_start3A_274 = arith.constant 1 : i32
      %dma_start3A_275 = arith.constant 0 : i32
      %dma_start3A_276 = arith.constant 0 : i32
      %dma_start3A_277 = arith.constant 0 : i32
      %dma_start3A_278 = tpu.memref_slice %arg10[%dma_start3A_274, %dma_start3A_276, %dma_start3A_277] : memref<2x128x128xf32, #tpu.memory_space<vmem>> -> memref<1x128x128xf32, #tpu.memory_space<vmem>>
      %dma_start3A_279 = tpu.memref_squeeze %dma_start3A_278 : memref<1x128x128xf32, #tpu.memory_space<vmem>> -> memref<128x128xf32, #tpu.memory_space<vmem>>
      %dma_start3A_280 = arith.constant 384 : i32
      %dma_start3A_281 = tpu.memref_slice %arg9[%dma_start3A_275, %dma_start3A_280] : memref<2x1024xi32, #tpu.memory_space<vmem>> -> memref<1x128xi32, #tpu.memory_space<vmem>>
      %dma_start3A_282 = tpu.memref_squeeze %dma_start3A_281 : memref<1x128xi32, #tpu.memory_space<vmem>> -> memref<128xi32, #tpu.memory_space<vmem>>
      %dma_start3A_283 = arith.constant 0 : i32
      %dma_start3A_284 = arith.constant 0 : i32
      %dma_start3A_285 = tpu.memref_slice %arg12[%dma_start3A_283, %dma_start3A_284] : memref<10112x128xf32, #tpu.memory_space<vmem_shared>> -> memref<10112x128xf32, #tpu.memory_space<vmem_shared>>
      tpu.enqueue_indirect_dma source(%dma_start3A_279 : memref<128x128xf32, #tpu.memory_space<vmem>>) target(%dma_start3A_285 : memref<10112x128xf32, #tpu.memory_space<vmem_shared>>) offsets(%dma_start3A_282 : memref<128xi32, #tpu.memory_space<vmem>>) semaphore(%arg16 : memref<!tpu.dma_semaphore, #tpu.memory_space<semaphore_mem>>) {add = true}
      %eq3A_286 = arith.constant 0 : i32
      %eq3A_287 = arith.cmpi eq, %arg0, %eq3A_286 : i32
      %convert_element_type3A_288 = arith.extui %eq3A_287 : i1 to i32
      %cond3A_289 = arith.constant 0 : i32
      %cond3A_290 = arith.cmpi ne, %convert_element_type3A_288, %cond3A_289 : i32
      scf.if %cond3A_290 {
        %scan3A_939 = arith.constant 0 : i32
        %scan3A_940 = arith.constant 8 : i32
        %scan3A_941 = arith.addi %scan3A_939, %scan3A_940 : i32
        %scan3A_942 = arith.constant 1 : i32
        scf.for %scan3A_944 = %scan3A_939 to %scan3A_941 step %scan3A_942  : i32 {
          %mul3A_945 = arith.constant 1 : i32
          %mul3A_946 = arith.muli %scan3A_944, %mul3A_945 : i32
          %add3A_947 = arith.constant 0 : i32
          %add3A_948 = arith.addi %add3A_947, %mul3A_946 : i32
          %mul3A_949 = arith.constant 16 : i32
          %mul3A_950 = arith.muli %add3A_948, %mul3A_949 : i32
          %add3A_951 = arith.constant 384 : i32
          %add3A_952 = arith.addi %add3A_951, %mul3A_950 : i32
          %get3A = arith.constant 0 : i32
          %get3A_953 = arith.index_cast %get3A : i32 to index
          %get3A_954 = arith.index_cast %add3A_952 : i32 to index
          %get3A_955 = tpu.vector_load %arg9[%get3A_953, %get3A_954] {strides = array<i32>} : memref<2x1024xi32, #tpu.memory_space<vmem>>, vector<16xi32>,
          tpu.vector_store_idx %arg11[%get3A_955], %broadcast_in_dim3A_1 {add = true} : memref<10112xf32, #tpu.memory_space<vmem>>[vector<16xi32>], vector<16xf32>,
        }
        %scan3A_943 = arith.constant 8 : i32
      } else {
      }
      %dma_wait3A_291 = arith.constant 0 : i32
      %dma_wait3A_292 = arith.constant 0 : i32
      %dma_wait3A_293 = arith.constant 0 : i32
      %dma_wait3A_294 = arith.constant 0 : i32
      %dma_wait3A_295 = tpu.memref_slice %arg10[%dma_wait3A_292, %dma_wait3A_293, %dma_wait3A_294] : memref<2x128x128xf32, #tpu.memory_space<vmem>> -> memref<1x128x128xf32, #tpu.memory_space<vmem>>
      %dma_wait3A_296 = tpu.memref_squeeze %dma_wait3A_295 : memref<1x128x128xf32, #tpu.memory_space<vmem>> -> memref<128x128xf32, #tpu.memory_space<vmem>>
      %dma_wait3A_297 = arith.constant 0 : i32
      %dma_wait3A_298 = tpu.memref_slice %arg8[%dma_wait3A_291, %dma_wait3A_297] : memref<2x1024xi32, #tpu.memory_space<vmem>> -> memref<1x128xi32, #tpu.memory_space<vmem>>
      %dma_wait3A_299 = tpu.memref_squeeze %dma_wait3A_298 : memref<1x128xi32, #tpu.memory_space<vmem>> -> memref<128xi32, #tpu.memory_space<vmem>>
      %dma_wait3A_300 = arith.constant 0 : i32
      %dma_wait3A_301 = arith.constant 0 : i32
      %dma_wait3A_302 = tpu.memref_slice %arg2[%dma_wait3A_300, %dma_wait3A_301] : memref<20000x128xf32, #tpu.memory_space<hbm>> -> memref<20000x128xf32, #tpu.memory_space<hbm>>
      tpu.wait_indirect_dma semaphore(%arg13 : memref<!tpu.dma_semaphore, #tpu.memory_space<semaphore_mem>>) src(%dma_wait3A_302 : memref<20000x128xf32, #tpu.memory_space<hbm>>) dst(%dma_wait3A_296 : memref<128x128xf32, #tpu.memory_space<vmem>>)
      %dma_wait3A_303 = arith.constant 1 : i32
      %dma_wait3A_304 = arith.constant 0 : i32
      %dma_wait3A_305 = arith.constant 0 : i32
      %dma_wait3A_306 = arith.constant 0 : i32
      %dma_wait3A_307 = tpu.memref_slice %arg10[%dma_wait3A_303, %dma_wait3A_305, %dma_wait3A_306] : memref<2x128x128xf32, #tpu.memory_space<vmem>> -> memref<1x128x128xf32, #tpu.memory_space<vmem>>
      %dma_wait3A_308 = tpu.memref_squeeze %dma_wait3A_307 : memref<1x128x128xf32, #tpu.memory_space<vmem>> -> memref<128x128xf32, #tpu.memory_space<vmem>>
      %dma_wait3A_309 = arith.constant 0 : i32
      %dma_wait3A_310 = tpu.memref_slice %arg9[%dma_wait3A_304, %dma_wait3A_309] : memref<2x1024xi32, #tpu.memory_space<vmem>> -> memref<1x128xi32, #tpu.memory_space<vmem>>
      %dma_wait3A_311 = tpu.memref_squeeze %dma_wait3A_310 : memref<1x128xi32, #tpu.memory_space<vmem>> -> memref<128xi32, #tpu.memory_space<vmem>>
      %dma_wait3A_312 = arith.constant 0 : i32
      %dma_wait3A_313 = arith.constant 0 : i32
      %dma_wait3A_314 = tpu.memref_slice %arg12[%dma_wait3A_312, %dma_wait3A_313] : memref<10112x128xf32, #tpu.memory_space<vmem_shared>> -> memref<10112x128xf32, #tpu.memory_space<vmem_shared>>
      tpu.wait_indirect_dma semaphore(%arg16 : memref<!tpu.dma_semaphore, #tpu.memory_space<semaphore_mem>>) src(%dma_wait3A_308 : memref<128x128xf32, #tpu.memory_space<vmem>>) dst(%dma_wait3A_314 : memref<10112x128xf32, #tpu.memory_space<vmem_shared>>)
      %dma_start3A_315 = arith.constant 0 : i32
      %dma_start3A_316 = arith.constant 1 : i32
      %dma_start3A_317 = arith.constant 0 : i32
      %dma_start3A_318 = arith.constant 0 : i32
      %dma_start3A_319 = tpu.memref_slice %arg10[%dma_start3A_316, %dma_start3A_317, %dma_start3A_318] : memref<2x128x128xf32, #tpu.memory_space<vmem>> -> memref<1x128x128xf32, #tpu.memory_space<vmem>>
      %dma_start3A_320 = tpu.memref_squeeze %dma_start3A_319 : memref<1x128x128xf32, #tpu.memory_space<vmem>> -> memref<128x128xf32, #tpu.memory_space<vmem>>
      %dma_start3A_321 = arith.constant 640 : i32
      %dma_start3A_322 = tpu.memref_slice %arg8[%dma_start3A_315, %dma_start3A_321] : memref<2x1024xi32, #tpu.memory_space<vmem>> -> memref<1x128xi32, #tpu.memory_space<vmem>>
      %dma_start3A_323 = tpu.memref_squeeze %dma_start3A_322 : memref<1x128xi32, #tpu.memory_space<vmem>> -> memref<128xi32, #tpu.memory_space<vmem>>
      %dma_start3A_324 = arith.constant 0 : i32
      %dma_start3A_325 = arith.constant 0 : i32
      %dma_start3A_326 = tpu.memref_slice %arg2[%dma_start3A_324, %dma_start3A_325] : memref<20000x128xf32, #tpu.memory_space<hbm>> -> memref<20000x128xf32, #tpu.memory_space<hbm>>
      tpu.enqueue_indirect_dma source(%dma_start3A_326 : memref<20000x128xf32, #tpu.memory_space<hbm>>) target(%dma_start3A_320 : memref<128x128xf32, #tpu.memory_space<vmem>>) offsets(%dma_start3A_323 : memref<128xi32, #tpu.memory_space<vmem>>) semaphore(%arg14 : memref<!tpu.dma_semaphore, #tpu.memory_space<semaphore_mem>>)
      %dma_start3A_327 = arith.constant 0 : i32
      %dma_start3A_328 = arith.constant 0 : i32
      %dma_start3A_329 = arith.constant 0 : i32
      %dma_start3A_330 = arith.constant 0 : i32
      %dma_start3A_331 = tpu.memref_slice %arg10[%dma_start3A_327, %dma_start3A_329, %dma_start3A_330] : memref<2x128x128xf32, #tpu.memory_space<vmem>> -> memref<1x128x128xf32, #tpu.memory_space<vmem>>
      %dma_start3A_332 = tpu.memref_squeeze %dma_start3A_331 : memref<1x128x128xf32, #tpu.memory_space<vmem>> -> memref<128x128xf32, #tpu.memory_space<vmem>>
      %dma_start3A_333 = arith.constant 512 : i32
      %dma_start3A_334 = tpu.memref_slice %arg9[%dma_start3A_328, %dma_start3A_333] : memref<2x1024xi32, #tpu.memory_space<vmem>> -> memref<1x128xi32, #tpu.memory_space<vmem>>
      %dma_start3A_335 = tpu.memref_squeeze %dma_start3A_334 : memref<1x128xi32, #tpu.memory_space<vmem>> -> memref<128xi32, #tpu.memory_space<vmem>>
      %dma_start3A_336 = arith.constant 0 : i32
      %dma_start3A_337 = arith.constant 0 : i32
      %dma_start3A_338 = tpu.memref_slice %arg12[%dma_start3A_336, %dma_start3A_337] : memref<10112x128xf32, #tpu.memory_space<vmem_shared>> -> memref<10112x128xf32, #tpu.memory_space<vmem_shared>>
      tpu.enqueue_indirect_dma source(%dma_start3A_332 : memref<128x128xf32, #tpu.memory_space<vmem>>) target(%dma_start3A_338 : memref<10112x128xf32, #tpu.memory_space<vmem_shared>>) offsets(%dma_start3A_335 : memref<128xi32, #tpu.memory_space<vmem>>) semaphore(%arg15 : memref<!tpu.dma_semaphore, #tpu.memory_space<semaphore_mem>>) {add = true}
      %eq3A_339 = arith.constant 0 : i32
      %eq3A_340 = arith.cmpi eq, %arg0, %eq3A_339 : i32
      %convert_element_type3A_341 = arith.extui %eq3A_340 : i1 to i32
      %cond3A_342 = arith.constant 0 : i32
      %cond3A_343 = arith.cmpi ne, %convert_element_type3A_341, %cond3A_342 : i32
      scf.if %cond3A_343 {
        %scan3A_939 = arith.constant 0 : i32
        %scan3A_940 = arith.constant 8 : i32
        %scan3A_941 = arith.addi %scan3A_939, %scan3A_940 : i32
        %scan3A_942 = arith.constant 1 : i32
        scf.for %scan3A_944 = %scan3A_939 to %scan3A_941 step %scan3A_942  : i32 {
          %mul3A_945 = arith.constant 1 : i32
          %mul3A_946 = arith.muli %scan3A_944, %mul3A_945 : i32
          %add3A_947 = arith.constant 0 : i32
          %add3A_948 = arith.addi %add3A_947, %mul3A_946 : i32
          %mul3A_949 = arith.constant 16 : i32
          %mul3A_950 = arith.muli %add3A_948, %mul3A_949 : i32
          %add3A_951 = arith.constant 512 : i32
          %add3A_952 = arith.addi %add3A_951, %mul3A_950 : i32
          %get3A = arith.constant 0 : i32
          %get3A_953 = arith.index_cast %get3A : i32 to index
          %get3A_954 = arith.index_cast %add3A_952 : i32 to index
          %get3A_955 = tpu.vector_load %arg9[%get3A_953, %get3A_954] {strides = array<i32>} : memref<2x1024xi32, #tpu.memory_space<vmem>>, vector<16xi32>,
          tpu.vector_store_idx %arg11[%get3A_955], %broadcast_in_dim3A_1 {add = true} : memref<10112xf32, #tpu.memory_space<vmem>>[vector<16xi32>], vector<16xf32>,
        }
        %scan3A_943 = arith.constant 8 : i32
      } else {
      }
      %dma_wait3A_344 = arith.constant 0 : i32
      %dma_wait3A_345 = arith.constant 1 : i32
      %dma_wait3A_346 = arith.constant 0 : i32
      %dma_wait3A_347 = arith.constant 0 : i32
      %dma_wait3A_348 = tpu.memref_slice %arg10[%dma_wait3A_345, %dma_wait3A_346, %dma_wait3A_347] : memref<2x128x128xf32, #tpu.memory_space<vmem>> -> memref<1x128x128xf32, #tpu.memory_space<vmem>>
      %dma_wait3A_349 = tpu.memref_squeeze %dma_wait3A_348 : memref<1x128x128xf32, #tpu.memory_space<vmem>> -> memref<128x128xf32, #tpu.memory_space<vmem>>
      %dma_wait3A_350 = arith.constant 0 : i32
      %dma_wait3A_351 = tpu.memref_slice %arg8[%dma_wait3A_344, %dma_wait3A_350] : memref<2x1024xi32, #tpu.memory_space<vmem>> -> memref<1x128xi32, #tpu.memory_space<vmem>>
      %dma_wait3A_352 = tpu.memref_squeeze %dma_wait3A_351 : memref<1x128xi32, #tpu.memory_space<vmem>> -> memref<128xi32, #tpu.memory_space<vmem>>
      %dma_wait3A_353 = arith.constant 0 : i32
      %dma_wait3A_354 = arith.constant 0 : i32
      %dma_wait3A_355 = tpu.memref_slice %arg2[%dma_wait3A_353, %dma_wait3A_354] : memref<20000x128xf32, #tpu.memory_space<hbm>> -> memref<20000x128xf32, #tpu.memory_space<hbm>>
      tpu.wait_indirect_dma semaphore(%arg14 : memref<!tpu.dma_semaphore, #tpu.memory_space<semaphore_mem>>) src(%dma_wait3A_355 : memref<20000x128xf32, #tpu.memory_space<hbm>>) dst(%dma_wait3A_349 : memref<128x128xf32, #tpu.memory_space<vmem>>)
      %dma_wait3A_356 = arith.constant 0 : i32
      %dma_wait3A_357 = arith.constant 0 : i32
      %dma_wait3A_358 = arith.constant 0 : i32
      %dma_wait3A_359 = arith.constant 0 : i32
      %dma_wait3A_360 = tpu.memref_slice %arg10[%dma_wait3A_356, %dma_wait3A_358, %dma_wait3A_359] : memref<2x128x128xf32, #tpu.memory_space<vmem>> -> memref<1x128x128xf32, #tpu.memory_space<vmem>>
      %dma_wait3A_361 = tpu.memref_squeeze %dma_wait3A_360 : memref<1x128x128xf32, #tpu.memory_space<vmem>> -> memref<128x128xf32, #tpu.memory_space<vmem>>
      %dma_wait3A_362 = arith.constant 0 : i32
      %dma_wait3A_363 = tpu.memref_slice %arg9[%dma_wait3A_357, %dma_wait3A_362] : memref<2x1024xi32, #tpu.memory_space<vmem>> -> memref<1x128xi32, #tpu.memory_space<vmem>>
      %dma_wait3A_364 = tpu.memref_squeeze %dma_wait3A_363 : memref<1x128xi32, #tpu.memory_space<vmem>> -> memref<128xi32, #tpu.memory_space<vmem>>
      %dma_wait3A_365 = arith.constant 0 : i32
      %dma_wait3A_366 = arith.constant 0 : i32
      %dma_wait3A_367 = tpu.memref_slice %arg12[%dma_wait3A_365, %dma_wait3A_366] : memref<10112x128xf32, #tpu.memory_space<vmem_shared>> -> memref<10112x128xf32, #tpu.memory_space<vmem_shared>>
      tpu.wait_indirect_dma semaphore(%arg15 : memref<!tpu.dma_semaphore, #tpu.memory_space<semaphore_mem>>) src(%dma_wait3A_361 : memref<128x128xf32, #tpu.memory_space<vmem>>) dst(%dma_wait3A_367 : memref<10112x128xf32, #tpu.memory_space<vmem_shared>>)
      %dma_start3A_368 = arith.constant 0 : i32
      %dma_start3A_369 = arith.constant 0 : i32
      %dma_start3A_370 = arith.constant 0 : i32
      %dma_start3A_371 = arith.constant 0 : i32
      %dma_start3A_372 = tpu.memref_slice %arg10[%dma_start3A_369, %dma_start3A_370, %dma_start3A_371] : memref<2x128x128xf32, #tpu.memory_space<vmem>> -> memref<1x128x128xf32, #tpu.memory_space<vmem>>
      %dma_start3A_373 = tpu.memref_squeeze %dma_start3A_372 : memref<1x128x128xf32, #tpu.memory_space<vmem>> -> memref<128x128xf32, #tpu.memory_space<vmem>>
      %dma_start3A_374 = arith.constant 768 : i32
      %dma_start3A_375 = tpu.memref_slice %arg8[%dma_start3A_368, %dma_start3A_374] : memref<2x1024xi32, #tpu.memory_space<vmem>> -> memref<1x128xi32, #tpu.memory_space<vmem>>
      %dma_start3A_376 = tpu.memref_squeeze %dma_start3A_375 : memref<1x128xi32, #tpu.memory_space<vmem>> -> memref<128xi32, #tpu.memory_space<vmem>>
      %dma_start3A_377 = arith.constant 0 : i32
      %dma_start3A_378 = arith.constant 0 : i32
      %dma_start3A_379 = tpu.memref_slice %arg2[%dma_start3A_377, %dma_start3A_378] : memref<20000x128xf32, #tpu.memory_space<hbm>> -> memref<20000x128xf32, #tpu.memory_space<hbm>>
      tpu.enqueue_indirect_dma source(%dma_start3A_379 : memref<20000x128xf32, #tpu.memory_space<hbm>>) target(%dma_start3A_373 : memref<128x128xf32, #tpu.memory_space<vmem>>) offsets(%dma_start3A_376 : memref<128xi32, #tpu.memory_space<vmem>>) semaphore(%arg13 : memref<!tpu.dma_semaphore, #tpu.memory_space<semaphore_mem>>)
      %dma_start3A_380 = arith.constant 1 : i32
      %dma_start3A_381 = arith.constant 0 : i32
      %dma_start3A_382 = arith.constant 0 : i32
      %dma_start3A_383 = arith.constant 0 : i32
      %dma_start3A_384 = tpu.memref_slice %arg10[%dma_start3A_380, %dma_start3A_382, %dma_start3A_383] : memref<2x128x128xf32, #tpu.memory_space<vmem>> -> memref<1x128x128xf32, #tpu.memory_space<vmem>>
      %dma_start3A_385 = tpu.memref_squeeze %dma_start3A_384 : memref<1x128x128xf32, #tpu.memory_space<vmem>> -> memref<128x128xf32, #tpu.memory_space<vmem>>
      %dma_start3A_386 = arith.constant 640 : i32
      %dma_start3A_387 = tpu.memref_slice %arg9[%dma_start3A_381, %dma_start3A_386] : memref<2x1024xi32, #tpu.memory_space<vmem>> -> memref<1x128xi32, #tpu.memory_space<vmem>>
      %dma_start3A_388 = tpu.memref_squeeze %dma_start3A_387 : memref<1x128xi32, #tpu.memory_space<vmem>> -> memref<128xi32, #tpu.memory_space<vmem>>
      %dma_start3A_389 = arith.constant 0 : i32
      %dma_start3A_390 = arith.constant 0 : i32
      %dma_start3A_391 = tpu.memref_slice %arg12[%dma_start3A_389, %dma_start3A_390] : memref<10112x128xf32, #tpu.memory_space<vmem_shared>> -> memref<10112x128xf32, #tpu.memory_space<vmem_shared>>
      tpu.enqueue_indirect_dma source(%dma_start3A_385 : memref<128x128xf32, #tpu.memory_space<vmem>>) target(%dma_start3A_391 : memref<10112x128xf32, #tpu.memory_space<vmem_shared>>) offsets(%dma_start3A_388 : memref<128xi32, #tpu.memory_space<vmem>>) semaphore(%arg16 : memref<!tpu.dma_semaphore, #tpu.memory_space<semaphore_mem>>) {add = true}
      %eq3A_392 = arith.constant 0 : i32
      %eq3A_393 = arith.cmpi eq, %arg0, %eq3A_392 : i32
      %convert_element_type3A_394 = arith.extui %eq3A_393 : i1 to i32
      %cond3A_395 = arith.constant 0 : i32
      %cond3A_396 = arith.cmpi ne, %convert_element_type3A_394, %cond3A_395 : i32
      scf.if %cond3A_396 {
        %scan3A_939 = arith.constant 0 : i32
        %scan3A_940 = arith.constant 8 : i32
        %scan3A_941 = arith.addi %scan3A_939, %scan3A_940 : i32
        %scan3A_942 = arith.constant 1 : i32
        scf.for %scan3A_944 = %scan3A_939 to %scan3A_941 step %scan3A_942  : i32 {
          %mul3A_945 = arith.constant 1 : i32
          %mul3A_946 = arith.muli %scan3A_944, %mul3A_945 : i32
          %add3A_947 = arith.constant 0 : i32
          %add3A_948 = arith.addi %add3A_947, %mul3A_946 : i32
          %mul3A_949 = arith.constant 16 : i32
          %mul3A_950 = arith.muli %add3A_948, %mul3A_949 : i32
          %add3A_951 = arith.constant 640 : i32
          %add3A_952 = arith.addi %add3A_951, %mul3A_950 : i32
          %get3A = arith.constant 0 : i32
          %get3A_953 = arith.index_cast %get3A : i32 to index
          %get3A_954 = arith.index_cast %add3A_952 : i32 to index
          %get3A_955 = tpu.vector_load %arg9[%get3A_953, %get3A_954] {strides = array<i32>} : memref<2x1024xi32, #tpu.memory_space<vmem>>, vector<16xi32>,
          tpu.vector_store_idx %arg11[%get3A_955], %broadcast_in_dim3A_1 {add = true} : memref<10112xf32, #tpu.memory_space<vmem>>[vector<16xi32>], vector<16xf32>,
        }
        %scan3A_943 = arith.constant 8 : i32
      } else {
      }
      %dma_wait3A_397 = arith.constant 0 : i32
      %dma_wait3A_398 = arith.constant 0 : i32
      %dma_wait3A_399 = arith.constant 0 : i32
      %dma_wait3A_400 = arith.constant 0 : i32
      %dma_wait3A_401 = tpu.memref_slice %arg10[%dma_wait3A_398, %dma_wait3A_399, %dma_wait3A_400] : memref<2x128x128xf32, #tpu.memory_space<vmem>> -> memref<1x128x128xf32, #tpu.memory_space<vmem>>
      %dma_wait3A_402 = tpu.memref_squeeze %dma_wait3A_401 : memref<1x128x128xf32, #tpu.memory_space<vmem>> -> memref<128x128xf32, #tpu.memory_space<vmem>>
      %dma_wait3A_403 = arith.constant 0 : i32
      %dma_wait3A_404 = tpu.memref_slice %arg8[%dma_wait3A_397, %dma_wait3A_403] : memref<2x1024xi32, #tpu.memory_space<vmem>> -> memref<1x128xi32, #tpu.memory_space<vmem>>
      %dma_wait3A_405 = tpu.memref_squeeze %dma_wait3A_404 : memref<1x128xi32, #tpu.memory_space<vmem>> -> memref<128xi32, #tpu.memory_space<vmem>>
      %dma_wait3A_406 = arith.constant 0 : i32
      %dma_wait3A_407 = arith.constant 0 : i32
      %dma_wait3A_408 = tpu.memref_slice %arg2[%dma_wait3A_406, %dma_wait3A_407] : memref<20000x128xf32, #tpu.memory_space<hbm>> -> memref<20000x128xf32, #tpu.memory_space<hbm>>
      tpu.wait_indirect_dma semaphore(%arg13 : memref<!tpu.dma_semaphore, #tpu.memory_space<semaphore_mem>>) src(%dma_wait3A_408 : memref<20000x128xf32, #tpu.memory_space<hbm>>) dst(%dma_wait3A_402 : memref<128x128xf32, #tpu.memory_space<vmem>>)
      %dma_wait3A_409 = arith.constant 1 : i32
      %dma_wait3A_410 = arith.constant 0 : i32
      %dma_wait3A_411 = arith.constant 0 : i32
      %dma_wait3A_412 = arith.constant 0 : i32
      %dma_wait3A_413 = tpu.memref_slice %arg10[%dma_wait3A_409, %dma_wait3A_411, %dma_wait3A_412] : memref<2x128x128xf32, #tpu.memory_space<vmem>> -> memref<1x128x128xf32, #tpu.memory_space<vmem>>
      %dma_wait3A_414 = tpu.memref_squeeze %dma_wait3A_413 : memref<1x128x128xf32, #tpu.memory_space<vmem>> -> memref<128x128xf32, #tpu.memory_space<vmem>>
      %dma_wait3A_415 = arith.constant 0 : i32
      %dma_wait3A_416 = tpu.memref_slice %arg9[%dma_wait3A_410, %dma_wait3A_415] : memref<2x1024xi32, #tpu.memory_space<vmem>> -> memref<1x128xi32, #tpu.memory_space<vmem>>
      %dma_wait3A_417 = tpu.memref_squeeze %dma_wait3A_416 : memref<1x128xi32, #tpu.memory_space<vmem>> -> memref<128xi32, #tpu.memory_space<vmem>>
      %dma_wait3A_418 = arith.constant 0 : i32
      %dma_wait3A_419 = arith.constant 0 : i32
      %dma_wait3A_420 = tpu.memref_slice %arg12[%dma_wait3A_418, %dma_wait3A_419] : memref<10112x128xf32, #tpu.memory_space<vmem_shared>> -> memref<10112x128xf32, #tpu.memory_space<vmem_shared>>
      tpu.wait_indirect_dma semaphore(%arg16 : memref<!tpu.dma_semaphore, #tpu.memory_space<semaphore_mem>>) src(%dma_wait3A_414 : memref<128x128xf32, #tpu.memory_space<vmem>>) dst(%dma_wait3A_420 : memref<10112x128xf32, #tpu.memory_space<vmem_shared>>)
      %dma_start3A_421 = arith.constant 0 : i32
      %dma_start3A_422 = arith.constant 1 : i32
      %dma_start3A_423 = arith.constant 0 : i32
      %dma_start3A_424 = arith.constant 0 : i32
      %dma_start3A_425 = tpu.memref_slice %arg10[%dma_start3A_422, %dma_start3A_423, %dma_start3A_424] : memref<2x128x128xf32, #tpu.memory_space<vmem>> -> memref<1x128x128xf32, #tpu.memory_space<vmem>>
      %dma_start3A_426 = tpu.memref_squeeze %dma_start3A_425 : memref<1x128x128xf32, #tpu.memory_space<vmem>> -> memref<128x128xf32, #tpu.memory_space<vmem>>
      %dma_start3A_427 = arith.constant 896 : i32
      %dma_start3A_428 = tpu.memref_slice %arg8[%dma_start3A_421, %dma_start3A_427] : memref<2x1024xi32, #tpu.memory_space<vmem>> -> memref<1x128xi32, #tpu.memory_space<vmem>>
      %dma_start3A_429 = tpu.memref_squeeze %dma_start3A_428 : memref<1x128xi32, #tpu.memory_space<vmem>> -> memref<128xi32, #tpu.memory_space<vmem>>
      %dma_start3A_430 = arith.constant 0 : i32
      %dma_start3A_431 = arith.constant 0 : i32
      %dma_start3A_432 = tpu.memref_slice %arg2[%dma_start3A_430, %dma_start3A_431] : memref<20000x128xf32, #tpu.memory_space<hbm>> -> memref<20000x128xf32, #tpu.memory_space<hbm>>
      tpu.enqueue_indirect_dma source(%dma_start3A_432 : memref<20000x128xf32, #tpu.memory_space<hbm>>) target(%dma_start3A_426 : memref<128x128xf32, #tpu.memory_space<vmem>>) offsets(%dma_start3A_429 : memref<128xi32, #tpu.memory_space<vmem>>) semaphore(%arg14 : memref<!tpu.dma_semaphore, #tpu.memory_space<semaphore_mem>>)
      %dma_start3A_433 = arith.constant 0 : i32
      %dma_start3A_434 = arith.constant 0 : i32
      %dma_start3A_435 = arith.constant 0 : i32
      %dma_start3A_436 = arith.constant 0 : i32
      %dma_start3A_437 = tpu.memref_slice %arg10[%dma_start3A_433, %dma_start3A_435, %dma_start3A_436] : memref<2x128x128xf32, #tpu.memory_space<vmem>> -> memref<1x128x128xf32, #tpu.memory_space<vmem>>
      %dma_start3A_438 = tpu.memref_squeeze %dma_start3A_437 : memref<1x128x128xf32, #tpu.memory_space<vmem>> -> memref<128x128xf32, #tpu.memory_space<vmem>>
      %dma_start3A_439 = arith.constant 768 : i32
      %dma_start3A_440 = tpu.memref_slice %arg9[%dma_start3A_434, %dma_start3A_439] : memref<2x1024xi32, #tpu.memory_space<vmem>> -> memref<1x128xi32, #tpu.memory_space<vmem>>
      %dma_start3A_441 = tpu.memref_squeeze %dma_start3A_440 : memref<1x128xi32, #tpu.memory_space<vmem>> -> memref<128xi32, #tpu.memory_space<vmem>>
      %dma_start3A_442 = arith.constant 0 : i32
      %dma_start3A_443 = arith.constant 0 : i32
      %dma_start3A_444 = tpu.memref_slice %arg12[%dma_start3A_442, %dma_start3A_443] : memref<10112x128xf32, #tpu.memory_space<vmem_shared>> -> memref<10112x128xf32, #tpu.memory_space<vmem_shared>>
      tpu.enqueue_indirect_dma source(%dma_start3A_438 : memref<128x128xf32, #tpu.memory_space<vmem>>) target(%dma_start3A_444 : memref<10112x128xf32, #tpu.memory_space<vmem_shared>>) offsets(%dma_start3A_441 : memref<128xi32, #tpu.memory_space<vmem>>) semaphore(%arg15 : memref<!tpu.dma_semaphore, #tpu.memory_space<semaphore_mem>>) {add = true}
      %eq3A_445 = arith.constant 0 : i32
      %eq3A_446 = arith.cmpi eq, %arg0, %eq3A_445 : i32
      %convert_element_type3A_447 = arith.extui %eq3A_446 : i1 to i32
      %cond3A_448 = arith.constant 0 : i32
      %cond3A_449 = arith.cmpi ne, %convert_element_type3A_447, %cond3A_448 : i32
      scf.if %cond3A_449 {
        %scan3A_939 = arith.constant 0 : i32
        %scan3A_940 = arith.constant 8 : i32
        %scan3A_941 = arith.addi %scan3A_939, %scan3A_940 : i32
        %scan3A_942 = arith.constant 1 : i32
        scf.for %scan3A_944 = %scan3A_939 to %scan3A_941 step %scan3A_942  : i32 {
          %mul3A_945 = arith.constant 1 : i32
          %mul3A_946 = arith.muli %scan3A_944, %mul3A_945 : i32
          %add3A_947 = arith.constant 0 : i32
          %add3A_948 = arith.addi %add3A_947, %mul3A_946 : i32
          %mul3A_949 = arith.constant 16 : i32
          %mul3A_950 = arith.muli %add3A_948, %mul3A_949 : i32
          %add3A_951 = arith.constant 768 : i32
          %add3A_952 = arith.addi %add3A_951, %mul3A_950 : i32
          %get3A = arith.constant 0 : i32
          %get3A_953 = arith.index_cast %get3A : i32 to index
          %get3A_954 = arith.index_cast %add3A_952 : i32 to index
          %get3A_955 = tpu.vector_load %arg9[%get3A_953, %get3A_954] {strides = array<i32>} : memref<2x1024xi32, #tpu.memory_space<vmem>>, vector<16xi32>,
          tpu.vector_store_idx %arg11[%get3A_955], %broadcast_in_dim3A_1 {add = true} : memref<10112xf32, #tpu.memory_space<vmem>>[vector<16xi32>], vector<16xf32>,
        }
        %scan3A_943 = arith.constant 8 : i32
      } else {
      }
      %dma_wait3A_450 = arith.constant 0 : i32
      %dma_wait3A_451 = arith.constant 1 : i32
      %dma_wait3A_452 = arith.constant 0 : i32
      %dma_wait3A_453 = arith.constant 0 : i32
      %dma_wait3A_454 = tpu.memref_slice %arg10[%dma_wait3A_451, %dma_wait3A_452, %dma_wait3A_453] : memref<2x128x128xf32, #tpu.memory_space<vmem>> -> memref<1x128x128xf32, #tpu.memory_space<vmem>>
      %dma_wait3A_455 = tpu.memref_squeeze %dma_wait3A_454 : memref<1x128x128xf32, #tpu.memory_space<vmem>> -> memref<128x128xf32, #tpu.memory_space<vmem>>
      %dma_wait3A_456 = arith.constant 0 : i32
      %dma_wait3A_457 = tpu.memref_slice %arg8[%dma_wait3A_450, %dma_wait3A_456] : memref<2x1024xi32, #tpu.memory_space<vmem>> -> memref<1x128xi32, #tpu.memory_space<vmem>>
      %dma_wait3A_458 = tpu.memref_squeeze %dma_wait3A_457 : memref<1x128xi32, #tpu.memory_space<vmem>> -> memref<128xi32, #tpu.memory_space<vmem>>
      %dma_wait3A_459 = arith.constant 0 : i32
      %dma_wait3A_460 = arith.constant 0 : i32
      %dma_wait3A_461 = tpu.memref_slice %arg2[%dma_wait3A_459, %dma_wait3A_460] : memref<20000x128xf32, #tpu.memory_space<hbm>> -> memref<20000x128xf32, #tpu.memory_space<hbm>>
      tpu.wait_indirect_dma semaphore(%arg14 : memref<!tpu.dma_semaphore, #tpu.memory_space<semaphore_mem>>) src(%dma_wait3A_461 : memref<20000x128xf32, #tpu.memory_space<hbm>>) dst(%dma_wait3A_455 : memref<128x128xf32, #tpu.memory_space<vmem>>)
      %dma_wait3A_462 = arith.constant 0 : i32
      %dma_wait3A_463 = arith.constant 0 : i32
      %dma_wait3A_464 = tpu.memref_slice %arg8[%dma_wait3A_462, %dma_wait3A_463] : memref<2x1024xi32, #tpu.memory_space<vmem>> -> memref<1x1024xi32, #tpu.memory_space<vmem>>
      %dma_wait3A_465 = tpu.memref_squeeze %dma_wait3A_464 : memref<1x1024xi32, #tpu.memory_space<vmem>> -> memref<1024xi32, #tpu.memory_space<vmem>>
      %dma_wait3A_466 = arith.constant 0 : i32
      %dma_wait3A_467 = tpu.memref_slice %arg3[%dma_wait3A_466] : memref<163840xi32, #tpu.memory_space<hbm>> -> memref<1024xi32, #tpu.memory_space<hbm>>
      %dma_wait3A_468 = arith.constant 0 : i32
      %dma_wait3A_469 = tpu.memref_slice %arg8[%dma_wait3A_462, %dma_wait3A_468] : memref<2x1024xi32, #tpu.memory_space<vmem>> -> memref<1x1024xi32, #tpu.memory_space<vmem>>
      %dma_wait3A_470 = tpu.memref_squeeze %dma_wait3A_469 : memref<1x1024xi32, #tpu.memory_space<vmem>> -> memref<1024xi32, #tpu.memory_space<vmem>>
      %dma_wait3A_471 = arith.constant 0 : i32
      %dma_wait3A_472 = tpu.memref_slice %arg3[%dma_wait3A_471] : memref<163840xi32, #tpu.memory_space<hbm>> -> memref<1024xi32, #tpu.memory_space<hbm>>
      tpu.wait_dma2 semaphore(%arg17 : memref<!tpu.dma_semaphore, #tpu.memory_space<semaphore_mem>>) src(%dma_wait3A_472 : memref<1024xi32, #tpu.memory_space<hbm>>) dst(%dma_wait3A_470 : memref<1024xi32, #tpu.memory_space<vmem>>)
      %dma_wait3A_473 = arith.constant 0 : i32
      %dma_wait3A_474 = arith.constant 0 : i32
      %dma_wait3A_475 = tpu.memref_slice %arg9[%dma_wait3A_473, %dma_wait3A_474] : memref<2x1024xi32, #tpu.memory_space<vmem>> -> memref<1x1024xi32, #tpu.memory_space<vmem>>
      %dma_wait3A_476 = tpu.memref_squeeze %dma_wait3A_475 : memref<1x1024xi32, #tpu.memory_space<vmem>> -> memref<1024xi32, #tpu.memory_space<vmem>>
      %dma_wait3A_477 = arith.constant 0 : i32
      %dma_wait3A_478 = tpu.memref_slice %arg4[%dma_wait3A_477] : memref<163840xi32, #tpu.memory_space<hbm>> -> memref<1024xi32, #tpu.memory_space<hbm>>
      %dma_wait3A_479 = arith.constant 0 : i32
      %dma_wait3A_480 = tpu.memref_slice %arg9[%dma_wait3A_473, %dma_wait3A_479] : memref<2x1024xi32, #tpu.memory_space<vmem>> -> memref<1x1024xi32, #tpu.memory_space<vmem>>
      %dma_wait3A_481 = tpu.memref_squeeze %dma_wait3A_480 : memref<1x1024xi32, #tpu.memory_space<vmem>> -> memref<1024xi32, #tpu.memory_space<vmem>>
      %dma_wait3A_482 = arith.constant 0 : i32
      %dma_wait3A_483 = tpu.memref_slice %arg4[%dma_wait3A_482] : memref<163840xi32, #tpu.memory_space<hbm>> -> memref<1024xi32, #tpu.memory_space<hbm>>
      tpu.wait_dma2 semaphore(%arg18 : memref<!tpu.dma_semaphore, #tpu.memory_space<semaphore_mem>>) src(%dma_wait3A_483 : memref<1024xi32, #tpu.memory_space<hbm>>) dst(%dma_wait3A_481 : memref<1024xi32, #tpu.memory_space<vmem>>)
      %eq3A_484 = arith.constant 1 : i32
      %eq3A_485 = arith.cmpi eq, %arg0, %eq3A_484 : i32
      %convert_element_type3A_486 = arith.extui %eq3A_485 : i1 to i32
      %cond3A_487 = arith.constant 0 : i32
      %cond3A_488 = arith.cmpi ne, %convert_element_type3A_486, %cond3A_487 : i32
      scf.if %cond3A_488 {
        %scan3A_939 = arith.constant 0 : i32
        %scan3A_940 = arith.constant 64 : i32
        %scan3A_941 = arith.addi %scan3A_939, %scan3A_940 : i32
        %scan3A_942 = arith.constant 1 : i32
        scf.for %scan3A_944 = %scan3A_939 to %scan3A_941 step %scan3A_942  : i32 {
          %mul3A_945 = arith.constant 1 : i32
          %mul3A_946 = arith.muli %scan3A_944, %mul3A_945 : i32
          %add3A_947 = arith.constant 0 : i32
          %add3A_948 = arith.addi %add3A_947, %mul3A_946 : i32
          %mul3A_949 = arith.constant 16 : i32
          %mul3A_950 = arith.muli %add3A_948, %mul3A_949 : i32
          %get3A = arith.constant 1 : i32
          %get3A_951 = arith.index_cast %get3A : i32 to index
          %get3A_952 = arith.index_cast %mul3A_950 : i32 to index
          %get3A_953 = tpu.vector_load %arg8[%get3A_951, %get3A_952] {strides = array<i32>} : memref<2x1024xi32, #tpu.memory_space<vmem>>, vector<16xi32>,
          %add3A_954 = arith.constant 1 : i32
          %add3A_955 = vector.broadcast %add3A_954 : i32 to vector<16xi32>
          %add3A_956 = arith.addi %get3A_953, %add3A_955 : vector<16xi32>
          %swap3A = arith.constant 1 : i32
          %swap3A_957 = arith.index_cast %swap3A : i32 to index
          %swap3A_958 = arith.index_cast %mul3A_950 : i32 to index
          %swap3A_959 = tpu.vector_load %arg8[%swap3A_957, %swap3A_958] {strides = array<i32>} : memref<2x1024xi32, #tpu.memory_space<vmem>>, vector<16xi32>,
          tpu.vector_store %arg8[%swap3A_957, %swap3A_958], %add3A_956 {strides = array<i32>} : memref<2x1024xi32, #tpu.memory_space<vmem>>, vector<16xi32>,
        }
        %scan3A_943 = arith.constant 64 : i32
      } else {
      }
      %dma_wait3A_489 = arith.constant 0 : i32
      %dma_wait3A_490 = arith.constant 0 : i32
      %dma_wait3A_491 = arith.constant 0 : i32
      %dma_wait3A_492 = arith.constant 0 : i32
      %dma_wait3A_493 = tpu.memref_slice %arg10[%dma_wait3A_489, %dma_wait3A_491, %dma_wait3A_492] : memref<2x128x128xf32, #tpu.memory_space<vmem>> -> memref<1x128x128xf32, #tpu.memory_space<vmem>>
      %dma_wait3A_494 = tpu.memref_squeeze %dma_wait3A_493 : memref<1x128x128xf32, #tpu.memory_space<vmem>> -> memref<128x128xf32, #tpu.memory_space<vmem>>
      %dma_wait3A_495 = arith.constant 0 : i32
      %dma_wait3A_496 = tpu.memref_slice %arg9[%dma_wait3A_490, %dma_wait3A_495] : memref<2x1024xi32, #tpu.memory_space<vmem>> -> memref<1x128xi32, #tpu.memory_space<vmem>>
      %dma_wait3A_497 = tpu.memref_squeeze %dma_wait3A_496 : memref<1x128xi32, #tpu.memory_space<vmem>> -> memref<128xi32, #tpu.memory_space<vmem>>
      %dma_wait3A_498 = arith.constant 0 : i32
      %dma_wait3A_499 = arith.constant 0 : i32
      %dma_wait3A_500 = tpu.memref_slice %arg12[%dma_wait3A_498, %dma_wait3A_499] : memref<10112x128xf32, #tpu.memory_space<vmem_shared>> -> memref<10112x128xf32, #tpu.memory_space<vmem_shared>>
      tpu.wait_indirect_dma semaphore(%arg15 : memref<!tpu.dma_semaphore, #tpu.memory_space<semaphore_mem>>) src(%dma_wait3A_494 : memref<128x128xf32, #tpu.memory_space<vmem>>) dst(%dma_wait3A_500 : memref<10112x128xf32, #tpu.memory_space<vmem_shared>>)
      %dma_start3A_501 = arith.constant 1 : i32
      %dma_start3A_502 = arith.constant 0 : i32
      %dma_start3A_503 = arith.constant 0 : i32
      %dma_start3A_504 = arith.constant 0 : i32
      %dma_start3A_505 = tpu.memref_slice %arg10[%dma_start3A_502, %dma_start3A_503, %dma_start3A_504] : memref<2x128x128xf32, #tpu.memory_space<vmem>> -> memref<1x128x128xf32, #tpu.memory_space<vmem>>
      %dma_start3A_506 = tpu.memref_squeeze %dma_start3A_505 : memref<1x128x128xf32, #tpu.memory_space<vmem>> -> memref<128x128xf32, #tpu.memory_space<vmem>>
      %dma_start3A_507 = arith.constant 0 : i32
      %dma_start3A_508 = tpu.memref_slice %arg8[%dma_start3A_501, %dma_start3A_507] : memref<2x1024xi32, #tpu.memory_space<vmem>> -> memref<1x128xi32, #tpu.memory_space<vmem>>
      %dma_start3A_509 = tpu.memref_squeeze %dma_start3A_508 : memref<1x128xi32, #tpu.memory_space<vmem>> -> memref<128xi32, #tpu.memory_space<vmem>>
      %dma_start3A_510 = arith.constant 0 : i32
      %dma_start3A_511 = arith.constant 0 : i32
      %dma_start3A_512 = tpu.memref_slice %arg2[%dma_start3A_510, %dma_start3A_511] : memref<20000x128xf32, #tpu.memory_space<hbm>> -> memref<20000x128xf32, #tpu.memory_space<hbm>>
      tpu.enqueue_indirect_dma source(%dma_start3A_512 : memref<20000x128xf32, #tpu.memory_space<hbm>>) target(%dma_start3A_506 : memref<128x128xf32, #tpu.memory_space<vmem>>) offsets(%dma_start3A_509 : memref<128xi32, #tpu.memory_space<vmem>>) semaphore(%arg13 : memref<!tpu.dma_semaphore, #tpu.memory_space<semaphore_mem>>)
      %dma_start3A_513 = arith.constant 1 : i32
      %dma_start3A_514 = arith.constant 0 : i32
      %dma_start3A_515 = arith.constant 0 : i32
      %dma_start3A_516 = arith.constant 0 : i32
      %dma_start3A_517 = tpu.memref_slice %arg10[%dma_start3A_513, %dma_start3A_515, %dma_start3A_516] : memref<2x128x128xf32, #tpu.memory_space<vmem>> -> memref<1x128x128xf32, #tpu.memory_space<vmem>>
      %dma_start3A_518 = tpu.memref_squeeze %dma_start3A_517 : memref<1x128x128xf32, #tpu.memory_space<vmem>> -> memref<128x128xf32, #tpu.memory_space<vmem>>
      %dma_start3A_519 = arith.constant 896 : i32
      %dma_start3A_520 = tpu.memref_slice %arg9[%dma_start3A_514, %dma_start3A_519] : memref<2x1024xi32, #tpu.memory_space<vmem>> -> memref<1x128xi32, #tpu.memory_space<vmem>>
      %dma_start3A_521 = tpu.memref_squeeze %dma_start3A_520 : memref<1x128xi32, #tpu.memory_space<vmem>> -> memref<128xi32, #tpu.memory_space<vmem>>
      %dma_start3A_522 = arith.constant 0 : i32
      %dma_start3A_523 = arith.constant 0 : i32
      %dma_start3A_524 = tpu.memref_slice %arg12[%dma_start3A_522, %dma_start3A_523] : memref<10112x128xf32, #tpu.memory_space<vmem_shared>> -> memref<10112x128xf32, #tpu.memory_space<vmem_shared>>
      tpu.enqueue_indirect_dma source(%dma_start3A_518 : memref<128x128xf32, #tpu.memory_space<vmem>>) target(%dma_start3A_524 : memref<10112x128xf32, #tpu.memory_space<vmem_shared>>) offsets(%dma_start3A_521 : memref<128xi32, #tpu.memory_space<vmem>>) semaphore(%arg16 : memref<!tpu.dma_semaphore, #tpu.memory_space<semaphore_mem>>) {add = true}
      %eq3A_525 = arith.constant 0 : i32
      %eq3A_526 = arith.cmpi eq, %arg0, %eq3A_525 : i32
      %convert_element_type3A_527 = arith.extui %eq3A_526 : i1 to i32
      %cond3A_528 = arith.constant 0 : i32
      %cond3A_529 = arith.cmpi ne, %convert_element_type3A_527, %cond3A_528 : i32
      scf.if %cond3A_529 {
        %scan3A_939 = arith.constant 0 : i32
        %scan3A_940 = arith.constant 8 : i32
        %scan3A_941 = arith.addi %scan3A_939, %scan3A_940 : i32
        %scan3A_942 = arith.constant 1 : i32
        scf.for %scan3A_944 = %scan3A_939 to %scan3A_941 step %scan3A_942  : i32 {
          %mul3A_945 = arith.constant 1 : i32
          %mul3A_946 = arith.muli %scan3A_944, %mul3A_945 : i32
          %add3A_947 = arith.constant 0 : i32
          %add3A_948 = arith.addi %add3A_947, %mul3A_946 : i32
          %mul3A_949 = arith.constant 16 : i32
          %mul3A_950 = arith.muli %add3A_948, %mul3A_949 : i32
          %add3A_951 = arith.constant 896 : i32
          %add3A_952 = arith.addi %add3A_951, %mul3A_950 : i32
          %get3A = arith.constant 0 : i32
          %get3A_953 = arith.index_cast %get3A : i32 to index
          %get3A_954 = arith.index_cast %add3A_952 : i32 to index
          %get3A_955 = tpu.vector_load %arg9[%get3A_953, %get3A_954] {strides = array<i32>} : memref<2x1024xi32, #tpu.memory_space<vmem>>, vector<16xi32>,
          tpu.vector_store_idx %arg11[%get3A_955], %broadcast_in_dim3A_1 {add = true} : memref<10112xf32, #tpu.memory_space<vmem>>[vector<16xi32>], vector<16xf32>,
        }
        %scan3A_943 = arith.constant 8 : i32
      } else {
      }
      %dma_wait3A_530 = arith.constant 0 : i32
      %dma_wait3A_531 = arith.constant 0 : i32
      %dma_wait3A_532 = arith.constant 0 : i32
      %dma_wait3A_533 = arith.constant 0 : i32
      %dma_wait3A_534 = tpu.memref_slice %arg10[%dma_wait3A_531, %dma_wait3A_532, %dma_wait3A_533] : memref<2x128x128xf32, #tpu.memory_space<vmem>> -> memref<1x128x128xf32, #tpu.memory_space<vmem>>
      %dma_wait3A_535 = tpu.memref_squeeze %dma_wait3A_534 : memref<1x128x128xf32, #tpu.memory_space<vmem>> -> memref<128x128xf32, #tpu.memory_space<vmem>>
      %dma_wait3A_536 = arith.constant 0 : i32
      %dma_wait3A_537 = tpu.memref_slice %arg8[%dma_wait3A_530, %dma_wait3A_536] : memref<2x1024xi32, #tpu.memory_space<vmem>> -> memref<1x128xi32, #tpu.memory_space<vmem>>
      %dma_wait3A_538 = tpu.memref_squeeze %dma_wait3A_537 : memref<1x128xi32, #tpu.memory_space<vmem>> -> memref<128xi32, #tpu.memory_space<vmem>>
      %dma_wait3A_539 = arith.constant 0 : i32
      %dma_wait3A_540 = arith.constant 0 : i32
      %dma_wait3A_541 = tpu.memref_slice %arg2[%dma_wait3A_539, %dma_wait3A_540] : memref<20000x128xf32, #tpu.memory_space<hbm>> -> memref<20000x128xf32, #tpu.memory_space<hbm>>
      tpu.wait_indirect_dma semaphore(%arg13 : memref<!tpu.dma_semaphore, #tpu.memory_space<semaphore_mem>>) src(%dma_wait3A_541 : memref<20000x128xf32, #tpu.memory_space<hbm>>) dst(%dma_wait3A_535 : memref<128x128xf32, #tpu.memory_space<vmem>>)
      %dma_wait3A_542 = arith.constant 1 : i32
      %dma_wait3A_543 = arith.constant 0 : i32
      %dma_wait3A_544 = arith.constant 0 : i32
      %dma_wait3A_545 = arith.constant 0 : i32
      %dma_wait3A_546 = tpu.memref_slice %arg10[%dma_wait3A_542, %dma_wait3A_544, %dma_wait3A_545] : memref<2x128x128xf32, #tpu.memory_space<vmem>> -> memref<1x128x128xf32, #tpu.memory_space<vmem>>
      %dma_wait3A_547 = tpu.memref_squeeze %dma_wait3A_546 : memref<1x128x128xf32, #tpu.memory_space<vmem>> -> memref<128x128xf32, #tpu.memory_space<vmem>>
      %dma_wait3A_548 = arith.constant 0 : i32
      %dma_wait3A_549 = tpu.memref_slice %arg9[%dma_wait3A_543, %dma_wait3A_548] : memref<2x1024xi32, #tpu.memory_space<vmem>> -> memref<1x128xi32, #tpu.memory_space<vmem>>
      %dma_wait3A_550 = tpu.memref_squeeze %dma_wait3A_549 : memref<1x128xi32, #tpu.memory_space<vmem>> -> memref<128xi32, #tpu.memory_space<vmem>>
      %dma_wait3A_551 = arith.constant 0 : i32
      %dma_wait3A_552 = arith.constant 0 : i32
      %dma_wait3A_553 = tpu.memref_slice %arg12[%dma_wait3A_551, %dma_wait3A_552] : memref<10112x128xf32, #tpu.memory_space<vmem_shared>> -> memref<10112x128xf32, #tpu.memory_space<vmem_shared>>
      tpu.wait_indirect_dma semaphore(%arg16 : memref<!tpu.dma_semaphore, #tpu.memory_space<semaphore_mem>>) src(%dma_wait3A_547 : memref<128x128xf32, #tpu.memory_space<vmem>>) dst(%dma_wait3A_553 : memref<10112x128xf32, #tpu.memory_space<vmem_shared>>)
      %dma_start3A_554 = arith.constant 1 : i32
      %dma_start3A_555 = arith.constant 1 : i32
      %dma_start3A_556 = arith.constant 0 : i32
      %dma_start3A_557 = arith.constant 0 : i32
      %dma_start3A_558 = tpu.memref_slice %arg10[%dma_start3A_555, %dma_start3A_556, %dma_start3A_557] : memref<2x128x128xf32, #tpu.memory_space<vmem>> -> memref<1x128x128xf32, #tpu.memory_space<vmem>>
      %dma_start3A_559 = tpu.memref_squeeze %dma_start3A_558 : memref<1x128x128xf32, #tpu.memory_space<vmem>> -> memref<128x128xf32, #tpu.memory_space<vmem>>
      %dma_start3A_560 = arith.constant 128 : i32
      %dma_start3A_561 = tpu.memref_slice %arg8[%dma_start3A_554, %dma_start3A_560] : memref<2x1024xi32, #tpu.memory_space<vmem>> -> memref<1x128xi32, #tpu.memory_space<vmem>>
      %dma_start3A_562 = tpu.memref_squeeze %dma_start3A_561 : memref<1x128xi32, #tpu.memory_space<vmem>> -> memref<128xi32, #tpu.memory_space<vmem>>
      %dma_start3A_563 = arith.constant 0 : i32
      %dma_start3A_564 = arith.constant 0 : i32
      %dma_start3A_565 = tpu.memref_slice %arg2[%dma_start3A_563, %dma_start3A_564] : memref<20000x128xf32, #tpu.memory_space<hbm>> -> memref<20000x128xf32, #tpu.memory_space<hbm>>
      tpu.enqueue_indirect_dma source(%dma_start3A_565 : memref<20000x128xf32, #tpu.memory_space<hbm>>) target(%dma_start3A_559 : memref<128x128xf32, #tpu.memory_space<vmem>>) offsets(%dma_start3A_562 : memref<128xi32, #tpu.memory_space<vmem>>) semaphore(%arg14 : memref<!tpu.dma_semaphore, #tpu.memory_space<semaphore_mem>>)
      %dma_start3A_566 = arith.constant 0 : i32
      %dma_start3A_567 = arith.constant 1 : i32
      %dma_start3A_568 = arith.constant 0 : i32
      %dma_start3A_569 = arith.constant 0 : i32
      %dma_start3A_570 = tpu.memref_slice %arg10[%dma_start3A_566, %dma_start3A_568, %dma_start3A_569] : memref<2x128x128xf32, #tpu.memory_space<vmem>> -> memref<1x128x128xf32, #tpu.memory_space<vmem>>
      %dma_start3A_571 = tpu.memref_squeeze %dma_start3A_570 : memref<1x128x128xf32, #tpu.memory_space<vmem>> -> memref<128x128xf32, #tpu.memory_space<vmem>>
      %dma_start3A_572 = arith.constant 0 : i32
      %dma_start3A_573 = tpu.memref_slice %arg9[%dma_start3A_567, %dma_start3A_572] : memref<2x1024xi32, #tpu.memory_space<vmem>> -> memref<1x128xi32, #tpu.memory_space<vmem>>
      %dma_start3A_574 = tpu.memref_squeeze %dma_start3A_573 : memref<1x128xi32, #tpu.memory_space<vmem>> -> memref<128xi32, #tpu.memory_space<vmem>>
      %dma_start3A_575 = arith.constant 0 : i32
      %dma_start3A_576 = arith.constant 0 : i32
      %dma_start3A_577 = tpu.memref_slice %arg12[%dma_start3A_575, %dma_start3A_576] : memref<10112x128xf32, #tpu.memory_space<vmem_shared>> -> memref<10112x128xf32, #tpu.memory_space<vmem_shared>>
      tpu.enqueue_indirect_dma source(%dma_start3A_571 : memref<128x128xf32, #tpu.memory_space<vmem>>) target(%dma_start3A_577 : memref<10112x128xf32, #tpu.memory_space<vmem_shared>>) offsets(%dma_start3A_574 : memref<128xi32, #tpu.memory_space<vmem>>) semaphore(%arg15 : memref<!tpu.dma_semaphore, #tpu.memory_space<semaphore_mem>>) {add = true}
      %eq3A_578 = arith.constant 0 : i32
      %eq3A_579 = arith.cmpi eq, %arg0, %eq3A_578 : i32
      %convert_element_type3A_580 = arith.extui %eq3A_579 : i1 to i32
      %cond3A_581 = arith.constant 0 : i32
      %cond3A_582 = arith.cmpi ne, %convert_element_type3A_580, %cond3A_581 : i32
      scf.if %cond3A_582 {
        %scan3A_939 = arith.constant 0 : i32
        %scan3A_940 = arith.constant 8 : i32
        %scan3A_941 = arith.addi %scan3A_939, %scan3A_940 : i32
        %scan3A_942 = arith.constant 1 : i32
        scf.for %scan3A_944 = %scan3A_939 to %scan3A_941 step %scan3A_942  : i32 {
          %mul3A_945 = arith.constant 1 : i32
          %mul3A_946 = arith.muli %scan3A_944, %mul3A_945 : i32
          %add3A_947 = arith.constant 0 : i32
          %add3A_948 = arith.addi %add3A_947, %mul3A_946 : i32
          %mul3A_949 = arith.constant 16 : i32
          %mul3A_950 = arith.muli %add3A_948, %mul3A_949 : i32
          %add3A_951 = arith.constant 0 : i32
          %add3A_952 = arith.addi %add3A_951, %mul3A_950 : i32
          %get3A = arith.constant 1 : i32
          %get3A_953 = arith.index_cast %get3A : i32 to index
          %get3A_954 = arith.index_cast %add3A_952 : i32 to index
          %get3A_955 = tpu.vector_load %arg9[%get3A_953, %get3A_954] {strides = array<i32>} : memref<2x1024xi32, #tpu.memory_space<vmem>>, vector<16xi32>,
          tpu.vector_store_idx %arg11[%get3A_955], %broadcast_in_dim3A_1 {add = true} : memref<10112xf32, #tpu.memory_space<vmem>>[vector<16xi32>], vector<16xf32>,
        }
        %scan3A_943 = arith.constant 8 : i32
      } else {
      }
      %dma_wait3A_583 = arith.constant 0 : i32
      %dma_wait3A_584 = arith.constant 1 : i32
      %dma_wait3A_585 = arith.constant 0 : i32
      %dma_wait3A_586 = arith.constant 0 : i32
      %dma_wait3A_587 = tpu.memref_slice %arg10[%dma_wait3A_584, %dma_wait3A_585, %dma_wait3A_586] : memref<2x128x128xf32, #tpu.memory_space<vmem>> -> memref<1x128x128xf32, #tpu.memory_space<vmem>>
      %dma_wait3A_588 = tpu.memref_squeeze %dma_wait3A_587 : memref<1x128x128xf32, #tpu.memory_space<vmem>> -> memref<128x128xf32, #tpu.memory_space<vmem>>
      %dma_wait3A_589 = arith.constant 0 : i32
      %dma_wait3A_590 = tpu.memref_slice %arg8[%dma_wait3A_583, %dma_wait3A_589] : memref<2x1024xi32, #tpu.memory_space<vmem>> -> memref<1x128xi32, #tpu.memory_space<vmem>>
      %dma_wait3A_591 = tpu.memref_squeeze %dma_wait3A_590 : memref<1x128xi32, #tpu.memory_space<vmem>> -> memref<128xi32, #tpu.memory_space<vmem>>
      %dma_wait3A_592 = arith.constant 0 : i32
      %dma_wait3A_593 = arith.constant 0 : i32
      %dma_wait3A_594 = tpu.memref_slice %arg2[%dma_wait3A_592, %dma_wait3A_593] : memref<20000x128xf32, #tpu.memory_space<hbm>> -> memref<20000x128xf32, #tpu.memory_space<hbm>>
      tpu.wait_indirect_dma semaphore(%arg14 : memref<!tpu.dma_semaphore, #tpu.memory_space<semaphore_mem>>) src(%dma_wait3A_594 : memref<20000x128xf32, #tpu.memory_space<hbm>>) dst(%dma_wait3A_588 : memref<128x128xf32, #tpu.memory_space<vmem>>)
      %dma_wait3A_595 = arith.constant 0 : i32
      %dma_wait3A_596 = arith.constant 0 : i32
      %dma_wait3A_597 = arith.constant 0 : i32
      %dma_wait3A_598 = arith.constant 0 : i32
      %dma_wait3A_599 = tpu.memref_slice %arg10[%dma_wait3A_595, %dma_wait3A_597, %dma_wait3A_598] : memref<2x128x128xf32, #tpu.memory_space<vmem>> -> memref<1x128x128xf32, #tpu.memory_space<vmem>>
      %dma_wait3A_600 = tpu.memref_squeeze %dma_wait3A_599 : memref<1x128x128xf32, #tpu.memory_space<vmem>> -> memref<128x128xf32, #tpu.memory_space<vmem>>
      %dma_wait3A_601 = arith.constant 0 : i32
      %dma_wait3A_602 = tpu.memref_slice %arg9[%dma_wait3A_596, %dma_wait3A_601] : memref<2x1024xi32, #tpu.memory_space<vmem>> -> memref<1x128xi32, #tpu.memory_space<vmem>>
      %dma_wait3A_603 = tpu.memref_squeeze %dma_wait3A_602 : memref<1x128xi32, #tpu.memory_space<vmem>> -> memref<128xi32, #tpu.memory_space<vmem>>
      %dma_wait3A_604 = arith.constant 0 : i32
      %dma_wait3A_605 = arith.constant 0 : i32
      %dma_wait3A_606 = tpu.memref_slice %arg12[%dma_wait3A_604, %dma_wait3A_605] : memref<10112x128xf32, #tpu.memory_space<vmem_shared>> -> memref<10112x128xf32, #tpu.memory_space<vmem_shared>>
      tpu.wait_indirect_dma semaphore(%arg15 : memref<!tpu.dma_semaphore, #tpu.memory_space<semaphore_mem>>) src(%dma_wait3A_600 : memref<128x128xf32, #tpu.memory_space<vmem>>) dst(%dma_wait3A_606 : memref<10112x128xf32, #tpu.memory_space<vmem_shared>>)
      %dma_start3A_607 = arith.constant 1 : i32
      %dma_start3A_608 = arith.constant 0 : i32
      %dma_start3A_609 = arith.constant 0 : i32
      %dma_start3A_610 = arith.constant 0 : i32
      %dma_start3A_611 = tpu.memref_slice %arg10[%dma_start3A_608, %dma_start3A_609, %dma_start3A_610] : memref<2x128x128xf32, #tpu.memory_space<vmem>> -> memref<1x128x128xf32, #tpu.memory_space<vmem>>
      %dma_start3A_612 = tpu.memref_squeeze %dma_start3A_611 : memref<1x128x128xf32, #tpu.memory_space<vmem>> -> memref<128x128xf32, #tpu.memory_space<vmem>>
      %dma_start3A_613 = arith.constant 256 : i32
      %dma_start3A_614 = tpu.memref_slice %arg8[%dma_start3A_607, %dma_start3A_613] : memref<2x1024xi32, #tpu.memory_space<vmem>> -> memref<1x128xi32, #tpu.memory_space<vmem>>
      %dma_start3A_615 = tpu.memref_squeeze %dma_start3A_614 : memref<1x128xi32, #tpu.memory_space<vmem>> -> memref<128xi32, #tpu.memory_space<vmem>>
      %dma_start3A_616 = arith.constant 0 : i32
      %dma_start3A_617 = arith.constant 0 : i32
      %dma_start3A_618 = tpu.memref_slice %arg2[%dma_start3A_616, %dma_start3A_617] : memref<20000x128xf32, #tpu.memory_space<hbm>> -> memref<20000x128xf32, #tpu.memory_space<hbm>>
      tpu.enqueue_indirect_dma source(%dma_start3A_618 : memref<20000x128xf32, #tpu.memory_space<hbm>>) target(%dma_start3A_612 : memref<128x128xf32, #tpu.memory_space<vmem>>) offsets(%dma_start3A_615 : memref<128xi32, #tpu.memory_space<vmem>>) semaphore(%arg13 : memref<!tpu.dma_semaphore, #tpu.memory_space<semaphore_mem>>)
      %dma_start3A_619 = arith.constant 1 : i32
      %dma_start3A_620 = arith.constant 1 : i32
      %dma_start3A_621 = arith.constant 0 : i32
      %dma_start3A_622 = arith.constant 0 : i32
      %dma_start3A_623 = tpu.memref_slice %arg10[%dma_start3A_619, %dma_start3A_621, %dma_start3A_622] : memref<2x128x128xf32, #tpu.memory_space<vmem>> -> memref<1x128x128xf32, #tpu.memory_space<vmem>>
      %dma_start3A_624 = tpu.memref_squeeze %dma_start3A_623 : memref<1x128x128xf32, #tpu.memory_space<vmem>> -> memref<128x128xf32, #tpu.memory_space<vmem>>
      %dma_start3A_625 = arith.constant 128 : i32
      %dma_start3A_626 = tpu.memref_slice %arg9[%dma_start3A_620, %dma_start3A_625] : memref<2x1024xi32, #tpu.memory_space<vmem>> -> memref<1x128xi32, #tpu.memory_space<vmem>>
      %dma_start3A_627 = tpu.memref_squeeze %dma_start3A_626 : memref<1x128xi32, #tpu.memory_space<vmem>> -> memref<128xi32, #tpu.memory_space<vmem>>
      %dma_start3A_628 = arith.constant 0 : i32
      %dma_start3A_629 = arith.constant 0 : i32
      %dma_start3A_630 = tpu.memref_slice %arg12[%dma_start3A_628, %dma_start3A_629] : memref<10112x128xf32, #tpu.memory_space<vmem_shared>> -> memref<10112x128xf32, #tpu.memory_space<vmem_shared>>
      tpu.enqueue_indirect_dma source(%dma_start3A_624 : memref<128x128xf32, #tpu.memory_space<vmem>>) target(%dma_start3A_630 : memref<10112x128xf32, #tpu.memory_space<vmem_shared>>) offsets(%dma_start3A_627 : memref<128xi32, #tpu.memory_space<vmem>>) semaphore(%arg16 : memref<!tpu.dma_semaphore, #tpu.memory_space<semaphore_mem>>) {add = true}
      %eq3A_631 = arith.constant 0 : i32
      %eq3A_632 = arith.cmpi eq, %arg0, %eq3A_631 : i32
      %convert_element_type3A_633 = arith.extui %eq3A_632 : i1 to i32
      %cond3A_634 = arith.constant 0 : i32
      %cond3A_635 = arith.cmpi ne, %convert_element_type3A_633, %cond3A_634 : i32
      scf.if %cond3A_635 {
        %scan3A_939 = arith.constant 0 : i32
        %scan3A_940 = arith.constant 8 : i32
        %scan3A_941 = arith.addi %scan3A_939, %scan3A_940 : i32
        %scan3A_942 = arith.constant 1 : i32
        scf.for %scan3A_944 = %scan3A_939 to %scan3A_941 step %scan3A_942  : i32 {
          %mul3A_945 = arith.constant 1 : i32
          %mul3A_946 = arith.muli %scan3A_944, %mul3A_945 : i32
          %add3A_947 = arith.constant 0 : i32
          %add3A_948 = arith.addi %add3A_947, %mul3A_946 : i32
          %mul3A_949 = arith.constant 16 : i32
          %mul3A_950 = arith.muli %add3A_948, %mul3A_949 : i32
          %add3A_951 = arith.constant 128 : i32
          %add3A_952 = arith.addi %add3A_951, %mul3A_950 : i32
          %get3A = arith.constant 1 : i32
          %get3A_953 = arith.index_cast %get3A : i32 to index
          %get3A_954 = arith.index_cast %add3A_952 : i32 to index
          %get3A_955 = tpu.vector_load %arg9[%get3A_953, %get3A_954] {strides = array<i32>} : memref<2x1024xi32, #tpu.memory_space<vmem>>, vector<16xi32>,
          tpu.vector_store_idx %arg11[%get3A_955], %broadcast_in_dim3A_1 {add = true} : memref<10112xf32, #tpu.memory_space<vmem>>[vector<16xi32>], vector<16xf32>,
        }
        %scan3A_943 = arith.constant 8 : i32
      } else {
      }
      %dma_wait3A_636 = arith.constant 0 : i32
      %dma_wait3A_637 = arith.constant 0 : i32
      %dma_wait3A_638 = arith.constant 0 : i32
      %dma_wait3A_639 = arith.constant 0 : i32
      %dma_wait3A_640 = tpu.memref_slice %arg10[%dma_wait3A_637, %dma_wait3A_638, %dma_wait3A_639] : memref<2x128x128xf32, #tpu.memory_space<vmem>> -> memref<1x128x128xf32, #tpu.memory_space<vmem>>
      %dma_wait3A_641 = tpu.memref_squeeze %dma_wait3A_640 : memref<1x128x128xf32, #tpu.memory_space<vmem>> -> memref<128x128xf32, #tpu.memory_space<vmem>>
      %dma_wait3A_642 = arith.constant 0 : i32
      %dma_wait3A_643 = tpu.memref_slice %arg8[%dma_wait3A_636, %dma_wait3A_642] : memref<2x1024xi32, #tpu.memory_space<vmem>> -> memref<1x128xi32, #tpu.memory_space<vmem>>
      %dma_wait3A_644 = tpu.memref_squeeze %dma_wait3A_643 : memref<1x128xi32, #tpu.memory_space<vmem>> -> memref<128xi32, #tpu.memory_space<vmem>>
      %dma_wait3A_645 = arith.constant 0 : i32
      %dma_wait3A_646 = arith.constant 0 : i32
      %dma_wait3A_647 = tpu.memref_slice %arg2[%dma_wait3A_645, %dma_wait3A_646] : memref<20000x128xf32, #tpu.memory_space<hbm>> -> memref<20000x128xf32, #tpu.memory_space<hbm>>
      tpu.wait_indirect_dma semaphore(%arg13 : memref<!tpu.dma_semaphore, #tpu.memory_space<semaphore_mem>>) src(%dma_wait3A_647 : memref<20000x128xf32, #tpu.memory_space<hbm>>) dst(%dma_wait3A_641 : memref<128x128xf32, #tpu.memory_space<vmem>>)
      %lt3A = arith.constant 8 : i32
      %lt3A_648 = arith.cmpi slt, %add3A_61, %lt3A : i32
      %convert_element_type3A_649 = arith.extui %lt3A_648 : i1 to i32
      %cond3A_650 = arith.constant 0 : i32
      %cond3A_651 = arith.cmpi ne, %convert_element_type3A_649, %cond3A_650 : i32
      scf.if %cond3A_651 {
        %add3A_939 = arith.constant 2 : i32
        %add3A_940 = arith.addi %add3A_61, %add3A_939 : i32
        %mul3A_941 = arith.constant 10 : i32
        %mul3A_942 = arith.muli %arg1, %mul3A_941 : i32
        %add3A_943 = arith.addi %mul3A_942, %add3A_940 : i32
        %mul3A_944 = arith.constant 1024 : i32
        %mul3A_945 = arith.muli %add3A_943, %mul3A_944 : i32
        %dma_start3A_946 = arith.constant 0 : i32
        %dma_start3A_947 = arith.constant 0 : i32
        %dma_start3A_948 = tpu.memref_slice %arg8[%dma_start3A_946, %dma_start3A_947] : memref<2x1024xi32, #tpu.memory_space<vmem>> -> memref<1x1024xi32, #tpu.memory_space<vmem>>
        %dma_start3A_949 = tpu.memref_squeeze %dma_start3A_948 : memref<1x1024xi32, #tpu.memory_space<vmem>> -> memref<1024xi32, #tpu.memory_space<vmem>>
        %dma_start3A_950 = tpu.memref_slice %arg3[%mul3A_945] : memref<163840xi32, #tpu.memory_space<hbm>> -> memref<1024xi32, #tpu.memory_space<hbm>>
        %dma_start3A_951 = arith.constant 0 : i32
        %dma_start3A_952 = tpu.memref_slice %arg8[%dma_start3A_946, %dma_start3A_951] : memref<2x1024xi32, #tpu.memory_space<vmem>> -> memref<1x1024xi32, #tpu.memory_space<vmem>>
        %dma_start3A_953 = tpu.memref_squeeze %dma_start3A_952 : memref<1x1024xi32, #tpu.memory_space<vmem>> -> memref<1024xi32, #tpu.memory_space<vmem>>
        %dma_start3A_954 = tpu.memref_slice %arg3[%mul3A_945] : memref<163840xi32, #tpu.memory_space<hbm>> -> memref<1024xi32, #tpu.memory_space<hbm>>
        tpu.enqueue_dma source(%dma_start3A_954 : memref<1024xi32, #tpu.memory_space<hbm>>) target(%dma_start3A_953 : memref<1024xi32, #tpu.memory_space<vmem>>) target_semaphore(%arg17 : memref<!tpu.dma_semaphore, #tpu.memory_space<semaphore_mem>>)
        %dma_start3A_955 = arith.constant 0 : i32
        %dma_start3A_956 = arith.constant 0 : i32
        %dma_start3A_957 = tpu.memref_slice %arg9[%dma_start3A_955, %dma_start3A_956] : memref<2x1024xi32, #tpu.memory_space<vmem>> -> memref<1x1024xi32, #tpu.memory_space<vmem>>
        %dma_start3A_958 = tpu.memref_squeeze %dma_start3A_957 : memref<1x1024xi32, #tpu.memory_space<vmem>> -> memref<1024xi32, #tpu.memory_space<vmem>>
        %dma_start3A_959 = tpu.memref_slice %arg4[%mul3A_945] : memref<163840xi32, #tpu.memory_space<hbm>> -> memref<1024xi32, #tpu.memory_space<hbm>>
        %dma_start3A_960 = arith.constant 0 : i32
        %dma_start3A_961 = tpu.memref_slice %arg9[%dma_start3A_955, %dma_start3A_960] : memref<2x1024xi32, #tpu.memory_space<vmem>> -> memref<1x1024xi32, #tpu.memory_space<vmem>>
        %dma_start3A_962 = tpu.memref_squeeze %dma_start3A_961 : memref<1x1024xi32, #tpu.memory_space<vmem>> -> memref<1024xi32, #tpu.memory_space<vmem>>
        %dma_start3A_963 = tpu.memref_slice %arg4[%mul3A_945] : memref<163840xi32, #tpu.memory_space<hbm>> -> memref<1024xi32, #tpu.memory_space<hbm>>
        tpu.enqueue_dma source(%dma_start3A_963 : memref<1024xi32, #tpu.memory_space<hbm>>) target(%dma_start3A_962 : memref<1024xi32, #tpu.memory_space<vmem>>) target_semaphore(%arg18 : memref<!tpu.dma_semaphore, #tpu.memory_space<semaphore_mem>>)
      } else {
      }
      %dma_wait3A_652 = arith.constant 1 : i32
      %dma_wait3A_653 = arith.constant 0 : i32
      %dma_wait3A_654 = arith.constant 0 : i32
      %dma_wait3A_655 = arith.constant 0 : i32
      %dma_wait3A_656 = tpu.memref_slice %arg10[%dma_wait3A_652, %dma_wait3A_654, %dma_wait3A_655] : memref<2x128x128xf32, #tpu.memory_space<vmem>> -> memref<1x128x128xf32, #tpu.memory_space<vmem>>
      %dma_wait3A_657 = tpu.memref_squeeze %dma_wait3A_656 : memref<1x128x128xf32, #tpu.memory_space<vmem>> -> memref<128x128xf32, #tpu.memory_space<vmem>>
      %dma_wait3A_658 = arith.constant 0 : i32
      %dma_wait3A_659 = tpu.memref_slice %arg9[%dma_wait3A_653, %dma_wait3A_658] : memref<2x1024xi32, #tpu.memory_space<vmem>> -> memref<1x128xi32, #tpu.memory_space<vmem>>
      %dma_wait3A_660 = tpu.memref_squeeze %dma_wait3A_659 : memref<1x128xi32, #tpu.memory_space<vmem>> -> memref<128xi32, #tpu.memory_space<vmem>>
      %dma_wait3A_661 = arith.constant 0 : i32
      %dma_wait3A_662 = arith.constant 0 : i32
      %dma_wait3A_663 = tpu.memref_slice %arg12[%dma_wait3A_661, %dma_wait3A_662] : memref<10112x128xf32, #tpu.memory_space<vmem_shared>> -> memref<10112x128xf32, #tpu.memory_space<vmem_shared>>
      tpu.wait_indirect_dma semaphore(%arg16 : memref<!tpu.dma_semaphore, #tpu.memory_space<semaphore_mem>>) src(%dma_wait3A_657 : memref<128x128xf32, #tpu.memory_space<vmem>>) dst(%dma_wait3A_663 : memref<10112x128xf32, #tpu.memory_space<vmem_shared>>)
      %dma_start3A_664 = arith.constant 1 : i32
      %dma_start3A_665 = arith.constant 1 : i32
      %dma_start3A_666 = arith.constant 0 : i32
      %dma_start3A_667 = arith.constant 0 : i32
      %dma_start3A_668 = tpu.memref_slice %arg10[%dma_start3A_665, %dma_start3A_666, %dma_start3A_667] : memref<2x128x128xf32, #tpu.memory_space<vmem>> -> memref<1x128x128xf32, #tpu.memory_space<vmem>>
      %dma_start3A_669 = tpu.memref_squeeze %dma_start3A_668 : memref<1x128x128xf32, #tpu.memory_space<vmem>> -> memref<128x128xf32, #tpu.memory_space<vmem>>
      %dma_start3A_670 = arith.constant 384 : i32
      %dma_start3A_671 = tpu.memref_slice %arg8[%dma_start3A_664, %dma_start3A_670] : memref<2x1024xi32, #tpu.memory_space<vmem>> -> memref<1x128xi32, #tpu.memory_space<vmem>>
      %dma_start3A_672 = tpu.memref_squeeze %dma_start3A_671 : memref<1x128xi32, #tpu.memory_space<vmem>> -> memref<128xi32, #tpu.memory_space<vmem>>
      %dma_start3A_673 = arith.constant 0 : i32
      %dma_start3A_674 = arith.constant 0 : i32
      %dma_start3A_675 = tpu.memref_slice %arg2[%dma_start3A_673, %dma_start3A_674] : memref<20000x128xf32, #tpu.memory_space<hbm>> -> memref<20000x128xf32, #tpu.memory_space<hbm>>
      tpu.enqueue_indirect_dma source(%dma_start3A_675 : memref<20000x128xf32, #tpu.memory_space<hbm>>) target(%dma_start3A_669 : memref<128x128xf32, #tpu.memory_space<vmem>>) offsets(%dma_start3A_672 : memref<128xi32, #tpu.memory_space<vmem>>) semaphore(%arg14 : memref<!tpu.dma_semaphore, #tpu.memory_space<semaphore_mem>>)
      %dma_start3A_676 = arith.constant 0 : i32
      %dma_start3A_677 = arith.constant 1 : i32
      %dma_start3A_678 = arith.constant 0 : i32
      %dma_start3A_679 = arith.constant 0 : i32
      %dma_start3A_680 = tpu.memref_slice %arg10[%dma_start3A_676, %dma_start3A_678, %dma_start3A_679] : memref<2x128x128xf32, #tpu.memory_space<vmem>> -> memref<1x128x128xf32, #tpu.memory_space<vmem>>
      %dma_start3A_681 = tpu.memref_squeeze %dma_start3A_680 : memref<1x128x128xf32, #tpu.memory_space<vmem>> -> memref<128x128xf32, #tpu.memory_space<vmem>>
      %dma_start3A_682 = arith.constant 256 : i32
      %dma_start3A_683 = tpu.memref_slice %arg9[%dma_start3A_677, %dma_start3A_682] : memref<2x1024xi32, #tpu.memory_space<vmem>> -> memref<1x128xi32, #tpu.memory_space<vmem>>
      %dma_start3A_684 = tpu.memref_squeeze %dma_start3A_683 : memref<1x128xi32, #tpu.memory_space<vmem>> -> memref<128xi32, #tpu.memory_space<vmem>>
      %dma_start3A_685 = arith.constant 0 : i32
      %dma_start3A_686 = arith.constant 0 : i32
      %dma_start3A_687 = tpu.memref_slice %arg12[%dma_start3A_685, %dma_start3A_686] : memref<10112x128xf32, #tpu.memory_space<vmem_shared>> -> memref<10112x128xf32, #tpu.memory_space<vmem_shared>>
      tpu.enqueue_indirect_dma source(%dma_start3A_681 : memref<128x128xf32, #tpu.memory_space<vmem>>) target(%dma_start3A_687 : memref<10112x128xf32, #tpu.memory_space<vmem_shared>>) offsets(%dma_start3A_684 : memref<128xi32, #tpu.memory_space<vmem>>) semaphore(%arg15 : memref<!tpu.dma_semaphore, #tpu.memory_space<semaphore_mem>>) {add = true}
      %eq3A_688 = arith.constant 0 : i32
      %eq3A_689 = arith.cmpi eq, %arg0, %eq3A_688 : i32
      %convert_element_type3A_690 = arith.extui %eq3A_689 : i1 to i32
      %cond3A_691 = arith.constant 0 : i32
      %cond3A_692 = arith.cmpi ne, %convert_element_type3A_690, %cond3A_691 : i32
      scf.if %cond3A_692 {
        %scan3A_939 = arith.constant 0 : i32
        %scan3A_940 = arith.constant 8 : i32
        %scan3A_941 = arith.addi %scan3A_939, %scan3A_940 : i32
        %scan3A_942 = arith.constant 1 : i32
        scf.for %scan3A_944 = %scan3A_939 to %scan3A_941 step %scan3A_942  : i32 {
          %mul3A_945 = arith.constant 1 : i32
          %mul3A_946 = arith.muli %scan3A_944, %mul3A_945 : i32
          %add3A_947 = arith.constant 0 : i32
          %add3A_948 = arith.addi %add3A_947, %mul3A_946 : i32
          %mul3A_949 = arith.constant 16 : i32
          %mul3A_950 = arith.muli %add3A_948, %mul3A_949 : i32
          %add3A_951 = arith.constant 256 : i32
          %add3A_952 = arith.addi %add3A_951, %mul3A_950 : i32
          %get3A = arith.constant 1 : i32
          %get3A_953 = arith.index_cast %get3A : i32 to index
          %get3A_954 = arith.index_cast %add3A_952 : i32 to index
          %get3A_955 = tpu.vector_load %arg9[%get3A_953, %get3A_954] {strides = array<i32>} : memref<2x1024xi32, #tpu.memory_space<vmem>>, vector<16xi32>,
          tpu.vector_store_idx %arg11[%get3A_955], %broadcast_in_dim3A_1 {add = true} : memref<10112xf32, #tpu.memory_space<vmem>>[vector<16xi32>], vector<16xf32>,
        }
        %scan3A_943 = arith.constant 8 : i32
      } else {
      }
      %dma_wait3A_693 = arith.constant 0 : i32
      %dma_wait3A_694 = arith.constant 1 : i32
      %dma_wait3A_695 = arith.constant 0 : i32
      %dma_wait3A_696 = arith.constant 0 : i32
      %dma_wait3A_697 = tpu.memref_slice %arg10[%dma_wait3A_694, %dma_wait3A_695, %dma_wait3A_696] : memref<2x128x128xf32, #tpu.memory_space<vmem>> -> memref<1x128x128xf32, #tpu.memory_space<vmem>>
      %dma_wait3A_698 = tpu.memref_squeeze %dma_wait3A_697 : memref<1x128x128xf32, #tpu.memory_space<vmem>> -> memref<128x128xf32, #tpu.memory_space<vmem>>
      %dma_wait3A_699 = arith.constant 0 : i32
      %dma_wait3A_700 = tpu.memref_slice %arg8[%dma_wait3A_693, %dma_wait3A_699] : memref<2x1024xi32, #tpu.memory_space<vmem>> -> memref<1x128xi32, #tpu.memory_space<vmem>>
      %dma_wait3A_701 = tpu.memref_squeeze %dma_wait3A_700 : memref<1x128xi32, #tpu.memory_space<vmem>> -> memref<128xi32, #tpu.memory_space<vmem>>
      %dma_wait3A_702 = arith.constant 0 : i32
      %dma_wait3A_703 = arith.constant 0 : i32
      %dma_wait3A_704 = tpu.memref_slice %arg2[%dma_wait3A_702, %dma_wait3A_703] : memref<20000x128xf32, #tpu.memory_space<hbm>> -> memref<20000x128xf32, #tpu.memory_space<hbm>>
      tpu.wait_indirect_dma semaphore(%arg14 : memref<!tpu.dma_semaphore, #tpu.memory_space<semaphore_mem>>) src(%dma_wait3A_704 : memref<20000x128xf32, #tpu.memory_space<hbm>>) dst(%dma_wait3A_698 : memref<128x128xf32, #tpu.memory_space<vmem>>)
      %dma_wait3A_705 = arith.constant 0 : i32
      %dma_wait3A_706 = arith.constant 0 : i32
      %dma_wait3A_707 = arith.constant 0 : i32
      %dma_wait3A_708 = arith.constant 0 : i32
      %dma_wait3A_709 = tpu.memref_slice %arg10[%dma_wait3A_705, %dma_wait3A_707, %dma_wait3A_708] : memref<2x128x128xf32, #tpu.memory_space<vmem>> -> memref<1x128x128xf32, #tpu.memory_space<vmem>>
      %dma_wait3A_710 = tpu.memref_squeeze %dma_wait3A_709 : memref<1x128x128xf32, #tpu.memory_space<vmem>> -> memref<128x128xf32, #tpu.memory_space<vmem>>
      %dma_wait3A_711 = arith.constant 0 : i32
      %dma_wait3A_712 = tpu.memref_slice %arg9[%dma_wait3A_706, %dma_wait3A_711] : memref<2x1024xi32, #tpu.memory_space<vmem>> -> memref<1x128xi32, #tpu.memory_space<vmem>>
      %dma_wait3A_713 = tpu.memref_squeeze %dma_wait3A_712 : memref<1x128xi32, #tpu.memory_space<vmem>> -> memref<128xi32, #tpu.memory_space<vmem>>
      %dma_wait3A_714 = arith.constant 0 : i32
      %dma_wait3A_715 = arith.constant 0 : i32
      %dma_wait3A_716 = tpu.memref_slice %arg12[%dma_wait3A_714, %dma_wait3A_715] : memref<10112x128xf32, #tpu.memory_space<vmem_shared>> -> memref<10112x128xf32, #tpu.memory_space<vmem_shared>>
      tpu.wait_indirect_dma semaphore(%arg15 : memref<!tpu.dma_semaphore, #tpu.memory_space<semaphore_mem>>) src(%dma_wait3A_710 : memref<128x128xf32, #tpu.memory_space<vmem>>) dst(%dma_wait3A_716 : memref<10112x128xf32, #tpu.memory_space<vmem_shared>>)
      %dma_start3A_717 = arith.constant 1 : i32
      %dma_start3A_718 = arith.constant 0 : i32
      %dma_start3A_719 = arith.constant 0 : i32
      %dma_start3A_720 = arith.constant 0 : i32
      %dma_start3A_721 = tpu.memref_slice %arg10[%dma_start3A_718, %dma_start3A_719, %dma_start3A_720] : memref<2x128x128xf32, #tpu.memory_space<vmem>> -> memref<1x128x128xf32, #tpu.memory_space<vmem>>
      %dma_start3A_722 = tpu.memref_squeeze %dma_start3A_721 : memref<1x128x128xf32, #tpu.memory_space<vmem>> -> memref<128x128xf32, #tpu.memory_space<vmem>>
      %dma_start3A_723 = arith.constant 512 : i32
      %dma_start3A_724 = tpu.memref_slice %arg8[%dma_start3A_717, %dma_start3A_723] : memref<2x1024xi32, #tpu.memory_space<vmem>> -> memref<1x128xi32, #tpu.memory_space<vmem>>
      %dma_start3A_725 = tpu.memref_squeeze %dma_start3A_724 : memref<1x128xi32, #tpu.memory_space<vmem>> -> memref<128xi32, #tpu.memory_space<vmem>>
      %dma_start3A_726 = arith.constant 0 : i32
      %dma_start3A_727 = arith.constant 0 : i32
      %dma_start3A_728 = tpu.memref_slice %arg2[%dma_start3A_726, %dma_start3A_727] : memref<20000x128xf32, #tpu.memory_space<hbm>> -> memref<20000x128xf32, #tpu.memory_space<hbm>>
      tpu.enqueue_indirect_dma source(%dma_start3A_728 : memref<20000x128xf32, #tpu.memory_space<hbm>>) target(%dma_start3A_722 : memref<128x128xf32, #tpu.memory_space<vmem>>) offsets(%dma_start3A_725 : memref<128xi32, #tpu.memory_space<vmem>>) semaphore(%arg13 : memref<!tpu.dma_semaphore, #tpu.memory_space<semaphore_mem>>)
      %dma_start3A_729 = arith.constant 1 : i32
      %dma_start3A_730 = arith.constant 1 : i32
      %dma_start3A_731 = arith.constant 0 : i32
      %dma_start3A_732 = arith.constant 0 : i32
      %dma_start3A_733 = tpu.memref_slice %arg10[%dma_start3A_729, %dma_start3A_731, %dma_start3A_732] : memref<2x128x128xf32, #tpu.memory_space<vmem>> -> memref<1x128x128xf32, #tpu.memory_space<vmem>>
      %dma_start3A_734 = tpu.memref_squeeze %dma_start3A_733 : memref<1x128x128xf32, #tpu.memory_space<vmem>> -> memref<128x128xf32, #tpu.memory_space<vmem>>
      %dma_start3A_735 = arith.constant 384 : i32
      %dma_start3A_736 = tpu.memref_slice %arg9[%dma_start3A_730, %dma_start3A_735] : memref<2x1024xi32, #tpu.memory_space<vmem>> -> memref<1x128xi32, #tpu.memory_space<vmem>>
      %dma_start3A_737 = tpu.memref_squeeze %dma_start3A_736 : memref<1x128xi32, #tpu.memory_space<vmem>> -> memref<128xi32, #tpu.memory_space<vmem>>
      %dma_start3A_738 = arith.constant 0 : i32
      %dma_start3A_739 = arith.constant 0 : i32
      %dma_start3A_740 = tpu.memref_slice %arg12[%dma_start3A_738, %dma_start3A_739] : memref<10112x128xf32, #tpu.memory_space<vmem_shared>> -> memref<10112x128xf32, #tpu.memory_space<vmem_shared>>
      tpu.enqueue_indirect_dma source(%dma_start3A_734 : memref<128x128xf32, #tpu.memory_space<vmem>>) target(%dma_start3A_740 : memref<10112x128xf32, #tpu.memory_space<vmem_shared>>) offsets(%dma_start3A_737 : memref<128xi32, #tpu.memory_space<vmem>>) semaphore(%arg16 : memref<!tpu.dma_semaphore, #tpu.memory_space<semaphore_mem>>) {add = true}
      %eq3A_741 = arith.constant 0 : i32
      %eq3A_742 = arith.cmpi eq, %arg0, %eq3A_741 : i32
      %convert_element_type3A_743 = arith.extui %eq3A_742 : i1 to i32
      %cond3A_744 = arith.constant 0 : i32
      %cond3A_745 = arith.cmpi ne, %convert_element_type3A_743, %cond3A_744 : i32
      scf.if %cond3A_745 {
        %scan3A_939 = arith.constant 0 : i32
        %scan3A_940 = arith.constant 8 : i32
        %scan3A_941 = arith.addi %scan3A_939, %scan3A_940 : i32
        %scan3A_942 = arith.constant 1 : i32
        scf.for %scan3A_944 = %scan3A_939 to %scan3A_941 step %scan3A_942  : i32 {
          %mul3A_945 = arith.constant 1 : i32
          %mul3A_946 = arith.muli %scan3A_944, %mul3A_945 : i32
          %add3A_947 = arith.constant 0 : i32
          %add3A_948 = arith.addi %add3A_947, %mul3A_946 : i32
          %mul3A_949 = arith.constant 16 : i32
          %mul3A_950 = arith.muli %add3A_948, %mul3A_949 : i32
          %add3A_951 = arith.constant 384 : i32
          %add3A_952 = arith.addi %add3A_951, %mul3A_950 : i32
          %get3A = arith.constant 1 : i32
          %get3A_953 = arith.index_cast %get3A : i32 to index
          %get3A_954 = arith.index_cast %add3A_952 : i32 to index
          %get3A_955 = tpu.vector_load %arg9[%get3A_953, %get3A_954] {strides = array<i32>} : memref<2x1024xi32, #tpu.memory_space<vmem>>, vector<16xi32>,
          tpu.vector_store_idx %arg11[%get3A_955], %broadcast_in_dim3A_1 {add = true} : memref<10112xf32, #tpu.memory_space<vmem>>[vector<16xi32>], vector<16xf32>,
        }
        %scan3A_943 = arith.constant 8 : i32
      } else {
      }
      %dma_wait3A_746 = arith.constant 0 : i32
      %dma_wait3A_747 = arith.constant 0 : i32
      %dma_wait3A_748 = arith.constant 0 : i32
      %dma_wait3A_749 = arith.constant 0 : i32
      %dma_wait3A_750 = tpu.memref_slice %arg10[%dma_wait3A_747, %dma_wait3A_748, %dma_wait3A_749] : memref<2x128x128xf32, #tpu.memory_space<vmem>> -> memref<1x128x128xf32, #tpu.memory_space<vmem>>
      %dma_wait3A_751 = tpu.memref_squeeze %dma_wait3A_750 : memref<1x128x128xf32, #tpu.memory_space<vmem>> -> memref<128x128xf32, #tpu.memory_space<vmem>>
      %dma_wait3A_752 = arith.constant 0 : i32
      %dma_wait3A_753 = tpu.memref_slice %arg8[%dma_wait3A_746, %dma_wait3A_752] : memref<2x1024xi32, #tpu.memory_space<vmem>> -> memref<1x128xi32, #tpu.memory_space<vmem>>
      %dma_wait3A_754 = tpu.memref_squeeze %dma_wait3A_753 : memref<1x128xi32, #tpu.memory_space<vmem>> -> memref<128xi32, #tpu.memory_space<vmem>>
      %dma_wait3A_755 = arith.constant 0 : i32
      %dma_wait3A_756 = arith.constant 0 : i32
      %dma_wait3A_757 = tpu.memref_slice %arg2[%dma_wait3A_755, %dma_wait3A_756] : memref<20000x128xf32, #tpu.memory_space<hbm>> -> memref<20000x128xf32, #tpu.memory_space<hbm>>
      tpu.wait_indirect_dma semaphore(%arg13 : memref<!tpu.dma_semaphore, #tpu.memory_space<semaphore_mem>>) src(%dma_wait3A_757 : memref<20000x128xf32, #tpu.memory_space<hbm>>) dst(%dma_wait3A_751 : memref<128x128xf32, #tpu.memory_space<vmem>>)
      %dma_wait3A_758 = arith.constant 1 : i32
      %dma_wait3A_759 = arith.constant 0 : i32
      %dma_wait3A_760 = arith.constant 0 : i32
      %dma_wait3A_761 = arith.constant 0 : i32
      %dma_wait3A_762 = tpu.memref_slice %arg10[%dma_wait3A_758, %dma_wait3A_760, %dma_wait3A_761] : memref<2x128x128xf32, #tpu.memory_space<vmem>> -> memref<1x128x128xf32, #tpu.memory_space<vmem>>
      %dma_wait3A_763 = tpu.memref_squeeze %dma_wait3A_762 : memref<1x128x128xf32, #tpu.memory_space<vmem>> -> memref<128x128xf32, #tpu.memory_space<vmem>>
      %dma_wait3A_764 = arith.constant 0 : i32
      %dma_wait3A_765 = tpu.memref_slice %arg9[%dma_wait3A_759, %dma_wait3A_764] : memref<2x1024xi32, #tpu.memory_space<vmem>> -> memref<1x128xi32, #tpu.memory_space<vmem>>
      %dma_wait3A_766 = tpu.memref_squeeze %dma_wait3A_765 : memref<1x128xi32, #tpu.memory_space<vmem>> -> memref<128xi32, #tpu.memory_space<vmem>>
      %dma_wait3A_767 = arith.constant 0 : i32
      %dma_wait3A_768 = arith.constant 0 : i32
      %dma_wait3A_769 = tpu.memref_slice %arg12[%dma_wait3A_767, %dma_wait3A_768] : memref<10112x128xf32, #tpu.memory_space<vmem_shared>> -> memref<10112x128xf32, #tpu.memory_space<vmem_shared>>
      tpu.wait_indirect_dma semaphore(%arg16 : memref<!tpu.dma_semaphore, #tpu.memory_space<semaphore_mem>>) src(%dma_wait3A_763 : memref<128x128xf32, #tpu.memory_space<vmem>>) dst(%dma_wait3A_769 : memref<10112x128xf32, #tpu.memory_space<vmem_shared>>)
      %dma_start3A_770 = arith.constant 1 : i32
      %dma_start3A_771 = arith.constant 1 : i32
      %dma_start3A_772 = arith.constant 0 : i32
      %dma_start3A_773 = arith.constant 0 : i32
      %dma_start3A_774 = tpu.memref_slice %arg10[%dma_start3A_771, %dma_start3A_772, %dma_start3A_773] : memref<2x128x128xf32, #tpu.memory_space<vmem>> -> memref<1x128x128xf32, #tpu.memory_space<vmem>>
      %dma_start3A_775 = tpu.memref_squeeze %dma_start3A_774 : memref<1x128x128xf32, #tpu.memory_space<vmem>> -> memref<128x128xf32, #tpu.memory_space<vmem>>
      %dma_start3A_776 = arith.constant 640 : i32
      %dma_start3A_777 = tpu.memref_slice %arg8[%dma_start3A_770, %dma_start3A_776] : memref<2x1024xi32, #tpu.memory_space<vmem>> -> memref<1x128xi32, #tpu.memory_space<vmem>>
      %dma_start3A_778 = tpu.memref_squeeze %dma_start3A_777 : memref<1x128xi32, #tpu.memory_space<vmem>> -> memref<128xi32, #tpu.memory_space<vmem>>
      %dma_start3A_779 = arith.constant 0 : i32
      %dma_start3A_780 = arith.constant 0 : i32
      %dma_start3A_781 = tpu.memref_slice %arg2[%dma_start3A_779, %dma_start3A_780] : memref<20000x128xf32, #tpu.memory_space<hbm>> -> memref<20000x128xf32, #tpu.memory_space<hbm>>
      tpu.enqueue_indirect_dma source(%dma_start3A_781 : memref<20000x128xf32, #tpu.memory_space<hbm>>) target(%dma_start3A_775 : memref<128x128xf32, #tpu.memory_space<vmem>>) offsets(%dma_start3A_778 : memref<128xi32, #tpu.memory_space<vmem>>) semaphore(%arg14 : memref<!tpu.dma_semaphore, #tpu.memory_space<semaphore_mem>>)
      %dma_start3A_782 = arith.constant 0 : i32
      %dma_start3A_783 = arith.constant 1 : i32
      %dma_start3A_784 = arith.constant 0 : i32
      %dma_start3A_785 = arith.constant 0 : i32
      %dma_start3A_786 = tpu.memref_slice %arg10[%dma_start3A_782, %dma_start3A_784, %dma_start3A_785] : memref<2x128x128xf32, #tpu.memory_space<vmem>> -> memref<1x128x128xf32, #tpu.memory_space<vmem>>
      %dma_start3A_787 = tpu.memref_squeeze %dma_start3A_786 : memref<1x128x128xf32, #tpu.memory_space<vmem>> -> memref<128x128xf32, #tpu.memory_space<vmem>>
      %dma_start3A_788 = arith.constant 512 : i32
      %dma_start3A_789 = tpu.memref_slice %arg9[%dma_start3A_783, %dma_start3A_788] : memref<2x1024xi32, #tpu.memory_space<vmem>> -> memref<1x128xi32, #tpu.memory_space<vmem>>
      %dma_start3A_790 = tpu.memref_squeeze %dma_start3A_789 : memref<1x128xi32, #tpu.memory_space<vmem>> -> memref<128xi32, #tpu.memory_space<vmem>>
      %dma_start3A_791 = arith.constant 0 : i32
      %dma_start3A_792 = arith.constant 0 : i32
      %dma_start3A_793 = tpu.memref_slice %arg12[%dma_start3A_791, %dma_start3A_792] : memref<10112x128xf32, #tpu.memory_space<vmem_shared>> -> memref<10112x128xf32, #tpu.memory_space<vmem_shared>>
      tpu.enqueue_indirect_dma source(%dma_start3A_787 : memref<128x128xf32, #tpu.memory_space<vmem>>) target(%dma_start3A_793 : memref<10112x128xf32, #tpu.memory_space<vmem_shared>>) offsets(%dma_start3A_790 : memref<128xi32, #tpu.memory_space<vmem>>) semaphore(%arg15 : memref<!tpu.dma_semaphore, #tpu.memory_space<semaphore_mem>>) {add = true}
      %eq3A_794 = arith.constant 0 : i32
      %eq3A_795 = arith.cmpi eq, %arg0, %eq3A_794 : i32
      %convert_element_type3A_796 = arith.extui %eq3A_795 : i1 to i32
      %cond3A_797 = arith.constant 0 : i32
      %cond3A_798 = arith.cmpi ne, %convert_element_type3A_796, %cond3A_797 : i32
      scf.if %cond3A_798 {
        %scan3A_939 = arith.constant 0 : i32
        %scan3A_940 = arith.constant 8 : i32
        %scan3A_941 = arith.addi %scan3A_939, %scan3A_940 : i32
        %scan3A_942 = arith.constant 1 : i32
        scf.for %scan3A_944 = %scan3A_939 to %scan3A_941 step %scan3A_942  : i32 {
          %mul3A_945 = arith.constant 1 : i32
          %mul3A_946 = arith.muli %scan3A_944, %mul3A_945 : i32
          %add3A_947 = arith.constant 0 : i32
          %add3A_948 = arith.addi %add3A_947, %mul3A_946 : i32
          %mul3A_949 = arith.constant 16 : i32
          %mul3A_950 = arith.muli %add3A_948, %mul3A_949 : i32
          %add3A_951 = arith.constant 512 : i32
          %add3A_952 = arith.addi %add3A_951, %mul3A_950 : i32
          %get3A = arith.constant 1 : i32
          %get3A_953 = arith.index_cast %get3A : i32 to index
          %get3A_954 = arith.index_cast %add3A_952 : i32 to index
          %get3A_955 = tpu.vector_load %arg9[%get3A_953, %get3A_954] {strides = array<i32>} : memref<2x1024xi32, #tpu.memory_space<vmem>>, vector<16xi32>,
          tpu.vector_store_idx %arg11[%get3A_955], %broadcast_in_dim3A_1 {add = true} : memref<10112xf32, #tpu.memory_space<vmem>>[vector<16xi32>], vector<16xf32>,
        }
        %scan3A_943 = arith.constant 8 : i32
      } else {
      }
      %dma_wait3A_799 = arith.constant 0 : i32
      %dma_wait3A_800 = arith.constant 1 : i32
      %dma_wait3A_801 = arith.constant 0 : i32
      %dma_wait3A_802 = arith.constant 0 : i32
      %dma_wait3A_803 = tpu.memref_slice %arg10[%dma_wait3A_800, %dma_wait3A_801, %dma_wait3A_802] : memref<2x128x128xf32, #tpu.memory_space<vmem>> -> memref<1x128x128xf32, #tpu.memory_space<vmem>>
      %dma_wait3A_804 = tpu.memref_squeeze %dma_wait3A_803 : memref<1x128x128xf32, #tpu.memory_space<vmem>> -> memref<128x128xf32, #tpu.memory_space<vmem>>
      %dma_wait3A_805 = arith.constant 0 : i32
      %dma_wait3A_806 = tpu.memref_slice %arg8[%dma_wait3A_799, %dma_wait3A_805] : memref<2x1024xi32, #tpu.memory_space<vmem>> -> memref<1x128xi32, #tpu.memory_space<vmem>>
      %dma_wait3A_807 = tpu.memref_squeeze %dma_wait3A_806 : memref<1x128xi32, #tpu.memory_space<vmem>> -> memref<128xi32, #tpu.memory_space<vmem>>
      %dma_wait3A_808 = arith.constant 0 : i32
      %dma_wait3A_809 = arith.constant 0 : i32
      %dma_wait3A_810 = tpu.memref_slice %arg2[%dma_wait3A_808, %dma_wait3A_809] : memref<20000x128xf32, #tpu.memory_space<hbm>> -> memref<20000x128xf32, #tpu.memory_space<hbm>>
      tpu.wait_indirect_dma semaphore(%arg14 : memref<!tpu.dma_semaphore, #tpu.memory_space<semaphore_mem>>) src(%dma_wait3A_810 : memref<20000x128xf32, #tpu.memory_space<hbm>>) dst(%dma_wait3A_804 : memref<128x128xf32, #tpu.memory_space<vmem>>)
      %dma_wait3A_811 = arith.constant 0 : i32
      %dma_wait3A_812 = arith.constant 0 : i32
      %dma_wait3A_813 = arith.constant 0 : i32
      %dma_wait3A_814 = arith.constant 0 : i32
      %dma_wait3A_815 = tpu.memref_slice %arg10[%dma_wait3A_811, %dma_wait3A_813, %dma_wait3A_814] : memref<2x128x128xf32, #tpu.memory_space<vmem>> -> memref<1x128x128xf32, #tpu.memory_space<vmem>>
      %dma_wait3A_816 = tpu.memref_squeeze %dma_wait3A_815 : memref<1x128x128xf32, #tpu.memory_space<vmem>> -> memref<128x128xf32, #tpu.memory_space<vmem>>
      %dma_wait3A_817 = arith.constant 0 : i32
      %dma_wait3A_818 = tpu.memref_slice %arg9[%dma_wait3A_812, %dma_wait3A_817] : memref<2x1024xi32, #tpu.memory_space<vmem>> -> memref<1x128xi32, #tpu.memory_space<vmem>>
      %dma_wait3A_819 = tpu.memref_squeeze %dma_wait3A_818 : memref<1x128xi32, #tpu.memory_space<vmem>> -> memref<128xi32, #tpu.memory_space<vmem>>
      %dma_wait3A_820 = arith.constant 0 : i32
      %dma_wait3A_821 = arith.constant 0 : i32
      %dma_wait3A_822 = tpu.memref_slice %arg12[%dma_wait3A_820, %dma_wait3A_821] : memref<10112x128xf32, #tpu.memory_space<vmem_shared>> -> memref<10112x128xf32, #tpu.memory_space<vmem_shared>>
      tpu.wait_indirect_dma semaphore(%arg15 : memref<!tpu.dma_semaphore, #tpu.memory_space<semaphore_mem>>) src(%dma_wait3A_816 : memref<128x128xf32, #tpu.memory_space<vmem>>) dst(%dma_wait3A_822 : memref<10112x128xf32, #tpu.memory_space<vmem_shared>>)
      %dma_start3A_823 = arith.constant 1 : i32
      %dma_start3A_824 = arith.constant 0 : i32
      %dma_start3A_825 = arith.constant 0 : i32
      %dma_start3A_826 = arith.constant 0 : i32
      %dma_start3A_827 = tpu.memref_slice %arg10[%dma_start3A_824, %dma_start3A_825, %dma_start3A_826] : memref<2x128x128xf32, #tpu.memory_space<vmem>> -> memref<1x128x128xf32, #tpu.memory_space<vmem>>
      %dma_start3A_828 = tpu.memref_squeeze %dma_start3A_827 : memref<1x128x128xf32, #tpu.memory_space<vmem>> -> memref<128x128xf32, #tpu.memory_space<vmem>>
      %dma_start3A_829 = arith.constant 768 : i32
      %dma_start3A_830 = tpu.memref_slice %arg8[%dma_start3A_823, %dma_start3A_829] : memref<2x1024xi32, #tpu.memory_space<vmem>> -> memref<1x128xi32, #tpu.memory_space<vmem>>
      %dma_start3A_831 = tpu.memref_squeeze %dma_start3A_830 : memref<1x128xi32, #tpu.memory_space<vmem>> -> memref<128xi32, #tpu.memory_space<vmem>>
      %dma_start3A_832 = arith.constant 0 : i32
      %dma_start3A_833 = arith.constant 0 : i32
      %dma_start3A_834 = tpu.memref_slice %arg2[%dma_start3A_832, %dma_start3A_833] : memref<20000x128xf32, #tpu.memory_space<hbm>> -> memref<20000x128xf32, #tpu.memory_space<hbm>>
      tpu.enqueue_indirect_dma source(%dma_start3A_834 : memref<20000x128xf32, #tpu.memory_space<hbm>>) target(%dma_start3A_828 : memref<128x128xf32, #tpu.memory_space<vmem>>) offsets(%dma_start3A_831 : memref<128xi32, #tpu.memory_space<vmem>>) semaphore(%arg13 : memref<!tpu.dma_semaphore, #tpu.memory_space<semaphore_mem>>)
      %dma_start3A_835 = arith.constant 1 : i32
      %dma_start3A_836 = arith.constant 1 : i32
      %dma_start3A_837 = arith.constant 0 : i32
      %dma_start3A_838 = arith.constant 0 : i32
      %dma_start3A_839 = tpu.memref_slice %arg10[%dma_start3A_835, %dma_start3A_837, %dma_start3A_838] : memref<2x128x128xf32, #tpu.memory_space<vmem>> -> memref<1x128x128xf32, #tpu.memory_space<vmem>>
      %dma_start3A_840 = tpu.memref_squeeze %dma_start3A_839 : memref<1x128x128xf32, #tpu.memory_space<vmem>> -> memref<128x128xf32, #tpu.memory_space<vmem>>
      %dma_start3A_841 = arith.constant 640 : i32
      %dma_start3A_842 = tpu.memref_slice %arg9[%dma_start3A_836, %dma_start3A_841] : memref<2x1024xi32, #tpu.memory_space<vmem>> -> memref<1x128xi32, #tpu.memory_space<vmem>>
      %dma_start3A_843 = tpu.memref_squeeze %dma_start3A_842 : memref<1x128xi32, #tpu.memory_space<vmem>> -> memref<128xi32, #tpu.memory_space<vmem>>
      %dma_start3A_844 = arith.constant 0 : i32
      %dma_start3A_845 = arith.constant 0 : i32
      %dma_start3A_846 = tpu.memref_slice %arg12[%dma_start3A_844, %dma_start3A_845] : memref<10112x128xf32, #tpu.memory_space<vmem_shared>> -> memref<10112x128xf32, #tpu.memory_space<vmem_shared>>
      tpu.enqueue_indirect_dma source(%dma_start3A_840 : memref<128x128xf32, #tpu.memory_space<vmem>>) target(%dma_start3A_846 : memref<10112x128xf32, #tpu.memory_space<vmem_shared>>) offsets(%dma_start3A_843 : memref<128xi32, #tpu.memory_space<vmem>>) semaphore(%arg16 : memref<!tpu.dma_semaphore, #tpu.memory_space<semaphore_mem>>) {add = true}
      %eq3A_847 = arith.constant 0 : i32
      %eq3A_848 = arith.cmpi eq, %arg0, %eq3A_847 : i32
      %convert_element_type3A_849 = arith.extui %eq3A_848 : i1 to i32
      %cond3A_850 = arith.constant 0 : i32
      %cond3A_851 = arith.cmpi ne, %convert_element_type3A_849, %cond3A_850 : i32
      scf.if %cond3A_851 {
        %scan3A_939 = arith.constant 0 : i32
        %scan3A_940 = arith.constant 8 : i32
        %scan3A_941 = arith.addi %scan3A_939, %scan3A_940 : i32
        %scan3A_942 = arith.constant 1 : i32
        scf.for %scan3A_944 = %scan3A_939 to %scan3A_941 step %scan3A_942  : i32 {
          %mul3A_945 = arith.constant 1 : i32
          %mul3A_946 = arith.muli %scan3A_944, %mul3A_945 : i32
          %add3A_947 = arith.constant 0 : i32
          %add3A_948 = arith.addi %add3A_947, %mul3A_946 : i32
          %mul3A_949 = arith.constant 16 : i32
          %mul3A_950 = arith.muli %add3A_948, %mul3A_949 : i32
          %add3A_951 = arith.constant 640 : i32
          %add3A_952 = arith.addi %add3A_951, %mul3A_950 : i32
          %get3A = arith.constant 1 : i32
          %get3A_953 = arith.index_cast %get3A : i32 to index
          %get3A_954 = arith.index_cast %add3A_952 : i32 to index
          %get3A_955 = tpu.vector_load %arg9[%get3A_953, %get3A_954] {strides = array<i32>} : memref<2x1024xi32, #tpu.memory_space<vmem>>, vector<16xi32>,
          tpu.vector_store_idx %arg11[%get3A_955], %broadcast_in_dim3A_1 {add = true} : memref<10112xf32, #tpu.memory_space<vmem>>[vector<16xi32>], vector<16xf32>,
        }
        %scan3A_943 = arith.constant 8 : i32
      } else {
      }
      %dma_wait3A_852 = arith.constant 0 : i32
      %dma_wait3A_853 = arith.constant 0 : i32
      %dma_wait3A_854 = arith.constant 0 : i32
      %dma_wait3A_855 = arith.constant 0 : i32
      %dma_wait3A_856 = tpu.memref_slice %arg10[%dma_wait3A_853, %dma_wait3A_854, %dma_wait3A_855] : memref<2x128x128xf32, #tpu.memory_space<vmem>> -> memref<1x128x128xf32, #tpu.memory_space<vmem>>
      %dma_wait3A_857 = tpu.memref_squeeze %dma_wait3A_856 : memref<1x128x128xf32, #tpu.memory_space<vmem>> -> memref<128x128xf32, #tpu.memory_space<vmem>>
      %dma_wait3A_858 = arith.constant 0 : i32
      %dma_wait3A_859 = tpu.memref_slice %arg8[%dma_wait3A_852, %dma_wait3A_858] : memref<2x1024xi32, #tpu.memory_space<vmem>> -> memref<1x128xi32, #tpu.memory_space<vmem>>
      %dma_wait3A_860 = tpu.memref_squeeze %dma_wait3A_859 : memref<1x128xi32, #tpu.memory_space<vmem>> -> memref<128xi32, #tpu.memory_space<vmem>>
      %dma_wait3A_861 = arith.constant 0 : i32
      %dma_wait3A_862 = arith.constant 0 : i32
      %dma_wait3A_863 = tpu.memref_slice %arg2[%dma_wait3A_861, %dma_wait3A_862] : memref<20000x128xf32, #tpu.memory_space<hbm>> -> memref<20000x128xf32, #tpu.memory_space<hbm>>
      tpu.wait_indirect_dma semaphore(%arg13 : memref<!tpu.dma_semaphore, #tpu.memory_space<semaphore_mem>>) src(%dma_wait3A_863 : memref<20000x128xf32, #tpu.memory_space<hbm>>) dst(%dma_wait3A_857 : memref<128x128xf32, #tpu.memory_space<vmem>>)
      %dma_wait3A_864 = arith.constant 1 : i32
      %dma_wait3A_865 = arith.constant 0 : i32
      %dma_wait3A_866 = arith.constant 0 : i32
      %dma_wait3A_867 = arith.constant 0 : i32
      %dma_wait3A_868 = tpu.memref_slice %arg10[%dma_wait3A_864, %dma_wait3A_866, %dma_wait3A_867] : memref<2x128x128xf32, #tpu.memory_space<vmem>> -> memref<1x128x128xf32, #tpu.memory_space<vmem>>
      %dma_wait3A_869 = tpu.memref_squeeze %dma_wait3A_868 : memref<1x128x128xf32, #tpu.memory_space<vmem>> -> memref<128x128xf32, #tpu.memory_space<vmem>>
      %dma_wait3A_870 = arith.constant 0 : i32
      %dma_wait3A_871 = tpu.memref_slice %arg9[%dma_wait3A_865, %dma_wait3A_870] : memref<2x1024xi32, #tpu.memory_space<vmem>> -> memref<1x128xi32, #tpu.memory_space<vmem>>
      %dma_wait3A_872 = tpu.memref_squeeze %dma_wait3A_871 : memref<1x128xi32, #tpu.memory_space<vmem>> -> memref<128xi32, #tpu.memory_space<vmem>>
      %dma_wait3A_873 = arith.constant 0 : i32
      %dma_wait3A_874 = arith.constant 0 : i32
      %dma_wait3A_875 = tpu.memref_slice %arg12[%dma_wait3A_873, %dma_wait3A_874] : memref<10112x128xf32, #tpu.memory_space<vmem_shared>> -> memref<10112x128xf32, #tpu.memory_space<vmem_shared>>
      tpu.wait_indirect_dma semaphore(%arg16 : memref<!tpu.dma_semaphore, #tpu.memory_space<semaphore_mem>>) src(%dma_wait3A_869 : memref<128x128xf32, #tpu.memory_space<vmem>>) dst(%dma_wait3A_875 : memref<10112x128xf32, #tpu.memory_space<vmem_shared>>)
      %dma_start3A_876 = arith.constant 1 : i32
      %dma_start3A_877 = arith.constant 1 : i32
      %dma_start3A_878 = arith.constant 0 : i32
      %dma_start3A_879 = arith.constant 0 : i32
      %dma_start3A_880 = tpu.memref_slice %arg10[%dma_start3A_877, %dma_start3A_878, %dma_start3A_879] : memref<2x128x128xf32, #tpu.memory_space<vmem>> -> memref<1x128x128xf32, #tpu.memory_space<vmem>>
      %dma_start3A_881 = tpu.memref_squeeze %dma_start3A_880 : memref<1x128x128xf32, #tpu.memory_space<vmem>> -> memref<128x128xf32, #tpu.memory_space<vmem>>
      %dma_start3A_882 = arith.constant 896 : i32
      %dma_start3A_883 = tpu.memref_slice %arg8[%dma_start3A_876, %dma_start3A_882] : memref<2x1024xi32, #tpu.memory_space<vmem>> -> memref<1x128xi32, #tpu.memory_space<vmem>>
      %dma_start3A_884 = tpu.memref_squeeze %dma_start3A_883 : memref<1x128xi32, #tpu.memory_space<vmem>> -> memref<128xi32, #tpu.memory_space<vmem>>
      %dma_start3A_885 = arith.constant 0 : i32
      %dma_start3A_886 = arith.constant 0 : i32
      %dma_start3A_887 = tpu.memref_slice %arg2[%dma_start3A_885, %dma_start3A_886] : memref<20000x128xf32, #tpu.memory_space<hbm>> -> memref<20000x128xf32, #tpu.memory_space<hbm>>
      tpu.enqueue_indirect_dma source(%dma_start3A_887 : memref<20000x128xf32, #tpu.memory_space<hbm>>) target(%dma_start3A_881 : memref<128x128xf32, #tpu.memory_space<vmem>>) offsets(%dma_start3A_884 : memref<128xi32, #tpu.memory_space<vmem>>) semaphore(%arg14 : memref<!tpu.dma_semaphore, #tpu.memory_space<semaphore_mem>>)
      %dma_start3A_888 = arith.constant 0 : i32
      %dma_start3A_889 = arith.constant 1 : i32
      %dma_start3A_890 = arith.constant 0 : i32
      %dma_start3A_891 = arith.constant 0 : i32
      %dma_start3A_892 = tpu.memref_slice %arg10[%dma_start3A_888, %dma_start3A_890, %dma_start3A_891] : memref<2x128x128xf32, #tpu.memory_space<vmem>> -> memref<1x128x128xf32, #tpu.memory_space<vmem>>
      %dma_start3A_893 = tpu.memref_squeeze %dma_start3A_892 : memref<1x128x128xf32, #tpu.memory_space<vmem>> -> memref<128x128xf32, #tpu.memory_space<vmem>>
      %dma_start3A_894 = arith.constant 768 : i32
      %dma_start3A_895 = tpu.memref_slice %arg9[%dma_start3A_889, %dma_start3A_894] : memref<2x1024xi32, #tpu.memory_space<vmem>> -> memref<1x128xi32, #tpu.memory_space<vmem>>
      %dma_start3A_896 = tpu.memref_squeeze %dma_start3A_895 : memref<1x128xi32, #tpu.memory_space<vmem>> -> memref<128xi32, #tpu.memory_space<vmem>>
      %dma_start3A_897 = arith.constant 0 : i32
      %dma_start3A_898 = arith.constant 0 : i32
      %dma_start3A_899 = tpu.memref_slice %arg12[%dma_start3A_897, %dma_start3A_898] : memref<10112x128xf32, #tpu.memory_space<vmem_shared>> -> memref<10112x128xf32, #tpu.memory_space<vmem_shared>>
      tpu.enqueue_indirect_dma source(%dma_start3A_893 : memref<128x128xf32, #tpu.memory_space<vmem>>) target(%dma_start3A_899 : memref<10112x128xf32, #tpu.memory_space<vmem_shared>>) offsets(%dma_start3A_896 : memref<128xi32, #tpu.memory_space<vmem>>) semaphore(%arg15 : memref<!tpu.dma_semaphore, #tpu.memory_space<semaphore_mem>>) {add = true}
      %eq3A_900 = arith.constant 0 : i32
      %eq3A_901 = arith.cmpi eq, %arg0, %eq3A_900 : i32
      %convert_element_type3A_902 = arith.extui %eq3A_901 : i1 to i32
      %cond3A_903 = arith.constant 0 : i32
      %cond3A_904 = arith.cmpi ne, %convert_element_type3A_902, %cond3A_903 : i32
      scf.if %cond3A_904 {
        %scan3A_939 = arith.constant 0 : i32
        %scan3A_940 = arith.constant 8 : i32
        %scan3A_941 = arith.addi %scan3A_939, %scan3A_940 : i32
        %scan3A_942 = arith.constant 1 : i32
        scf.for %scan3A_944 = %scan3A_939 to %scan3A_941 step %scan3A_942  : i32 {
          %mul3A_945 = arith.constant 1 : i32
          %mul3A_946 = arith.muli %scan3A_944, %mul3A_945 : i32
          %add3A_947 = arith.constant 0 : i32
          %add3A_948 = arith.addi %add3A_947, %mul3A_946 : i32
          %mul3A_949 = arith.constant 16 : i32
          %mul3A_950 = arith.muli %add3A_948, %mul3A_949 : i32
          %add3A_951 = arith.constant 768 : i32
          %add3A_952 = arith.addi %add3A_951, %mul3A_950 : i32
          %get3A = arith.constant 1 : i32
          %get3A_953 = arith.index_cast %get3A : i32 to index
          %get3A_954 = arith.index_cast %add3A_952 : i32 to index
          %get3A_955 = tpu.vector_load %arg9[%get3A_953, %get3A_954] {strides = array<i32>} : memref<2x1024xi32, #tpu.memory_space<vmem>>, vector<16xi32>,
          tpu.vector_store_idx %arg11[%get3A_955], %broadcast_in_dim3A_1 {add = true} : memref<10112xf32, #tpu.memory_space<vmem>>[vector<16xi32>], vector<16xf32>,
        }
        %scan3A_943 = arith.constant 8 : i32
      } else {
      }
      %dma_wait3A_905 = arith.constant 0 : i32
      %dma_wait3A_906 = arith.constant 1 : i32
      %dma_wait3A_907 = arith.constant 0 : i32
      %dma_wait3A_908 = arith.constant 0 : i32
      %dma_wait3A_909 = tpu.memref_slice %arg10[%dma_wait3A_906, %dma_wait3A_907, %dma_wait3A_908] : memref<2x128x128xf32, #tpu.memory_space<vmem>> -> memref<1x128x128xf32, #tpu.memory_space<vmem>>
      %dma_wait3A_910 = tpu.memref_squeeze %dma_wait3A_909 : memref<1x128x128xf32, #tpu.memory_space<vmem>> -> memref<128x128xf32, #tpu.memory_space<vmem>>
      %dma_wait3A_911 = arith.constant 0 : i32
      %dma_wait3A_912 = tpu.memref_slice %arg8[%dma_wait3A_905, %dma_wait3A_911] : memref<2x1024xi32, #tpu.memory_space<vmem>> -> memref<1x128xi32, #tpu.memory_space<vmem>>
      %dma_wait3A_913 = tpu.memref_squeeze %dma_wait3A_912 : memref<1x128xi32, #tpu.memory_space<vmem>> -> memref<128xi32, #tpu.memory_space<vmem>>
      %dma_wait3A_914 = arith.constant 0 : i32
      %dma_wait3A_915 = arith.constant 0 : i32
      %dma_wait3A_916 = tpu.memref_slice %arg2[%dma_wait3A_914, %dma_wait3A_915] : memref<20000x128xf32, #tpu.memory_space<hbm>> -> memref<20000x128xf32, #tpu.memory_space<hbm>>
      tpu.wait_indirect_dma semaphore(%arg14 : memref<!tpu.dma_semaphore, #tpu.memory_space<semaphore_mem>>) src(%dma_wait3A_916 : memref<20000x128xf32, #tpu.memory_space<hbm>>) dst(%dma_wait3A_910 : memref<128x128xf32, #tpu.memory_space<vmem>>)
      %lt3A_917 = arith.constant 8 : i32
      %lt3A_918 = arith.cmpi slt, %add3A_61, %lt3A_917 : i32
      %convert_element_type3A_919 = arith.extui %lt3A_918 : i1 to i32
      %cond3A_920 = arith.constant 0 : i32
      %cond3A_921 = arith.cmpi ne, %convert_element_type3A_919, %cond3A_920 : i32
      scf.if %cond3A_921 {
        %dma_wait3A_939 = arith.constant 0 : i32
        %dma_wait3A_940 = arith.constant 0 : i32
        %dma_wait3A_941 = tpu.memref_slice %arg8[%dma_wait3A_939, %dma_wait3A_940] : memref<2x1024xi32, #tpu.memory_space<vmem>> -> memref<1x1024xi32, #tpu.memory_space<vmem>>
        %dma_wait3A_942 = tpu.memref_squeeze %dma_wait3A_941 : memref<1x1024xi32, #tpu.memory_space<vmem>> -> memref<1024xi32, #tpu.memory_space<vmem>>
        %dma_wait3A_943 = arith.constant 0 : i32
        %dma_wait3A_944 = tpu.memref_slice %arg3[%dma_wait3A_943] : memref<163840xi32, #tpu.memory_space<hbm>> -> memref<1024xi32, #tpu.memory_space<hbm>>
        %dma_wait3A_945 = arith.constant 0 : i32
        %dma_wait3A_946 = tpu.memref_slice %arg8[%dma_wait3A_939, %dma_wait3A_945] : memref<2x1024xi32, #tpu.memory_space<vmem>> -> memref<1x1024xi32, #tpu.memory_space<vmem>>
        %dma_wait3A_947 = tpu.memref_squeeze %dma_wait3A_946 : memref<1x1024xi32, #tpu.memory_space<vmem>> -> memref<1024xi32, #tpu.memory_space<vmem>>
        %dma_wait3A_948 = arith.constant 0 : i32
        %dma_wait3A_949 = tpu.memref_slice %arg3[%dma_wait3A_948] : memref<163840xi32, #tpu.memory_space<hbm>> -> memref<1024xi32, #tpu.memory_space<hbm>>
        tpu.wait_dma2 semaphore(%arg17 : memref<!tpu.dma_semaphore, #tpu.memory_space<semaphore_mem>>) src(%dma_wait3A_949 : memref<1024xi32, #tpu.memory_space<hbm>>) dst(%dma_wait3A_947 : memref<1024xi32, #tpu.memory_space<vmem>>)
        %dma_wait3A_950 = arith.constant 0 : i32
        %dma_wait3A_951 = arith.constant 0 : i32
        %dma_wait3A_952 = tpu.memref_slice %arg9[%dma_wait3A_950, %dma_wait3A_951] : memref<2x1024xi32, #tpu.memory_space<vmem>> -> memref<1x1024xi32, #tpu.memory_space<vmem>>
        %dma_wait3A_953 = tpu.memref_squeeze %dma_wait3A_952 : memref<1x1024xi32, #tpu.memory_space<vmem>> -> memref<1024xi32, #tpu.memory_space<vmem>>
        %dma_wait3A_954 = arith.constant 0 : i32
        %dma_wait3A_955 = tpu.memref_slice %arg4[%dma_wait3A_954] : memref<163840xi32, #tpu.memory_space<hbm>> -> memref<1024xi32, #tpu.memory_space<hbm>>
        %dma_wait3A_956 = arith.constant 0 : i32
        %dma_wait3A_957 = tpu.memref_slice %arg9[%dma_wait3A_950, %dma_wait3A_956] : memref<2x1024xi32, #tpu.memory_space<vmem>> -> memref<1x1024xi32, #tpu.memory_space<vmem>>
        %dma_wait3A_958 = tpu.memref_squeeze %dma_wait3A_957 : memref<1x1024xi32, #tpu.memory_space<vmem>> -> memref<1024xi32, #tpu.memory_space<vmem>>
        %dma_wait3A_959 = arith.constant 0 : i32
        %dma_wait3A_960 = tpu.memref_slice %arg4[%dma_wait3A_959] : memref<163840xi32, #tpu.memory_space<hbm>> -> memref<1024xi32, #tpu.memory_space<hbm>>
        tpu.wait_dma2 semaphore(%arg18 : memref<!tpu.dma_semaphore, #tpu.memory_space<semaphore_mem>>) src(%dma_wait3A_960 : memref<1024xi32, #tpu.memory_space<hbm>>) dst(%dma_wait3A_958 : memref<1024xi32, #tpu.memory_space<vmem>>)
        %eq3A_961 = arith.constant 1 : i32
        %eq3A_962 = arith.cmpi eq, %arg0, %eq3A_961 : i32
        %convert_element_type3A_963 = arith.extui %eq3A_962 : i1 to i32
        %cond3A_964 = arith.constant 0 : i32
        %cond3A_965 = arith.cmpi ne, %convert_element_type3A_963, %cond3A_964 : i32
        scf.if %cond3A_965 {
          %scan3A_990 = arith.constant 0 : i32
          %scan3A_991 = arith.constant 64 : i32
          %scan3A_992 = arith.addi %scan3A_990, %scan3A_991 : i32
          %scan3A_993 = arith.constant 1 : i32
          scf.for %scan3A_995 = %scan3A_990 to %scan3A_992 step %scan3A_993  : i32 {
            %mul3A_996 = arith.constant 1 : i32
            %mul3A_997 = arith.muli %scan3A_995, %mul3A_996 : i32
            %add3A_998 = arith.constant 0 : i32
            %add3A_999 = arith.addi %add3A_998, %mul3A_997 : i32
            %mul3A_1000 = arith.constant 16 : i32
            %mul3A_1001 = arith.muli %add3A_999, %mul3A_1000 : i32
            %get3A = arith.constant 0 : i32
            %get3A_1002 = arith.index_cast %get3A : i32 to index
            %get3A_1003 = arith.index_cast %mul3A_1001 : i32 to index
            %get3A_1004 = tpu.vector_load %arg8[%get3A_1002, %get3A_1003] {strides = array<i32>} : memref<2x1024xi32, #tpu.memory_space<vmem>>, vector<16xi32>,
            %add3A_1005 = arith.constant 1 : i32
            %add3A_1006 = vector.broadcast %add3A_1005 : i32 to vector<16xi32>
            %add3A_1007 = arith.addi %get3A_1004, %add3A_1006 : vector<16xi32>
            %swap3A = arith.constant 0 : i32
            %swap3A_1008 = arith.index_cast %swap3A : i32 to index
            %swap3A_1009 = arith.index_cast %mul3A_1001 : i32 to index
            %swap3A_1010 = tpu.vector_load %arg8[%swap3A_1008, %swap3A_1009] {strides = array<i32>} : memref<2x1024xi32, #tpu.memory_space<vmem>>, vector<16xi32>,
            tpu.vector_store %arg8[%swap3A_1008, %swap3A_1009], %add3A_1007 {strides = array<i32>} : memref<2x1024xi32, #tpu.memory_space<vmem>>, vector<16xi32>,
          }
          %scan3A_994 = arith.constant 64 : i32
        } else {
        }
        %dma_wait3A_966 = arith.constant 0 : i32
        %dma_wait3A_967 = arith.constant 0 : i32
        %dma_wait3A_968 = arith.constant 0 : i32
        %dma_wait3A_969 = arith.constant 0 : i32
        %dma_wait3A_970 = tpu.memref_slice %arg10[%dma_wait3A_966, %dma_wait3A_968, %dma_wait3A_969] : memref<2x128x128xf32, #tpu.memory_space<vmem>> -> memref<1x128x128xf32, #tpu.memory_space<vmem>>
        %dma_wait3A_971 = tpu.memref_squeeze %dma_wait3A_970 : memref<1x128x128xf32, #tpu.memory_space<vmem>> -> memref<128x128xf32, #tpu.memory_space<vmem>>
        %dma_wait3A_972 = arith.constant 0 : i32
        %dma_wait3A_973 = tpu.memref_slice %arg9[%dma_wait3A_967, %dma_wait3A_972] : memref<2x1024xi32, #tpu.memory_space<vmem>> -> memref<1x128xi32, #tpu.memory_space<vmem>>
        %dma_wait3A_974 = tpu.memref_squeeze %dma_wait3A_973 : memref<1x128xi32, #tpu.memory_space<vmem>> -> memref<128xi32, #tpu.memory_space<vmem>>
        %dma_wait3A_975 = arith.constant 0 : i32
        %dma_wait3A_976 = arith.constant 0 : i32
        %dma_wait3A_977 = tpu.memref_slice %arg12[%dma_wait3A_975, %dma_wait3A_976] : memref<10112x128xf32, #tpu.memory_space<vmem_shared>> -> memref<10112x128xf32, #tpu.memory_space<vmem_shared>>
        tpu.wait_indirect_dma semaphore(%arg15 : memref<!tpu.dma_semaphore, #tpu.memory_space<semaphore_mem>>) src(%dma_wait3A_971 : memref<128x128xf32, #tpu.memory_space<vmem>>) dst(%dma_wait3A_977 : memref<10112x128xf32, #tpu.memory_space<vmem_shared>>)
        %dma_start3A_978 = arith.constant 0 : i32
        %dma_start3A_979 = arith.constant 0 : i32
        %dma_start3A_980 = arith.constant 0 : i32
        %dma_start3A_981 = arith.constant 0 : i32
        %dma_start3A_982 = tpu.memref_slice %arg10[%dma_start3A_979, %dma_start3A_980, %dma_start3A_981] : memref<2x128x128xf32, #tpu.memory_space<vmem>> -> memref<1x128x128xf32, #tpu.memory_space<vmem>>
        %dma_start3A_983 = tpu.memref_squeeze %dma_start3A_982 : memref<1x128x128xf32, #tpu.memory_space<vmem>> -> memref<128x128xf32, #tpu.memory_space<vmem>>
        %dma_start3A_984 = arith.constant 0 : i32
        %dma_start3A_985 = tpu.memref_slice %arg8[%dma_start3A_978, %dma_start3A_984] : memref<2x1024xi32, #tpu.memory_space<vmem>> -> memref<1x128xi32, #tpu.memory_space<vmem>>
        %dma_start3A_986 = tpu.memref_squeeze %dma_start3A_985 : memref<1x128xi32, #tpu.memory_space<vmem>> -> memref<128xi32, #tpu.memory_space<vmem>>
        %dma_start3A_987 = arith.constant 0 : i32
        %dma_start3A_988 = arith.constant 0 : i32
        %dma_start3A_989 = tpu.memref_slice %arg2[%dma_start3A_987, %dma_start3A_988] : memref<20000x128xf32, #tpu.memory_space<hbm>> -> memref<20000x128xf32, #tpu.memory_space<hbm>>
        tpu.enqueue_indirect_dma source(%dma_start3A_989 : memref<20000x128xf32, #tpu.memory_space<hbm>>) target(%dma_start3A_983 : memref<128x128xf32, #tpu.memory_space<vmem>>) offsets(%dma_start3A_986 : memref<128xi32, #tpu.memory_space<vmem>>) semaphore(%arg13 : memref<!tpu.dma_semaphore, #tpu.memory_space<semaphore_mem>>)
      } else {
      }
      %dma_start3A_922 = arith.constant 1 : i32
      %dma_start3A_923 = arith.constant 1 : i32
      %dma_start3A_924 = arith.constant 0 : i32
      %dma_start3A_925 = arith.constant 0 : i32
      %dma_start3A_926 = tpu.memref_slice %arg10[%dma_start3A_922, %dma_start3A_924, %dma_start3A_925] : memref<2x128x128xf32, #tpu.memory_space<vmem>> -> memref<1x128x128xf32, #tpu.memory_space<vmem>>
      %dma_start3A_927 = tpu.memref_squeeze %dma_start3A_926 : memref<1x128x128xf32, #tpu.memory_space<vmem>> -> memref<128x128xf32, #tpu.memory_space<vmem>>
      %dma_start3A_928 = arith.constant 896 : i32
      %dma_start3A_929 = tpu.memref_slice %arg9[%dma_start3A_923, %dma_start3A_928] : memref<2x1024xi32, #tpu.memory_space<vmem>> -> memref<1x128xi32, #tpu.memory_space<vmem>>
      %dma_start3A_930 = tpu.memref_squeeze %dma_start3A_929 : memref<1x128xi32, #tpu.memory_space<vmem>> -> memref<128xi32, #tpu.memory_space<vmem>>
      %dma_start3A_931 = arith.constant 0 : i32
      %dma_start3A_932 = arith.constant 0 : i32
      %dma_start3A_933 = tpu.memref_slice %arg12[%dma_start3A_931, %dma_start3A_932] : memref<10112x128xf32, #tpu.memory_space<vmem_shared>> -> memref<10112x128xf32, #tpu.memory_space<vmem_shared>>
      tpu.enqueue_indirect_dma source(%dma_start3A_927 : memref<128x128xf32, #tpu.memory_space<vmem>>) target(%dma_start3A_933 : memref<10112x128xf32, #tpu.memory_space<vmem_shared>>) offsets(%dma_start3A_930 : memref<128xi32, #tpu.memory_space<vmem>>) semaphore(%arg16 : memref<!tpu.dma_semaphore, #tpu.memory_space<semaphore_mem>>) {add = true}
      %eq3A_934 = arith.constant 0 : i32
      %eq3A_935 = arith.cmpi eq, %arg0, %eq3A_934 : i32
      %convert_element_type3A_936 = arith.extui %eq3A_935 : i1 to i32
      %cond3A_937 = arith.constant 0 : i32
      %cond3A_938 = arith.cmpi ne, %convert_element_type3A_936, %cond3A_937 : i32
      scf.if %cond3A_938 {
        %scan3A_939 = arith.constant 0 : i32
        %scan3A_940 = arith.constant 8 : i32
        %scan3A_941 = arith.addi %scan3A_939, %scan3A_940 : i32
        %scan3A_942 = arith.constant 1 : i32
        scf.for %scan3A_944 = %scan3A_939 to %scan3A_941 step %scan3A_942  : i32 {
          %mul3A_945 = arith.constant 1 : i32
          %mul3A_946 = arith.muli %scan3A_944, %mul3A_945 : i32
          %add3A_947 = arith.constant 0 : i32
          %add3A_948 = arith.addi %add3A_947, %mul3A_946 : i32
          %mul3A_949 = arith.constant 16 : i32
          %mul3A_950 = arith.muli %add3A_948, %mul3A_949 : i32
          %add3A_951 = arith.constant 896 : i32
          %add3A_952 = arith.addi %add3A_951, %mul3A_950 : i32
          %get3A = arith.constant 1 : i32
          %get3A_953 = arith.index_cast %get3A : i32 to index
          %get3A_954 = arith.index_cast %add3A_952 : i32 to index
          %get3A_955 = tpu.vector_load %arg9[%get3A_953, %get3A_954] {strides = array<i32>} : memref<2x1024xi32, #tpu.memory_space<vmem>>, vector<16xi32>,
          tpu.vector_store_idx %arg11[%get3A_955], %broadcast_in_dim3A_1 {add = true} : memref<10112xf32, #tpu.memory_space<vmem>>[vector<16xi32>], vector<16xf32>,
        }
        %scan3A_943 = arith.constant 8 : i32
      } else {
      }
    }
    %scan3A_28 = arith.constant 5 : i32
    %dma_wait3A = arith.constant 0 : i32
    %dma_wait3A_29 = arith.constant 0 : i32
    %dma_wait3A_30 = arith.constant 0 : i32
    %dma_wait3A_31 = arith.constant 0 : i32
    %dma_wait3A_32 = tpu.memref_slice %arg10[%dma_wait3A, %dma_wait3A_30, %dma_wait3A_31] : memref<2x128x128xf32, #tpu.memory_space<vmem>> -> memref<1x128x128xf32, #tpu.memory_space<vmem>>
    %dma_wait3A_33 = tpu.memref_squeeze %dma_wait3A_32 : memref<1x128x128xf32, #tpu.memory_space<vmem>> -> memref<128x128xf32, #tpu.memory_space<vmem>>
    %dma_wait3A_34 = arith.constant 0 : i32
    %dma_wait3A_35 = tpu.memref_slice %arg9[%dma_wait3A_29, %dma_wait3A_34] : memref<2x1024xi32, #tpu.memory_space<vmem>> -> memref<1x128xi32, #tpu.memory_space<vmem>>
    %dma_wait3A_36 = tpu.memref_squeeze %dma_wait3A_35 : memref<1x128xi32, #tpu.memory_space<vmem>> -> memref<128xi32, #tpu.memory_space<vmem>>
    %dma_wait3A_37 = arith.constant 0 : i32
    %dma_wait3A_38 = arith.constant 0 : i32
    %dma_wait3A_39 = tpu.memref_slice %arg12[%dma_wait3A_37, %dma_wait3A_38] : memref<10112x128xf32, #tpu.memory_space<vmem_shared>> -> memref<10112x128xf32, #tpu.memory_space<vmem_shared>>
    tpu.wait_indirect_dma semaphore(%arg15 : memref<!tpu.dma_semaphore, #tpu.memory_space<semaphore_mem>>) src(%dma_wait3A_33 : memref<128x128xf32, #tpu.memory_space<vmem>>) dst(%dma_wait3A_39 : memref<10112x128xf32, #tpu.memory_space<vmem_shared>>)
    %dma_wait3A_40 = arith.constant 1 : i32
    %dma_wait3A_41 = arith.constant 0 : i32
    %dma_wait3A_42 = arith.constant 0 : i32
    %dma_wait3A_43 = arith.constant 0 : i32
    %dma_wait3A_44 = tpu.memref_slice %arg10[%dma_wait3A_40, %dma_wait3A_42, %dma_wait3A_43] : memref<2x128x128xf32, #tpu.memory_space<vmem>> -> memref<1x128x128xf32, #tpu.memory_space<vmem>>
    %dma_wait3A_45 = tpu.memref_squeeze %dma_wait3A_44 : memref<1x128x128xf32, #tpu.memory_space<vmem>> -> memref<128x128xf32, #tpu.memory_space<vmem>>
    %dma_wait3A_46 = arith.constant 0 : i32
    %dma_wait3A_47 = tpu.memref_slice %arg9[%dma_wait3A_41, %dma_wait3A_46] : memref<2x1024xi32, #tpu.memory_space<vmem>> -> memref<1x128xi32, #tpu.memory_space<vmem>>
    %dma_wait3A_48 = tpu.memref_squeeze %dma_wait3A_47 : memref<1x128xi32, #tpu.memory_space<vmem>> -> memref<128xi32, #tpu.memory_space<vmem>>
    %dma_wait3A_49 = arith.constant 0 : i32
    %dma_wait3A_50 = arith.constant 0 : i32
    %dma_wait3A_51 = tpu.memref_slice %arg12[%dma_wait3A_49, %dma_wait3A_50] : memref<10112x128xf32, #tpu.memory_space<vmem_shared>> -> memref<10112x128xf32, #tpu.memory_space<vmem_shared>>
    tpu.wait_indirect_dma semaphore(%arg16 : memref<!tpu.dma_semaphore, #tpu.memory_space<semaphore_mem>>) src(%dma_wait3A_45 : memref<128x128xf32, #tpu.memory_space<vmem>>) dst(%dma_wait3A_51 : memref<10112x128xf32, #tpu.memory_space<vmem_shared>>)
    %eq3A_52 = arith.constant 0 : i32
    %eq3A_53 = arith.cmpi eq, %arg0, %eq3A_52 : i32
    %convert_element_type3A_54 = arith.extui %eq3A_53 : i1 to i32
    %cond3A_55 = arith.constant 0 : i32
    %cond3A_56 = arith.cmpi ne, %convert_element_type3A_54, %cond3A_55 : i32
    scf.if %cond3A_56 {
      "tpu.region"() ({
        %run_scoped3A_58 = tpu.sem_alloc : memref<!tpu.dma_semaphore, #tpu.memory_space<semaphore_mem>>
        %dma_start3A_59 = arith.constant 0 : i32
        %dma_start3A_60 = tpu.memref_slice %arg7[%arg1, %dma_start3A_59] : memref<16x10112xf32, #tpu.memory_space<hbm>> -> memref<1x10112xf32, #tpu.memory_space<hbm>>
        %dma_start3A_61 = tpu.memref_squeeze %dma_start3A_60 : memref<1x10112xf32, #tpu.memory_space<hbm>> -> memref<10112xf32, #tpu.memory_space<hbm>>
        %dma_start3A_62 = arith.constant 0 : i32
        %dma_start3A_63 = tpu.memref_slice %arg7[%arg1, %dma_start3A_62] : memref<16x10112xf32, #tpu.memory_space<hbm>> -> memref<1x10112xf32, #tpu.memory_space<hbm>>
        %dma_start3A_64 = tpu.memref_squeeze %dma_start3A_63 : memref<1x10112xf32, #tpu.memory_space<hbm>> -> memref<10112xf32, #tpu.memory_space<hbm>>
        tpu.enqueue_dma source(%arg11 : memref<10112xf32, #tpu.memory_space<vmem>>) target(%dma_start3A_64 : memref<10112xf32, #tpu.memory_space<hbm>>) target_semaphore(%run_scoped3A_58 : memref<!tpu.dma_semaphore, #tpu.memory_space<semaphore_mem>>)
        %dma_wait3A_65 = arith.constant 0 : i32
        %dma_wait3A_66 = tpu.memref_slice %arg7[%arg1, %dma_wait3A_65] : memref<16x10112xf32, #tpu.memory_space<hbm>> -> memref<1x10112xf32, #tpu.memory_space<hbm>>
        %dma_wait3A_67 = tpu.memref_squeeze %dma_wait3A_66 : memref<1x10112xf32, #tpu.memory_space<hbm>> -> memref<10112xf32, #tpu.memory_space<hbm>>
        %dma_wait3A_68 = arith.constant 0 : i32
        %dma_wait3A_69 = tpu.memref_slice %arg7[%arg1, %dma_wait3A_68] : memref<16x10112xf32, #tpu.memory_space<hbm>> -> memref<1x10112xf32, #tpu.memory_space<hbm>>
        %dma_wait3A_70 = tpu.memref_squeeze %dma_wait3A_69 : memref<1x10112xf32, #tpu.memory_space<hbm>> -> memref<10112xf32, #tpu.memory_space<hbm>>
        tpu.wait_dma2 semaphore(%run_scoped3A_58 : memref<!tpu.dma_semaphore, #tpu.memory_space<semaphore_mem>>) src(%arg11 : memref<10112xf32, #tpu.memory_space<vmem>>) dst(%dma_wait3A_70 : memref<10112xf32, #tpu.memory_space<hbm>>)
        tpu.yield
      }) : () -> ()
    } else {
    }
    %barrier3A_57 = arith.constant 0 : index
    tpu.barrier barrier_id(%barrier3A_57)
    "tpu.region"() ({
      %run_scoped3A_58 = tpu.sem_alloc : memref<!tpu.dma_semaphore, #tpu.memory_space<semaphore_mem>>
      %dma_start3A_59 = arith.constant 0 : i32
      %dma_start3A_60 = tpu.memref_slice %arg6[%arg0, %mul3A_0, %dma_start3A_59] : memref<2x10112x128xf32, #tpu.memory_space<hbm>> -> memref<1x632x128xf32, #tpu.memory_space<hbm>>
      %dma_start3A_61 = tpu.memref_squeeze %dma_start3A_60 : memref<1x632x128xf32, #tpu.memory_space<hbm>> -> memref<632x128xf32, #tpu.memory_space<hbm>>
      %dma_start3A_62 = arith.constant 0 : i32
      %dma_start3A_63 = tpu.memref_slice %arg12[%mul3A_0, %dma_start3A_62] : memref<10112x128xf32, #tpu.memory_space<vmem_shared>> -> memref<632x128xf32, #tpu.memory_space<vmem_shared>>
      tpu.enqueue_dma source(%dma_start3A_63 : memref<632x128xf32, #tpu.memory_space<vmem_shared>>) target(%dma_start3A_61 : memref<632x128xf32, #tpu.memory_space<hbm>>) target_semaphore(%run_scoped3A_58 : memref<!tpu.dma_semaphore, #tpu.memory_space<semaphore_mem>>)
      %dma_wait3A_64 = arith.constant 0 : i32
      %dma_wait3A_65 = tpu.memref_slice %arg6[%arg0, %mul3A_0, %dma_wait3A_64] : memref<2x10112x128xf32, #tpu.memory_space<hbm>> -> memref<1x632x128xf32, #tpu.memory_space<hbm>>
      %dma_wait3A_66 = tpu.memref_squeeze %dma_wait3A_65 : memref<1x632x128xf32, #tpu.memory_space<hbm>> -> memref<632x128xf32, #tpu.memory_space<hbm>>
      %dma_wait3A_67 = arith.constant 0 : i32
      %dma_wait3A_68 = tpu.memref_slice %arg12[%mul3A_0, %dma_wait3A_67] : memref<10112x128xf32, #tpu.memory_space<vmem_shared>> -> memref<632x128xf32, #tpu.memory_space<vmem_shared>>
      tpu.wait_dma2 semaphore(%run_scoped3A_58 : memref<!tpu.dma_semaphore, #tpu.memory_space<semaphore_mem>>) src(%dma_wait3A_68 : memref<632x128xf32, #tpu.memory_space<vmem_shared>>) dst(%dma_wait3A_66 : memref<632x128xf32, #tpu.memory_space<hbm>>)
      tpu.yield
    }) : () -> ()
    return
  }
}

module attributes {stable_mosaic.version = 14 : i64} {
  func.func @_tc_root_body(%arg0: i32, %arg1: memref<2000x256xf32, #tpu.memory_space<vmem>>, %arg2: memref<256x256xf32, #tpu.memory_space<vmem>>, %arg3: memref<1x256xf32, #tpu.memory_space<vmem>>, %arg4: memref<2000x256xf32, #tpu.memory_space<vmem>>) attributes {dimension_semantics = [#tpu.dimension_semantics<arbitrary>], iteration_bounds = array<i64: 5>, scalar_prefetch = 0 : i64, scratch_operands = 0 : i64, tpu.core_type = #tpu.core_type<tc>, window_params = [{transform_indices = @transform_0, window_bounds = array<i64: 2000, 256>}, {pipeline_mode = #tpu.pipeline_mode<synchronous>, transform_indices = @transform_1, window_bounds = array<i64: 256, 256>}, {pipeline_mode = #tpu.pipeline_mode<synchronous>, transform_indices = @transform_2, window_bounds = array<i64: 1, 256>}, {transform_indices = @transform_3, window_bounds = array<i64: 2000, 256>}]} {
    %get3A = arith.constant 0 : index
    %get3A_0 = arith.constant 0 : index
    %get3A_1 = vector.load %arg1[%get3A, %get3A_0] : memref<2000x256xf32, #tpu.memory_space<vmem>>, vector<2000x256xf32>
    %get3A_2 = arith.constant 0 : index
    %get3A_3 = arith.constant 0 : index
    %get3A_4 = vector.load %arg2[%get3A_2, %get3A_3] : memref<256x256xf32, #tpu.memory_space<vmem>>, vector<256x256xf32>
    %dot_general3A = arith.constant dense<0.000000e+00> : vector<2000x256xf32>
    %dot_general3A_5 = tpu.matmul %get3A_1, %get3A_4, %dot_general3A {dimension_numbers = #tpu.dot_dimension_numbers<[1], [0], [0], [1], [0, 0, 1, 1], [], []>, transpose_lhs_hint = false} : vector<2000x256xf32>, vector<256x256xf32>, vector<2000x256xf32> -> vector<2000x256xf32>
    %get3A_6 = arith.constant 0 : index
    %get3A_7 = arith.constant 0 : index
    %get3A_8 = vector.load %arg3[%get3A_6, %get3A_7] : memref<1x256xf32, #tpu.memory_space<vmem>>, vector<1x256xf32>
    %add3A = vector.broadcast %get3A_8 : vector<1x256xf32> to vector<2000x256xf32>
    %add3A_9 = arith.addf %dot_general3A_5, %add3A : vector<2000x256xf32>
    %swap3A = arith.constant 0 : index
    %swap3A_10 = arith.constant 0 : index
    %swap3A_11 = vector.load %arg4[%swap3A, %swap3A_10] : memref<2000x256xf32, #tpu.memory_space<vmem>>, vector<2000x256xf32>
    tpu.vector_store %arg4[%swap3A, %swap3A_10], %add3A_9 {strides = array<i32>} : memref<2000x256xf32, #tpu.memory_space<vmem>>, vector<2000x256xf32>,
    return
  }
  func.func @transform_0(%arg0: i32) -> (i32, i32) {
    %c0_i32 = arith.constant 0 : i32
    %c0_i32_0 = arith.constant 0 : i32
    return %arg0, %c0_i32 : i32, i32
  }
  func.func @transform_1(%arg0: i32) -> (i32, i32) {
    %c0_i32 = arith.constant 0 : i32
    %c0_i32_0 = arith.constant 0 : i32
    %c0_i32_1 = arith.constant 0 : i32
    return %c0_i32, %c0_i32_0 : i32, i32
  }
  func.func @transform_2(%arg0: i32) -> (i32, i32) {
    %c0_i32 = arith.constant 0 : i32
    %c0_i32_0 = arith.constant 0 : i32
    %c0_i32_1 = arith.constant 0 : i32
    return %c0_i32, %c0_i32_0 : i32, i32
  }
  func.func @transform_3(%arg0: i32) -> (i32, i32) {
    %c0_i32 = arith.constant 0 : i32
    %c0_i32_0 = arith.constant 0 : i32
    return %arg0, %c0_i32 : i32, i32
  }
}

module attributes {stable_mosaic.version = 14 : i64} {
  func.func @_tc_body(%arg0: i32, %arg1: memref<2x2000x128xf32, #tpu.memory_space<vmem>>, %arg2: memref<2000x16xf32, #tpu.memory_space<vmem>>, %arg3: memref<2000x256xf32, #tpu.memory_space<vmem>>, %arg4: memref<256x256xf32, #tpu.memory_space<vmem>>, %arg5: memref<2000x256xf32, #tpu.memory_space<vmem>>) attributes {dimension_semantics = [#tpu.dimension_semantics<arbitrary>], iteration_bounds = array<i64: 5>, scalar_prefetch = 0 : i64, scratch_operands = 0 : i64, tpu.core_type = #tpu.core_type<tc>, window_params = [{transform_indices = @transform_0, window_bounds = array<i64: 2, 2000, 128>}, {transform_indices = @transform_1, window_bounds = array<i64: 2000, 16>}, {transform_indices = @transform_2, window_bounds = array<i64: 2000, 256>}, {pipeline_mode = #tpu.pipeline_mode<synchronous>, transform_indices = @transform_3, window_bounds = array<i64: 256, 256>}, {transform_indices = @transform_4, window_bounds = array<i64: 2000, 256>}]} {
    %get3A = arith.constant 0 : index
    %get3A_0 = arith.constant 0 : index
    %get3A_1 = vector.load %arg2[%get3A, %get3A_0] : memref<2000x16xf32, #tpu.memory_space<vmem>>, vector<2000x16xf32>
    %reduce_sum3A = arith.constant dense<0.000000e+00> : vector<2000xf32>
    %reduce_sum3A_2 = vector.multi_reduction <add>, %get3A_1, %reduce_sum3A [1] : vector<2000x16xf32> to vector<2000xf32>
    %reshape3A = vector.shape_cast %reduce_sum3A_2 : vector<2000xf32> to vector<2000x1xf32>
    %max3A = arith.constant 1.000000e+00 : f32
    %max3A_3 = vector.broadcast %max3A : f32 to vector<2000x1xf32>
    %max3A_4 = arith.maximumf %reshape3A, %max3A_3 : vector<2000x1xf32>
    %div3A = arith.constant 1.000000e+00 : f32
    %div3A_5 = vector.broadcast %div3A : f32 to vector<2000x1xf32>
    %div3A_6 = arith.divf %div3A_5, %max3A_4 : vector<2000x1xf32>
    %get3A_7 = arith.constant 0 : index
    %get3A_8 = arith.constant 0 : index
    %get3A_9 = arith.constant 0 : index
    %get3A_10 = vector.load %arg1[%get3A_7, %get3A_8, %get3A_9] : memref<2x2000x128xf32, #tpu.memory_space<vmem>>, vector<1x2000x128xf32>
    %get3A_11 = vector.shape_cast %get3A_10 : vector<1x2000x128xf32> to vector<2000x128xf32>
    %mul3A = vector.broadcast %div3A_6 : vector<2000x1xf32> to vector<2000x128xf32>
    %mul3A_12 = arith.mulf %get3A_11, %mul3A : vector<2000x128xf32>
    %get3A_13 = arith.constant 1 : index
    %get3A_14 = arith.constant 0 : index
    %get3A_15 = arith.constant 0 : index
    %get3A_16 = vector.load %arg1[%get3A_13, %get3A_14, %get3A_15] : memref<2x2000x128xf32, #tpu.memory_space<vmem>>, vector<1x2000x128xf32>
    %get3A_17 = vector.shape_cast %get3A_16 : vector<1x2000x128xf32> to vector<2000x128xf32>
    %mul3A_18 = vector.broadcast %div3A_6 : vector<2000x1xf32> to vector<2000x128xf32>
    %mul3A_19 = arith.mulf %get3A_17, %mul3A_18 : vector<2000x128xf32>
    %get3A_20 = arith.constant 0 : index
    %get3A_21 = arith.constant 0 : index
    %get3A_22 = vector.load %arg4[%get3A_20, %get3A_21] : memref<256x256xf32, #tpu.memory_space<vmem>>, vector<256x256xf32>
    %slice3A = vector.extract_strided_slice %get3A_22 {offsets = [0, 0], sizes = [128, 256], strides = [1, 1]} : vector<256x256xf32> to vector<128x256xf32>
    %dot_general3A = arith.constant dense<0.000000e+00> : vector<2000x256xf32>
    %dot_general3A_23 = tpu.matmul %mul3A_12, %slice3A, %dot_general3A {dimension_numbers = #tpu.dot_dimension_numbers<[1], [0], [0], [1], [0, 0, 1, 1], [], []>, transpose_lhs_hint = false} : vector<2000x128xf32>, vector<128x256xf32>, vector<2000x256xf32> -> vector<2000x256xf32>
    %slice3A_24 = vector.extract_strided_slice %get3A_22 {offsets = [128, 0], sizes = [128, 256], strides = [1, 1]} : vector<256x256xf32> to vector<128x256xf32>
    %dot_general3A_25 = arith.constant dense<0.000000e+00> : vector<2000x256xf32>
    %dot_general3A_26 = tpu.matmul %mul3A_19, %slice3A_24, %dot_general3A_25 {dimension_numbers = #tpu.dot_dimension_numbers<[1], [0], [0], [1], [0, 0, 1, 1], [], []>, transpose_lhs_hint = false} : vector<2000x128xf32>, vector<128x256xf32>, vector<2000x256xf32> -> vector<2000x256xf32>
    %add3A = arith.addf %dot_general3A_23, %dot_general3A_26 : vector<2000x256xf32>
    %get3A_27 = arith.constant 0 : index
    %get3A_28 = arith.constant 0 : index
    %get3A_29 = vector.load %arg3[%get3A_27, %get3A_28] : memref<2000x256xf32, #tpu.memory_space<vmem>>, vector<2000x256xf32>
    %add3A_30 = arith.addf %add3A, %get3A_29 : vector<2000x256xf32>
    %swap3A = arith.constant 0 : index
    %swap3A_31 = arith.constant 0 : index
    %swap3A_32 = vector.load %arg5[%swap3A, %swap3A_31] : memref<2000x256xf32, #tpu.memory_space<vmem>>, vector<2000x256xf32>
    tpu.vector_store %arg5[%swap3A, %swap3A_31], %add3A_30 {strides = array<i32>} : memref<2000x256xf32, #tpu.memory_space<vmem>>, vector<2000x256xf32>,
    return
  }
  func.func @transform_0(%arg0: i32) -> (i32, i32, i32) {
    %c0_i32 = arith.constant 0 : i32
    %c0_i32_0 = arith.constant 0 : i32
    %c0_i32_1 = arith.constant 0 : i32
    return %c0_i32, %arg0, %c0_i32_0 : i32, i32, i32
  }
  func.func @transform_1(%arg0: i32) -> (i32, i32) {
    %c0_i32 = arith.constant 0 : i32
    %c0_i32_0 = arith.constant 0 : i32
    return %arg0, %c0_i32 : i32, i32
  }
  func.func @transform_2(%arg0: i32) -> (i32, i32) {
    %c0_i32 = arith.constant 0 : i32
    %c0_i32_0 = arith.constant 0 : i32
    return %arg0, %c0_i32 : i32, i32
  }
  func.func @transform_3(%arg0: i32) -> (i32, i32) {
    %c0_i32 = arith.constant 0 : i32
    %c0_i32_0 = arith.constant 0 : i32
    %c0_i32_1 = arith.constant 0 : i32
    return %c0_i32, %c0_i32_0 : i32, i32
  }
  func.func @transform_4(%arg0: i32) -> (i32, i32) {
    %c0_i32 = arith.constant 0 : i32
    %c0_i32_0 = arith.constant 0 : i32
    return %arg0, %c0_i32 : i32, i32
  }
}

</mosaic_0001>

<sc_bundles>
// kernel: kernel.5.cloned.1.call-start
scs
__scs_entry_jumppad:
0x0: {  	(pc) =	sbr.rel $0x88, $3  }
0x1: {  	(tag) =	ssettag $0x0;
	lr =	simm.s32 $0x1  }
0x2: {  	[smem:$0x3F9C] =	sst lr;
	_ =	strace $0xD0000000  }
0x3: {  	_ = 	snop  }
0x4: {  	_ = 	snop  }
0x5: {  	_ = 	snop  }
0x6: {  	_ = 	snop  }
0x7: {  	_ = 	snop  }
__scs_overlays_trampoline_lowered:
0x8: {  	[smem:$0x3FAB] =	sst s0  }
0x9: {  	[smem:$0x3FAC] =	sst s1  }
0xa: {  	[smem:$0x3FAD] =	sst s2  }
0xb: {  	[smem:$0x3FAE] =	sst s3  }
0xc: {  	[smem:$0x3FAF] =	sst s4  }
0xd: {  	[smem:$0x3FB0] =	sst s5  }
0xe: {  	[smem:$0x3FB1] =	sst s6  }
0xf: {  	[smem:$0x3FB2] =	sst s7  }
0x10: {  	[smem:$0x3FB3] =	sst s8  }
0x11: {  	[smem:$0x3FB4] =	sst s9;
	s0 =	simm.s32 @!p0 $0x0  }
0x12: {  	s1 =	sld [smem:$0x3F9A];
	s0 =	simm.s32 @p0 $0x1  }
0x13: {  	[smem:$0x3FB5] =	sst s0;
	s0 =	simm.s32 @!p1 $0x0  }
0x14: {  	s2 =	sld [smem:$0x3F99];
	s0 =	simm.s32 @p1 $0x1  }
0x15: {  	[smem:$0x3FB6] =	sst s0;
	s0 =	simm.s32 @!p2 $0x0  }
0x16: {  	s3 =	sld [smem:$0x3FDB];
	s0 =	simm.s32 @p2 $0x1  }
0x17: {  	s4 =	simm.s32 $0x1BF5;
	[smem:$0x3FB8] =	sst s0  }
0x18: {  	s0 =	sld [smem:$0x3F9B];
	_ =	swait.ge [sflag:s4], $0x0  }
0x19: {  	s7 =	sld [smem:$0x3F9C]  }
0x1a: {  	s8 =	sadd.s32 $0xFFFFE003, lr  }
0x1b: {  	s9 =	sadd.s32 $0xFFFFFEF7, lr;
	s5 =	simm.s32 $0xFFFFFFFF;
	p2 =	slt.u32 s8, $0xFFFFF086  }
0x1c: {  	p1 =	slt.u32 s9, $0xF7A;
	s5 =	simm.s32 @!p2 $0x0  }
0x1d: {  	s5 =	simm.s32 @p1 $0x1;
	p0 =	seq.s32 s7, s2  }
0x1e: {  	s7 =	smul.u32 @!p0 $0xF7A, s2;
	p2 =	seq.s32 @!p0 s5, $0x0  }
0x1f: {  	s9 =	smul.u32 $0xF7A, s1;
	s8 =	simm.s32 @!p0 $0x1BF5;
	p2 =	por !p2, p0  }
0x20: {  	[sflag:s8] =	ssyncset.s32 @!p0 $0xFFFFF086;
	s6 =	sadd.s32 @!p0 s3, s7;
	s7 =	simm.s32 @!p0 $0x108  }
0x21: {  	s3 =	sadd.s32 s3, s9;
	s6 =	sadd.s32 @!p0 $0x88, s6;
	s7 =	simm.s32 @p2 $0x1082  }
0x22: {  	[simem:s7], [sflag:s8] =	dma.local @!p0 [hbm:s6], $0xF7A  }
0x23: {  	s9 =	sor.u32 $0xD0000000, s2;
	s6 =	simm.s32 $0x108;
	_ =	swait.ge @!p0 [sflag:s8], $0x0  }
0x24: {  	s3 =	sadd.s32 $0x88, s3;
	s6 =	simm.s32 @!p1 $0x1082;
	[sflag:s4] =	ssyncset.s32 $0xFFFFF086  }
0x25: {  	[simem:s6], [sflag:s4] =	dma.local [hbm:s3], $0xF7A  }
0x26: {  	[smem:$0x3F9C] =	sst s1;
	(tag) =	ssettag s2;
	_ =	strace s9  }
0x27: {  	s1 =	sld [smem:$0x3FAC]  }
0x28: {  	s2 =	sld [smem:$0x3FAD]  }
0x29: {  	s4 =	sld [smem:$0x3FAF]  }
0x2a: {  	p0 =	seq.s32 s5, $0x0;
	s5 =	sld [smem:$0x3FB0]  }
0x2b: {  	s6 =	sld [smem:$0x3FB1]  }
0x2c: {  	s7 =	sld [smem:$0x3FB2]  }
0x2d: {  	s3 =	simm.s32 $0x108;
	s8 =	sld [smem:$0x3FB3]  }
0x2e: {  	s3 =	simm.s32 @!p0 $0x1082;
	s9 =	sld [smem:$0x3FB4]  }
0x2f: {  	lr =	sadd.s32 s0, s3;
	s0 =	sld [smem:$0x3FAB]  }
0x30: {  	s3 =	sld [smem:$0x3FAE]  }
0x31: {  	[smem:$0x3FB7] =	sst s10  }
0x32: {  	s10 =	sld [smem:$0x3FB5];
	_ =	sdelay $0x3  }
0x33: {  	p0 =	seq.s32 s10, $0x1;
	s10 =	sld [smem:$0x3FB7];
	_ =	sdelay $0x3  }
0x34: {  	[smem:$0x3FB7] =	sst s10  }
0x35: {  	s10 =	sld [smem:$0x3FB6];
	_ =	sdelay $0x3  }
0x36: {  	p1 =	seq.s32 s10, $0x1;
	s10 =	sld [smem:$0x3FB7];
	_ =	sdelay $0x3  }
0x37: {  	[smem:$0x3FB7] =	sst s10  }
0x38: {  	s10 =	sld [smem:$0x3FB8]  }
0x39: {  	_ = 	snop;
	(pc) =	sbr.ind lr, $3  }
0x3a: {  	_ = 	snop  }
0x3b: {  	_ = 	snop  }
0x3c: {  	p2 =	seq.s32 s10, $0x1;
	s10 =	sld [smem:$0x3FB7]  }
0x3d: {  	_ =	shalt  }
0x3e: {  	_ =	shalt  }
0x3f: {  	_ =	shalt  }
0x40: {  	_ =	shalt  }
0x41: {  	_ =	shalt  }
0x42: {  	_ =	shalt  }
0x43: {  	_ =	shalt  }
0x44: {  	_ =	shalt  }
0x45: {  	_ =	shalt  }
0x46: {  	_ =	shalt  }
0x47: {  	_ =	shalt  }
0x48: {  	_ =	shalt  }
0x49: {  	_ =	shalt  }
0x4a: {  	_ =	shalt  }
0x4b: {  	_ =	shalt  }
0x4c: {  	_ =	shalt  }
0x4d: {  	_ =	shalt  }
0x4e: {  	_ =	shalt  }
0x4f: {  	_ =	shalt  }
0x50: {  	_ =	shalt  }
0x51: {  	_ =	shalt  }
0x52: {  	_ =	shalt  }
0x53: {  	_ =	shalt  }
0x54: {  	_ =	shalt  }
0x55: {  	_ =	shalt  }
0x56: {  	_ =	shalt  }
0x57: {  	_ =	shalt  }
0x58: {  	_ =	shalt  }
0x59: {  	_ =	shalt  }
0x5a: {  	_ =	shalt  }
0x5b: {  	_ =	shalt  }
0x5c: {  	_ =	shalt  }
0x5d: {  	_ =	shalt  }
0x5e: {  	_ =	shalt  }
0x5f: {  	_ =	shalt  }
0x60: {  	_ =	shalt  }
0x61: {  	_ =	shalt  }
0x62: {  	_ =	shalt  }
0x63: {  	_ =	shalt  }
0x64: {  	_ =	shalt  }
0x65: {  	_ =	shalt  }
0x66: {  	_ =	shalt  }
0x67: {  	_ =	shalt  }
0x68: {  	_ =	shalt  }
0x69: {  	_ =	shalt  }
0x6a: {  	_ =	shalt  }
0x6b: {  	_ =	shalt  }
0x6c: {  	_ =	shalt  }
0x6d: {  	_ =	shalt  }
0x6e: {  	_ =	shalt  }
0x6f: {  	_ =	shalt  }
0x70: {  	_ =	shalt  }
0x71: {  	_ =	shalt  }
0x72: {  	_ =	shalt  }
0x73: {  	_ =	shalt  }
0x74: {  	_ =	shalt  }
0x75: {  	_ =	shalt  }
0x76: {  	_ =	shalt  }
0x77: {  	_ =	shalt  }
0x78: {  	_ =	shalt  }
0x79: {  	_ =	shalt  }
0x7a: {  	_ =	shalt  }
0x7b: {  	_ =	shalt  }
0x7c: {  	_ =	shalt  }
0x7d: {  	_ =	shalt  }
0x7e: {  	_ =	shalt  }
0x7f: {  	_ =	shalt  }
0x80: {  	_ =	shalt  }
0x81: {  	_ =	shalt  }
0x82: {  	_ =	shalt  }
0x83: {  	_ =	shalt  }
0x84: {  	_ =	shalt  }
0x85: {  	_ =	shalt  }
0x86: {  	_ =	shalt  }
0x87: {  	_ =	shalt  }
.Lfunc_end0:
.L_simem_size_0:
called_computation_lowered:
.L_overlay_start_0:
0x88: {  	s2 =	sld [smem:$0x3FD9]  }
0x89: {  	s3 =	sld [smem:$0x3FFE];
	_ =	sdelay $0x1  }
0x8a: {  	s1 =	srdreg.scid  }
0x8b: {  	s0 =	sand.u32 $0x1, s1  }
0x8c: {  	s17 =	sshll.u32 s0, $0xA;
	s2 =	sadd.s32 s3, s2  }
0x8d: {  	s2 =	sadd.s32 s2, s17  }
0x8e: {  	[smem:$0x3FC3] =	sst s2  }
0x8f: {  	_ = 	snop  }
0x90: {  	s2 =	sld [smem:$0x3FD0];
	(tm) =	ssettm $0x1  }
0x91: {  	s18 =	sld [smem:$0x3FFB];
	_ =	sdelay $0x3  }
0x92: {  	_ =	strace s18  }
0x93: {  	s3 =	sld [smem:$0x3FFC];
	_ =	sdelay $0x3  }
0x94: {  	_ =	strace s3  }
0x95: {  	s3 =	sld [smem:$0x3FFD];
	_ =	sdelay $0x3  }
0x96: {  	_ =	strace s3  }
0x97: {  	_ =	strace $0x8FFFFFFF  }
0x98: {  	s19 =	sld [smem:$0x3FDB];
	_ =	sdelay $0x1  }
0x99: {  	s4 =	simm.s32 $_scs_section_size  }
0x9a: {  	s5 =	simm.s32 $_size__tile_overlayer_lowered;
	s6 =	simm.s32 $_tile_overlayer_lowered  }
0x9b: {  	s22 =	simm.s32 $0x1BFF;
	s21 =	sshll.u32 s6, $0x1;
	s3 =	sadd.s32 s4, s19  }
0x9c: {  	s7 =	simm.s32 $0x0;
	s20 =	sshll.u32 s5, $0x1;
	s5 =	sadd.s32 s21, s3  }
0x9d: {  	[timem:s7], [sflag:s22] =	dma.local [hbm:s5], s20  }
0x9e: {  	_ =	swait.ge [sflag:s22], s20  }
0x9f: {  	s4 =	ssub.s32 $0x0, s20;
	[sflag:s22] =	ssyncset.done $0x0  }
0xa0: {  	[sflag:s22] =	ssyncadd.s32 s4;
	_ =	sdelay $0x1  }
0xa1: {  	s23 =	simm.s32 $0x1B8B  }
0xa2: {  	_ =	swait.ge [sflag:s23], $0x1  }
0xa3: {  	[sflag:s23] =	ssyncset.done $0x0  }
0xa4: {  	s25 =	simm.s32 $0x1B8E;
	s24 =	sld [smem:$0x3FFE];
	[sflag:s23] =	ssyncadd.s32 $0xFFFFFFFF  }
0xa5: {  	s26 =	simm.s32 $execute0_lowered;
	[smem:$0x3FD2] =	sst s25  }
0xa6: {  	s5 =	sshll.u32 s26, $0x1;
	_ =	strace $0x80000046;
	[dreg:$0x1] =	wrdreg $0xFFFFFFFF  }
0xa7: {  	s28 =	simm.s32 $_size_execute0_lowered;
	s3 =	sadd.s32 s3, s5;
	[dreg:$0x0] =	wrdreg $0x0  }
0xa8: {  	s5 =	sshll.u32 s28, $0x1;
	[dreg:$0x2] =	wrdreg s3  }
0xa9: {  	[dreg:$0x3] =	wrdreg s5  }
0xaa: {  	[dreg:$0x4] =	wrdreg $0xC0  }
0xab: {  	_ =	task [dreg:s7], $0x5FFFF  }
0xac: {  	[dreg:$0x1] =	wrdreg $0xFFFFFFFF  }
0xad: {  	[dreg:$0x0] =	wrdreg $0x60  }
0xae: {  	[dreg:$0x2] =	wrdreg s2  }
0xaf: {  	[dreg:$0x3] =	wrdreg s24  }
0xb0: {  	[dreg:$0x4] =	wrdreg $0xB7800  }
0xb1: {  	[dreg:$0x5] =	wrdreg $0x9  }
0xb2: {  	_ =	task.clear_ibuf [dreg:s7], $0x6FFFF;
	_ =	strace $0x90000046  }
0xb3: {  	s29 =	simm.s32 $0x9;
	_ =	strace $0x80000048  }
0xb4: {  	_ =	swait.ge [sflag:s29], $0x1  }
0xb5: {  	[sflag:s29] =	ssyncadd.s32 $0xFFFFFFFF  }
0xb6: {  	_ =	strace $0x90000048  }
0xb7: {  	_ =	sfence  }
0xb8: {  	s30 =	sld [smem:$0x0];
	_ =	sdelay $0x2  }
0xb9: {  	s31 =	sshll.u32 s1, $0xD;
	s1 =	sshrl.u32 s1, $0x2  }
0xba: {  	s3 =	sand.u32 $0x4000, s31;
	s1 =	sadd.s32 s1, s30  }
0xbb: {  	s0 =	sor.u32 s3, s0;
	s1 =	sshll.u32 s1, $0x11  }
0xbc: {  	s0 =	sor.u32 s1, s0  }
0xbd: {  	s0 =	sadd.s32 $0x8F2B, s0  }
0xbe: {  	[sflag:s0] =	ssyncadd.remote.s32 $0x1  }
0xbf: {  	_ =	sfence.sel $0xFFFF  }
0xc0: {  	[dreg:$0x0] =	wrdreg $0xFFFFFFFF;
	(pc) =	sbr.abs _section_cstart, $3  }
0xc1: {  	[dreg:$0x1] =	wrdreg $0xFFFFFFFF  }
0xc2: {  	_ =	task.clear_ibuf [dreg:s7], $0x2FFFF;
	_ =	strace $0x9FFFFFFF  }
0xc3: {  	(tm) =	ssettm $0x7FFFFFFF  }
tec
execute0_lowered:
.L_overlay_start_1:
0x0: {  	(tag) =	ssettag $0x1  }
0x1: {  	s1 =	rddreg [dreg:$0x0]  }
0x2: {  	s0 =	rddreg [dreg:$0x1]  }
0x3: {  	s2 =	rddreg [dreg:$0x2]  }
0x4: {  	s4 =	simm.s32 $0x0;
	s3 =	srdreg.scid;
	s12 =	stileid.u32  }
0x5: {  	s30 =	simm.s32 $0x80;
	s31 =	simm.s32 $0xF80;
	s8 =	smul.u32 $0x13C00, s12  }
0x6: {  	[smem:$0x7FF] =	sst s4;
	s3 =	sand.u32 $0x1, s3;
	s11 =	smul.u32 $0x4F000, s12  }
0x7: {  	s23 =	sadd.s32 $0x1400, s0;
	s9 =	sshrl.u32 s12, $0x3;
	s18 =	smul.u32 $0x500, s12  }
0x8: {  	s14 =	sshll.u32 s12, $0x7;
	s20 =	sshll.u32 s12, $0x6;
	s12 =	smul.u32 $0xA, s12  }
0x9: {  	s5 =	sadd.s32 $0x6400, s0;
	s10 =	sadd.s32 $0xB400, s0;
	s7 =	smul.u32 $0x13C000, s3  }
0xa: {  	_ =	strace $0x80000047;
	s13 =	smul.u32 $0x13C00, s9;
	[dreg:$0x4] =	wrdreg s10  }
0xb: {  	s9 =	sand.u32 $0x380, s14;
	s15 =	ssub.s32 $0x2, s3;
	[dreg:$0x11] =	wrdreg s5  }
0xc: {  	p0 =	sne.s32 s3, $0x0;
	p1 =	seq.s32 s3, $0x0;
	s16 =	sshrl.u32 s15, $0x1  }
0xd: {  	s19 =	sshrl.u32 s11, $0x2;
	s11 =	sor.u32 $0x1C07, s20;
	s21 =	sor.u32 $0x1, s12  }
0xe: {  	s22 =	sadd.s32 $0x2, s12;
	s12 =	simm.s32 $0x7;
	s7 =	sadd.s32 s8, s7  }
0xf: {  	s8 =	sor.u32 s9, s13;
	s17 =	ssub.s32 s15, s16;
	[dreg:$0x8] =	wrdreg s21  }
0x10: {  	s10 =	sadd.s32 s19, s2;
	s13 =	sadd.s32 s23, s18;
	[dreg:$0x9] =	wrdreg s22  }
0x11: {  	s9 =	sadd.s32 s5, s18;
	s21 =	simm.s32 $0x1;
	[dreg:$0x5] =	wrdreg s11  }
0x12: {  	s22 =	simm.s32 $0x2;
	s5 =	simm.s32 $0x0;
	[dreg:$0x7] =	wrdreg s9  }
0x13: {  	s7 =	sshrl.u32 s7, $0x3;
	s25 =	smax.u32 s17, $0x1;
	[dreg:$0x6] =	wrdreg s13  }
0x14: {  	s8 =	sshrl.u32 s8, $0x3;
	s26 =	sadd.s32 $0x10, s13;
	[dreg:$0xc] =	wrdreg s25  }
0x15: {  	s28 =	sadd.s32 $0x20, s13;
	s29 =	sadd.s32 $0x30, s13;
	[dreg:$0xe] =	wrdreg s26  }
.Ltmp0:
0x16: {  	s7 =	sadd.s32 s7, s0;
	[dreg:$0xf] =	wrdreg s28;
	(pc) =	sbr.rel .LBB2_1-.Ltmp0, $4  }
0x17: {  	s0 =	sadd.s32 s8, s0;
	s8 =	sshrl.u32 s10, $0x3;
	[dreg:$0x10] =	wrdreg s29  }
0x18: {  	s10 =	simm.s32 $0x4;
	s0 =	sadd.s32 $0xDC00, s0;
	[dreg:$0xd] =	wrdreg s8  }
0x19: {  	s25 =	simm.s32 $0x9000;
	s24 =	sadd.s32 $0x12C00, s7;
	[dreg:$0xa] =	wrdreg s0  }
0x1a: {  	v0 =	vimm.f32 $0.0e+00;
	v1 =	vimm.f32 $1.000000000e+00;
	s7 =	simm.s32 $0x5000;
	[dreg:$0xb] =	wrdreg s24;
	s0 =	simm.s32 $0x1000  }
.LBB2_21:
0x1b: {  	_ =	swait.ge [sflag:s20], $0x4000  }
0x1c: {  	[sflag:s20] =	ssyncset.done $0x0  }
0x1d: {  	[sflag:s20] =	ssyncadd.s32 $0xFFFFC000  }
0x1e: {  	_ =	swait.ge [sflag:s10], $0x4000  }
0x1f: {  	s3 =	simm.s32 @!p0 $0x80;
	s8 =	simm.s32 @!p0 $0x400;
	[sflag:s10] =	ssyncset.done $0x0  }
0x20: {  	s9 =	simm.s32 @!p0 $0x9000;
	s11 =	rddreg [dreg:$0xa];
	[sflag:s10] =	ssyncadd.s32 $0xFFFFC000  }
0x21: {  	[hbm4b:s11+s3] =	stream.strided.scatter @!p0 [tilespmem:s9], [sflag:$0x7], $0x2780, s8, s3, $0x38;
	[tilespmem:$0x1F380] =	vst v63  }
0x22: {  	s3 =	simm.s32 @!p0 $0x7  }
0x23: {  	_ =	swait.ge @!p0 [sflag:s3], $0x2780  }
0x24: {  	[sflag:s3] =	ssyncset.done @!p0 $0x0  }
0x25: {  	[sflag:s3] =	ssyncadd.s32 @!p0 $0xFFFFD880  }
0x26: {  	[bflag:$0x0] =	sbarrier.arrive $0xFFFF  }
0x27: {  	s11 =	rddreg [dreg:$0x5]  }
0x28: {  	s28 =	rddreg [dreg:$0xb]  }
0x29: {  	s12 =	simm.s32 $0x7;
	s8 =	rddreg [dreg:$0xd]  }
0x2a: {  	[hbm:s28], [sflag:s11] =	dma.local [spmem:s8], $0x2780  }
0x2b: {  	_ =	swait.ge [sflag:s12], $0x2780  }
0x2c: {  	s5 =	rddreg [dreg:$0x12]  }
0x2d: {  	s29 =	rddreg [dreg:$0xc];
	s5 =	sadd.s32 $0x1, s5  }
0x2e: {  	p2 =	sne.s32 s5, s29  }
.Ltmp1:
0x2f: {  	_ = 	snop;
	(pc) =	sbr.rel @!p2 .LBB2_22-.Ltmp1, $3  }
0x30: {  	_ =	sdelay $0x1  }
0x31: {  	[sflag:s12] =	ssyncset.done $0x0  }
0x32: {  	[sflag:s12] =	ssyncadd.s32 $0xFFFFD880  }
.LBB2_1:
.Ltmp2:
0x33: {  	s3 =	rddreg [dreg:$0x4];
	(pc) =	sbr.rel @p0 .LBB2_5-.Ltmp2, $4  }
0x34: {  	[spmem:s8], [sflag:s11] =	dma.local [hbm:s3], $0x2780  }
0x35: {  	_ =	swait.ge [sflag:s12], $0x2780  }
0x36: {  	[sflag:s12] =	ssyncset.done $0x0  }
0x37: {  	[sflag:s12] =	ssyncadd.s32 $0xFFFFD880  }
0x38: {  	s3 =	simm.s32 $0x40;
	s8 =	simm.s32 $0x0  }
.LBB2_3:
0x39: {  	p2 =	sne.s32 s3, $0x9DC0;
	[tilespmem:s8+$0x9000] =	vst v0;
	s8 =	smov.u32 s3;
	s3 =	sadd.s32 $0x40, s3  }
.Ltmp3:
0x3a: {  	(pc) =	sbr.rel @p2 .LBB2_3-.Ltmp3, $2  }
0x3b: {  	_ =	sdelay $0x2  }
0x3c: {  	s8 =	sshra.s32 s8, $0x2  }
0x3d: {  	[tilespmem:s8+$0x9000] =	vst v0  }
.LBB2_5:
0x3e: {  	[dreg:$0x12] =	wrdreg s5  }
0x3f: {  	[bflag:$0x0] =	sbarrier.arrive $0xFFFF  }
0x40: {  	s3 =	simm.s32 $0x0;
	s9 =	rddreg [dreg:$0x6]  }
0x41: {  	[tilespmem:s3], [sflag:$0x7] =	stream.linear.gather [hbm4b:s9+s3], $0x80, $0x38;
	[tilespmem:$0x1F380] =	vst v63  }
0x42: {  	s11 =	simm.s32 $0x100;
	s8 =	rddreg [dreg:$0xe]  }
0x43: {  	[tilespmem:s11], [sflag:$0x7] =	stream.linear.gather [hbm4b:s8+s3], $0x80, $0x38;
	[tilespmem:$0x1F380] =	vst v63  }
0x44: {  	s6 =	simm.s32 $0x200;
	s5 =	rddreg [dreg:$0xf]  }
0x45: {  	[tilespmem:s6], [sflag:$0x7] =	stream.linear.gather [hbm4b:s5+s3], $0x80, $0x38;
	[tilespmem:$0x1F380] =	vst v63  }
0x46: {  	s14 =	simm.s32 $0x300;
	s13 =	rddreg [dreg:$0x10]  }
0x47: {  	[tilespmem:s14], [sflag:$0x7] =	stream.linear.gather [hbm4b:s13+s3], $0x80, $0x38;
	[tilespmem:$0x1F380] =	vst v63  }
0x48: {  	s16 =	simm.s32 $0x400;
	s15 =	sadd.s32 $0x40, s9  }
0x49: {  	[tilespmem:s16], [sflag:$0x7] =	stream.linear.gather [hbm4b:s15+s3], $0x80, $0x38;
	[tilespmem:$0x1F380] =	vst v63  }
0x4a: {  	s18 =	simm.s32 $0x500;
	s17 =	sadd.s32 $0x50, s9  }
0x4b: {  	[tilespmem:s18], [sflag:$0x7] =	stream.linear.gather [hbm4b:s17+s3], $0x80, $0x38;
	[tilespmem:$0x1F380] =	vst v63  }
0x4c: {  	s20 =	simm.s32 $0x600;
	s19 =	sadd.s32 $0x60, s9  }
0x4d: {  	[tilespmem:s20], [sflag:$0x7] =	stream.linear.gather [hbm4b:s19+s3], $0x80, $0x38;
	[tilespmem:$0x1F380] =	vst v63  }
0x4e: {  	s26 =	simm.s32 $0x700;
	s24 =	sadd.s32 $0x70, s9  }
0x4f: {  	[tilespmem:s26], [sflag:$0x7] =	stream.linear.gather [hbm4b:s24+s3], $0x80, $0x38;
	[tilespmem:$0x1F380] =	vst v63  }
0x50: {  	_ =	swait.ge [sflag:s12], $0x400  }
0x51: {  	[sflag:s12] =	ssyncset.done $0x0  }
0x52: {  	s29 =	simm.s32 $0x800;
	s28 =	rddreg [dreg:$0x7];
	[sflag:s12] =	ssyncadd.s32 $0xFFFFFC00  }
0x53: {  	[tilespmem:s29], [sflag:$0x7] =	stream.linear.gather [hbm4b:s28+s3], $0x80, $0x38;
	[tilespmem:$0x1F380] =	vst v63  }
0x54: {  	s6 =	simm.s32 $0x900;
	s5 =	sadd.s32 $0x10, s28  }
0x55: {  	[tilespmem:s6], [sflag:$0x7] =	stream.linear.gather [hbm4b:s5+s3], $0x80, $0x38;
	[tilespmem:$0x1F380] =	vst v63  }
0x56: {  	s14 =	simm.s32 $0xA00;
	s13 =	sadd.s32 $0x20, s28  }
0x57: {  	[tilespmem:s14], [sflag:$0x7] =	stream.linear.gather [hbm4b:s13+s3], $0x80, $0x38;
	[tilespmem:$0x1F380] =	vst v63  }
0x58: {  	s16 =	simm.s32 $0xB00;
	s15 =	sadd.s32 $0x30, s28  }
0x59: {  	[tilespmem:s16], [sflag:$0x7] =	stream.linear.gather [hbm4b:s15+s3], $0x80, $0x38;
	[tilespmem:$0x1F380] =	vst v63  }
0x5a: {  	s18 =	simm.s32 $0xC00;
	s17 =	sadd.s32 $0x40, s28  }
0x5b: {  	[tilespmem:s18], [sflag:$0x7] =	stream.linear.gather [hbm4b:s17+s3], $0x80, $0x38;
	[tilespmem:$0x1F380] =	vst v63  }
0x5c: {  	s20 =	simm.s32 $0xD00;
	s19 =	sadd.s32 $0x50, s28  }
0x5d: {  	[tilespmem:s20], [sflag:$0x7] =	stream.linear.gather [hbm4b:s19+s3], $0x80, $0x38;
	[tilespmem:$0x1F380] =	vst v63  }
0x5e: {  	s26 =	simm.s32 $0xE00;
	s24 =	sadd.s32 $0x60, s28  }
0x5f: {  	[tilespmem:s26], [sflag:$0x7] =	stream.linear.gather [hbm4b:s24+s3], $0x80, $0x38;
	[tilespmem:$0x1F380] =	vst v63  }
.Ltmp4:
0x60: {  	s28 =	sadd.s32 $0x70, s28;
	s29 =	simm.s32 $0xF00;
	(pc) =	sbr.rel @p1 .LBB2_9-.Ltmp4, $4  }
0x61: {  	[tilespmem:s29], [sflag:$0x7] =	stream.linear.gather [hbm4b:s28+s3], $0x80, $0x38;
	[tilespmem:$0x1F380] =	vst v63  }
0x62: {  	_ =	swait.ge [sflag:s12], $0x400  }
0x63: {  	[sflag:s12] =	ssyncset.done $0x0  }
0x64: {  	[sflag:s12] =	ssyncadd.s32 $0xFFFFFC00  }
0x65: {  	s8 =	sand.u32 $0x70, s3;
	s9 =	sand.u32 $0x700, s3  }
0x66: {  	s8 =	sor.u32 s8, s9  }
0x67: {  	v2 =	vld [tilespmem:s8+$0x0];
	_ =	sdelay $0x3  }
0x68: {  	s29 =	sadd.s32 $0x10, s3;
	s3 =	sadd.s32 $0x20, s3  }
0x69: {  	s11 =	sand.u32 $0x70, s29;
	s12 =	sand.u32 $0x700, s3;
	s9 =	sadd.s32 $0x10, s29;
	v2 =	vadd.s32 $0x1, v2  }
.LBB2_7:
0x6a: {  	p2 =	sne.s32 s9, $0x3F0;
	[tilespmem:s8+$0x0] =	vst v2;
	s8 =	sor.u32 s11, s12  }
0x6b: {  	v2 =	vld [tilespmem:s8+$0x0]  }
.Ltmp5:
0x6c: {  	(pc) =	sbr.rel @p2 .LBB2_7-.Ltmp5, $3  }
0x6d: {  	_ =	sdelay $0x1  }
0x6e: {  	s3 =	sadd.s32 $0x20, s3  }
0x6f: {  	s11 =	sand.u32 $0x70, s9;
	s9 =	sadd.s32 $0x10, s9;
	s12 =	sand.u32 $0x700, s3;
	v2 =	vadd.s32 $0x1, v2  }
0x70: {  	s3 =	sor.u32 s11, s12;
	[tilespmem:s8+$0x0] =	vst v2  }
0x71: {  	v2 =	vld [tilespmem:s3+$0x0];
	_ =	sdelay $0x4  }
0x72: {  	v2 =	vadd.s32 $0x1, v2  }
0x73: {  	[tilespmem:s3+$0x0] =	vst v2  }
.LBB2_9:
.Ltmp6:
0x74: {  	(pc) =	sbr.rel .LBB2_10-.Ltmp6, $3  }
0x75: {  	_ =	sdelay $0x1  }
0x76: {  	s3 =	simm.s32 $0x0  }
0x77: {  	[tilespmem:s0], [sflag:$0x1] =	stream.indirect.gather [hbm4b:s1+s30], $0x80, s3, s30, $0xb8;
	[tilespmem:$0x1F380] =	vst v63  }
.LBB2_19:
0x78: {  	_ =	swait.ge [sflag:s20], $0x4000  }
0x79: {  	[sflag:s20] =	ssyncset.done $0x0  }
0x7a: {  	[sflag:s20] =	ssyncadd.s32 $0xFFFFC000  }
0x7b: {  	[tilespmem:s0], [sflag:$0x1] =	stream.indirect.gather [hbm4b:s1+s30], $0x80, s4, s30, $0xb8;
	[tilespmem:$0x1F380] =	vst v63  }
.LBB2_20:
0x7c: {  	[spmem:s2] =	stream.indirect.scatter.add.f32 [tilespmem:s7], [sflag:$0x4], $0x80, s5, s30, $0xb8;
	[tilespmem:$0x1F380] =	vst v63  }
0x7d: {  	v3 =	vld @!p0 [tilespmem:$0xF80];
	_ =	sdelay $0x7  }
0x7e: {  	[tilespmem:v3+s26+$0x0] =	vst.idx.add.f32.msk @!p0 $0xffff, v2  }
0x7f: {  	v3 =	vld @!p0 [tilespmem:$0xF90];
	_ =	sdelay $0x7  }
0x80: {  	[tilespmem:v3+s26+$0x0] =	vst.idx.add.f32.msk @!p0 $0xffff, v2  }
0x81: {  	v3 =	vld @!p0 [tilespmem:$0xFA0];
	_ =	sdelay $0x7  }
0x82: {  	[tilespmem:v3+s26+$0x0] =	vst.idx.add.f32.msk @!p0 $0xffff, v2  }
0x83: {  	v3 =	vld @!p0 [tilespmem:$0xFB0];
	_ =	sdelay $0x7  }
0x84: {  	[tilespmem:v3+s26+$0x0] =	vst.idx.add.f32.msk @!p0 $0xffff, v2  }
0x85: {  	v3 =	vld @!p0 [tilespmem:$0xFC0];
	_ =	sdelay $0x7  }
0x86: {  	[tilespmem:v3+s26+$0x0] =	vst.idx.add.f32.msk @!p0 $0xffff, v2  }
0x87: {  	v3 =	vld @!p0 [tilespmem:$0xFD0];
	_ =	sdelay $0x7  }
0x88: {  	[tilespmem:v3+s26+$0x0] =	vst.idx.add.f32.msk @!p0 $0xffff, v2  }
0x89: {  	v3 =	vld @!p0 [tilespmem:$0xFE0];
	_ =	sdelay $0x7  }
0x8a: {  	[tilespmem:v3+s26+$0x0] =	vst.idx.add.f32.msk @!p0 $0xffff, v2  }
0x8b: {  	v3 =	vld @!p0 [tilespmem:$0xFF0];
	_ =	sdelay $0x1  }
0x8c: {  	s3 =	sadd.s32 $0x1, s3  }
0x8d: {  	p2 =	sne.s32 s3, $0x5  }
.Ltmp7:
0x8e: {  	_ = 	snop;
	(pc) =	sbr.rel @!p2 .LBB2_21-.Ltmp7, $2  }
0x8f: {  	_ =	sdelay $0x2  }
0x90: {  	[tilespmem:v3+s26+$0x0] =	vst.idx.add.f32.msk @!p0 $0xffff, v2  }
.LBB2_10:
0x91: {  	_ =	swait.ge [sflag:s21], $0x4000  }
0x92: {  	p2 =	seq.s32 s3, $0x0;
	[sflag:s21] =	ssyncset.done $0x0  }
0x93: {  	s8 =	simm.s32 @!p2 $0x4;
	[sflag:s21] =	ssyncadd.s32 $0xFFFFC000  }
0x94: {  	_ =	swait.ge @!p2 [sflag:s8], $0x4000  }
0x95: {  	[sflag:s8] =	ssyncset.done @!p2 $0x0  }
0x96: {  	s19 =	simm.s32 $0x100;
	[sflag:s8] =	ssyncadd.s32 @!p2 $0xFFFFC000  }
0x97: {  	[tilespmem:s7], [sflag:$0x2] =	stream.indirect.gather [hbm4b:s1+s30], $0x80, s19, s30, $0xb8;
	[tilespmem:$0x1F380] =	vst v63  }
0x98: {  	s20 =	simm.s32 $0x800;
	s11 =	simm.s32 @p0 $0x2  }
0x99: {  	[spmem:s2] =	stream.indirect.scatter.add.f32 [tilespmem:s0], [sflag:$0x3], $0x80, s20, s30, $0xb8;
	[tilespmem:$0x1F380] =	vst v63  }
0x9a: {  	_ =	swait.ge @p0 [sflag:s11], $0x4000  }
0x9b: {  	[sflag:s11] =	ssyncset.done @p0 $0x0  }
0x9c: {  	s12 =	simm.s32 @p0 $0x3;
	[sflag:s11] =	ssyncadd.s32 @p0 $0xFFFFC000  }
0x9d: {  	_ =	swait.ge @p0 [sflag:s12], $0x4000  }
0x9e: {  	s13 =	simm.s32 @p0 $0x80;
	[sflag:s12] =	ssyncset.done @p0 $0x0  }
0x9f: {  	s14 =	simm.s32 @p0 $0x1000;
	s8 =	simm.s32 @p0 $0x200;
	[sflag:s12] =	ssyncadd.s32 @p0 $0xFFFFC000  }
0xa0: {  	[tilespmem:s14], [sflag:$0x1] =	stream.indirect.gather @p0 [hbm4b:s1+s13], $0x80, s8, s13, $0xb8;
	[tilespmem:$0x1F380] =	vst v63  }
0xa1: {  	s15 =	simm.s32 @p0 $0x5000;
	s8 =	simm.s32 @p0 $0x900  }
0xa2: {  	[spmem:s2] =	stream.indirect.scatter.add.f32 @p0 [tilespmem:s15], [sflag:$0x4], $0x80, s8, s13, $0xb8;
	[tilespmem:$0x1F380] =	vst v63  }
0xa3: {  	v3 =	vld @!p0 [tilespmem:$0x800];
	_ =	sdelay $0x6  }
0xa4: {  	v2 =	vimm.f32 @!p0 $1.000000000e+00;
	s26 =	simm.s32 @!p0 $0x9000  }
0xa5: {  	[tilespmem:v3+s26+$0x0] =	vst.idx.add.f32.msk @!p0 $0xffff, v2  }
0xa6: {  	v3 =	vld @!p0 [tilespmem:$0x810];
	_ =	sdelay $0x7  }
0xa7: {  	[tilespmem:v3+s26+$0x0] =	vst.idx.add.f32.msk @!p0 $0xffff, v2  }
0xa8: {  	v3 =	vld @!p0 [tilespmem:$0x820];
	_ =	sdelay $0x7  }
0xa9: {  	[tilespmem:v3+s26+$0x0] =	vst.idx.add.f32.msk @!p0 $0xffff, v2  }
0xaa: {  	v3 =	vld @!p0 [tilespmem:$0x830];
	_ =	sdelay $0x7  }
0xab: {  	[tilespmem:v3+s26+$0x0] =	vst.idx.add.f32.msk @!p0 $0xffff, v2  }
0xac: {  	v3 =	vld @!p0 [tilespmem:$0x840];
	_ =	sdelay $0x7  }
0xad: {  	[tilespmem:v3+s26+$0x0] =	vst.idx.add.f32.msk @!p0 $0xffff, v2  }
0xae: {  	v3 =	vld @!p0 [tilespmem:$0x850];
	_ =	sdelay $0x7  }
0xaf: {  	[tilespmem:v3+s26+$0x0] =	vst.idx.add.f32.msk @!p0 $0xffff, v2  }
0xb0: {  	v3 =	vld @!p0 [tilespmem:$0x860];
	_ =	sdelay $0x7  }
0xb1: {  	[tilespmem:v3+s26+$0x0] =	vst.idx.add.f32.msk @!p0 $0xffff, v2  }
0xb2: {  	v3 =	vld @!p0 [tilespmem:$0x870];
	_ =	sdelay $0x7  }
0xb3: {  	s20 =	simm.s32 @!p0 $0x2;
	[tilespmem:v3+s26+$0x0] =	vst.idx.add.f32.msk @!p0 $0xffff, v2  }
0xb4: {  	_ =	swait.ge @!p0 [sflag:s20], $0x4000  }
0xb5: {  	[sflag:s20] =	ssyncset.done @!p0 $0x0  }
0xb6: {  	s8 =	simm.s32 @!p0 $0x3;
	[sflag:s20] =	ssyncadd.s32 @!p0 $0xFFFFC000  }
0xb7: {  	_ =	swait.ge @!p0 [sflag:s8], $0x4000  }
0xb8: {  	s16 =	simm.s32 @!p0 $0x80;
	[sflag:s8] =	ssyncset.done @!p0 $0x0  }
0xb9: {  	s17 =	simm.s32 @!p0 $0x200;
	s9 =	simm.s32 @!p0 $0x1000;
	[sflag:s8] =	ssyncadd.s32 @!p0 $0xFFFFC000  }
0xba: {  	[tilespmem:s9], [sflag:$0x1] =	stream.indirect.gather @!p0 [hbm4b:s1+s16], $0x80, s17, s16, $0xb8;
	[tilespmem:$0x1F380] =	vst v63  }
0xbb: {  	s24 =	simm.s32 @!p0 $0x900;
	s17 =	simm.s32 @!p0 $0x5000  }
0xbc: {  	[spmem:s2] =	stream.indirect.scatter.add.f32 @!p0 [tilespmem:s17], [sflag:$0x4], $0x80, s24, s16, $0xb8;
	[tilespmem:$0x1F380] =	vst v63  }
0xbd: {  	v3 =	vld @!p0 [tilespmem:$0x900];
	_ =	sdelay $0x7  }
0xbe: {  	[tilespmem:v3+s26+$0x0] =	vst.idx.add.f32.msk @!p0 $0xffff, v2  }
0xbf: {  	v3 =	vld @!p0 [tilespmem:$0x910];
	_ =	sdelay $0x7  }
0xc0: {  	[tilespmem:v3+s26+$0x0] =	vst.idx.add.f32.msk @!p0 $0xffff, v2  }
0xc1: {  	v3 =	vld @!p0 [tilespmem:$0x920];
	_ =	sdelay $0x7  }
0xc2: {  	[tilespmem:v3+s26+$0x0] =	vst.idx.add.f32.msk @!p0 $0xffff, v2  }
0xc3: {  	v3 =	vld @!p0 [tilespmem:$0x930];
	_ =	sdelay $0x7  }
0xc4: {  	[tilespmem:v3+s26+$0x0] =	vst.idx.add.f32.msk @!p0 $0xffff, v2  }
0xc5: {  	v3 =	vld @!p0 [tilespmem:$0x940];
	_ =	sdelay $0x7  }
0xc6: {  	[tilespmem:v3+s26+$0x0] =	vst.idx.add.f32.msk @!p0 $0xffff, v2  }
0xc7: {  	v3 =	vld @!p0 [tilespmem:$0x950];
	_ =	sdelay $0x7  }
0xc8: {  	[tilespmem:v3+s26+$0x0] =	vst.idx.add.f32.msk @!p0 $0xffff, v2  }
0xc9: {  	v3 =	vld @!p0 [tilespmem:$0x960];
	_ =	sdelay $0x7  }
0xca: {  	[tilespmem:v3+s26+$0x0] =	vst.idx.add.f32.msk @!p0 $0xffff, v2  }
0xcb: {  	v3 =	vld @!p0 [tilespmem:$0x970];
	_ =	sdelay $0x7  }
0xcc: {  	[tilespmem:v3+s26+$0x0] =	vst.idx.add.f32.msk @!p0 $0xffff, v2  }
0xcd: {  	_ =	swait.ge [sflag:s21], $0x4000  }
0xce: {  	s24 =	sshll.u32 s3, $0x1;
	s18 =	rddreg [dreg:$0x8]  }
0xcf: {  	s18 =	sadd.s32 s24, s18  }
0xd0: {  	[sflag:s21] =	ssyncset.done $0x0;
	s18 =	sshll.u32 s18, $0x7  }
0xd1: {  	[sflag:s21] =	ssyncadd.s32 $0xFFFFC000;
	s19 =	sadd.s32 s23, s18  }
0xd2: {  	[tilespmem:s30], [sflag:$0x5] =	stream.linear.gather [hbm4b:s19+s4], $0x80, $0x38;
	[tilespmem:$0x1F380] =	vst v63  }
0xd3: {  	s5 =	simm.s32 $0x180;
	s6 =	smov.u32 s23;
	s23 =	sadd.s32 $0x10, s19  }
0xd4: {  	[tilespmem:s5], [sflag:$0x5] =	stream.linear.gather [hbm4b:s23+s4], $0x80, $0x38;
	[tilespmem:$0x1F380] =	vst v63  }
0xd5: {  	s28 =	simm.s32 $0x280;
	s23 =	sadd.s32 $0x20, s19  }
0xd6: {  	[tilespmem:s28], [sflag:$0x5] =	stream.linear.gather [hbm4b:s23+s4], $0x80, $0x38;
	[tilespmem:$0x1F380] =	vst v63  }
0xd7: {  	s28 =	simm.s32 $0x380;
	s23 =	sadd.s32 $0x30, s19  }
0xd8: {  	[tilespmem:s28], [sflag:$0x5] =	stream.linear.gather [hbm4b:s23+s4], $0x80, $0x38;
	[tilespmem:$0x1F380] =	vst v63  }
0xd9: {  	s29 =	simm.s32 $0x480;
	s23 =	sadd.s32 $0x40, s19  }
0xda: {  	[tilespmem:s29], [sflag:$0x5] =	stream.linear.gather [hbm4b:s23+s4], $0x80, $0x38;
	[tilespmem:$0x1F380] =	vst v63  }
0xdb: {  	s28 =	simm.s32 $0x580;
	s23 =	sadd.s32 $0x50, s19  }
0xdc: {  	[tilespmem:s28], [sflag:$0x5] =	stream.linear.gather [hbm4b:s23+s4], $0x80, $0x38;
	[tilespmem:$0x1F380] =	vst v63  }
0xdd: {  	s29 =	simm.s32 $0x680;
	s23 =	sadd.s32 $0x60, s19  }
0xde: {  	[tilespmem:s29], [sflag:$0x5] =	stream.linear.gather [hbm4b:s23+s4], $0x80, $0x38;
	[tilespmem:$0x1F380] =	vst v63  }
0xdf: {  	s19 =	sadd.s32 $0x70, s19;
	s23 =	simm.s32 $0x780  }
0xe0: {  	[tilespmem:s23], [sflag:$0x5] =	stream.linear.gather [hbm4b:s19+s4], $0x80, $0x38;
	[tilespmem:$0x1F380] =	vst v63  }
0xe1: {  	s23 =	rddreg [dreg:$0x11]  }
0xe2: {  	s18 =	sadd.s32 s23, s18;
	s23 =	simm.s32 $0x880  }
0xe3: {  	[tilespmem:s23], [sflag:$0x6] =	stream.linear.gather [hbm4b:s18+s4], $0x80, $0x38;
	[tilespmem:$0x1F380] =	vst v63  }
0xe4: {  	s29 =	simm.s32 $0x980;
	s19 =	sadd.s32 $0x10, s18  }
0xe5: {  	[tilespmem:s29], [sflag:$0x6] =	stream.linear.gather [hbm4b:s19+s4], $0x80, $0x38;
	[tilespmem:$0x1F380] =	vst v63  }
0xe6: {  	s29 =	simm.s32 $0xA80;
	s19 =	sadd.s32 $0x20, s18  }
0xe7: {  	[tilespmem:s29], [sflag:$0x6] =	stream.linear.gather [hbm4b:s19+s4], $0x80, $0x38;
	[tilespmem:$0x1F380] =	vst v63  }
0xe8: {  	s28 =	simm.s32 $0xB80;
	s19 =	sadd.s32 $0x30, s18  }
0xe9: {  	[tilespmem:s28], [sflag:$0x6] =	stream.linear.gather [hbm4b:s19+s4], $0x80, $0x38;
	[tilespmem:$0x1F380] =	vst v63  }
0xea: {  	s28 =	simm.s32 $0xC80;
	s19 =	sadd.s32 $0x40, s18  }
0xeb: {  	[tilespmem:s28], [sflag:$0x6] =	stream.linear.gather [hbm4b:s19+s4], $0x80, $0x38;
	[tilespmem:$0x1F380] =	vst v63  }
0xec: {  	s19 =	sadd.s32 $0x50, s18;
	s28 =	simm.s32 $0xD80  }
0xed: {  	[tilespmem:s28], [sflag:$0x6] =	stream.linear.gather [hbm4b:s19+s4], $0x80, $0x38;
	[tilespmem:$0x1F380] =	vst v63  }
0xee: {  	s28 =	simm.s32 $0xE80;
	s19 =	sadd.s32 $0x60, s18  }
0xef: {  	[tilespmem:s28], [sflag:$0x6] =	stream.linear.gather [hbm4b:s19+s4], $0x80, $0x38;
	[tilespmem:$0x1F380] =	vst v63  }
0xf0: {  	s18 =	sadd.s32 $0x70, s18  }
0xf1: {  	[tilespmem:s31], [sflag:$0x6] =	stream.linear.gather [hbm4b:s18+s4], $0x80, $0x38;
	[tilespmem:$0x1F380] =	vst v63  }
0xf2: {  	_ =	swait.ge [sflag:s10], $0x4000  }
0xf3: {  	[sflag:s10] =	ssyncset.done $0x0  }
0xf4: {  	s19 =	simm.s32 $0x300;
	[sflag:s10] =	ssyncadd.s32 $0xFFFFC000  }
0xf5: {  	[tilespmem:s7], [sflag:$0x2] =	stream.indirect.gather [hbm4b:s1+s30], $0x80, s19, s30, $0xb8;
	[tilespmem:$0x1F380] =	vst v63  }
0xf6: {  	s19 =	simm.s32 $0xA00  }
0xf7: {  	[spmem:s2] =	stream.indirect.scatter.add.f32 [tilespmem:s0], [sflag:$0x3], $0x80, s19, s30, $0xb8;
	[tilespmem:$0x1F380] =	vst v63  }
0xf8: {  	_ =	swait.ge @p0 [sflag:s11], $0x4000  }
0xf9: {  	[sflag:s11] =	ssyncset.done @p0 $0x0  }
0xfa: {  	[sflag:s11] =	ssyncadd.s32 @p0 $0xFFFFC000  }
0xfb: {  	_ =	swait.ge @p0 [sflag:s12], $0x4000  }
0xfc: {  	[sflag:s12] =	ssyncset.done @p0 $0x0  }
0xfd: {  	s18 =	simm.s32 @p0 $0x400;
	[sflag:s12] =	ssyncadd.s32 @p0 $0xFFFFC000  }
0xfe: {  	[tilespmem:s14], [sflag:$0x1] =	stream.indirect.gather @p0 [hbm4b:s1+s13], $0x80, s18, s13, $0xb8;
	[tilespmem:$0x1F380] =	vst v63  }
0xff: {  	s18 =	simm.s32 @p0 $0xB00  }
0x100: {  	[spmem:s2] =	stream.indirect.scatter.add.f32 @p0 [tilespmem:s15], [sflag:$0x4], $0x80, s18, s13, $0xb8;
	[tilespmem:$0x1F380] =	vst v63  }
0x101: {  	v3 =	vld @!p0 [tilespmem:$0xA00];
	_ =	sdelay $0x7  }
0x102: {  	[tilespmem:v3+s26+$0x0] =	vst.idx.add.f32.msk @!p0 $0xffff, v2  }
0x103: {  	v3 =	vld @!p0 [tilespmem:$0xA10];
	_ =	sdelay $0x7  }
0x104: {  	[tilespmem:v3+s26+$0x0] =	vst.idx.add.f32.msk @!p0 $0xffff, v2  }
0x105: {  	v3 =	vld @!p0 [tilespmem:$0xA20];
	_ =	sdelay $0x7  }
0x106: {  	[tilespmem:v3+s26+$0x0] =	vst.idx.add.f32.msk @!p0 $0xffff, v2  }
0x107: {  	v3 =	vld @!p0 [tilespmem:$0xA30];
	_ =	sdelay $0x7  }
0x108: {  	[tilespmem:v3+s26+$0x0] =	vst.idx.add.f32.msk @!p0 $0xffff, v2  }
0x109: {  	v3 =	vld @!p0 [tilespmem:$0xA40];
	_ =	sdelay $0x7  }
0x10a: {  	[tilespmem:v3+s26+$0x0] =	vst.idx.add.f32.msk @!p0 $0xffff, v2  }
0x10b: {  	v3 =	vld @!p0 [tilespmem:$0xA50];
	_ =	sdelay $0x7  }
0x10c: {  	[tilespmem:v3+s26+$0x0] =	vst.idx.add.f32.msk @!p0 $0xffff, v2  }
0x10d: {  	v3 =	vld @!p0 [tilespmem:$0xA60];
	_ =	sdelay $0x7  }
0x10e: {  	[tilespmem:v3+s26+$0x0] =	vst.idx.add.f32.msk @!p0 $0xffff, v2  }
0x10f: {  	v3 =	vld @!p0 [tilespmem:$0xA70];
	_ =	sdelay $0x7  }
0x110: {  	[tilespmem:v3+s26+$0x0] =	vst.idx.add.f32.msk @!p0 $0xffff, v2  }
0x111: {  	_ =	swait.ge @!p0 [sflag:s20], $0x4000  }
0x112: {  	[sflag:s20] =	ssyncset.done @!p0 $0x0  }
0x113: {  	[sflag:s20] =	ssyncadd.s32 @!p0 $0xFFFFC000  }
0x114: {  	_ =	swait.ge @!p0 [sflag:s8], $0x4000  }
0x115: {  	[sflag:s8] =	ssyncset.done @!p0 $0x0  }
0x116: {  	s18 =	simm.s32 @!p0 $0x400;
	[sflag:s8] =	ssyncadd.s32 @!p0 $0xFFFFC000  }
0x117: {  	[tilespmem:s9], [sflag:$0x1] =	stream.indirect.gather @!p0 [hbm4b:s1+s16], $0x80, s18, s16, $0xb8;
	[tilespmem:$0x1F380] =	vst v63  }
0x118: {  	s18 =	simm.s32 @!p0 $0xB00  }
0x119: {  	[spmem:s2] =	stream.indirect.scatter.add.f32 @!p0 [tilespmem:s17], [sflag:$0x4], $0x80, s18, s16, $0xb8;
	[tilespmem:$0x1F380] =	vst v63  }
0x11a: {  	v3 =	vld @!p0 [tilespmem:$0xB00];
	_ =	sdelay $0x7  }
0x11b: {  	[tilespmem:v3+s26+$0x0] =	vst.idx.add.f32.msk @!p0 $0xffff, v2  }
0x11c: {  	v3 =	vld @!p0 [tilespmem:$0xB10];
	_ =	sdelay $0x7  }
0x11d: {  	[tilespmem:v3+s26+$0x0] =	vst.idx.add.f32.msk @!p0 $0xffff, v2  }
0x11e: {  	v3 =	vld @!p0 [tilespmem:$0xB20];
	_ =	sdelay $0x7  }
0x11f: {  	[tilespmem:v3+s26+$0x0] =	vst.idx.add.f32.msk @!p0 $0xffff, v2  }
0x120: {  	v3 =	vld @!p0 [tilespmem:$0xB30];
	_ =	sdelay $0x7  }
0x121: {  	[tilespmem:v3+s26+$0x0] =	vst.idx.add.f32.msk @!p0 $0xffff, v2  }
0x122: {  	v3 =	vld @!p0 [tilespmem:$0xB40];
	_ =	sdelay $0x7  }
0x123: {  	[tilespmem:v3+s26+$0x0] =	vst.idx.add.f32.msk @!p0 $0xffff, v2  }
0x124: {  	v3 =	vld @!p0 [tilespmem:$0xB50];
	_ =	sdelay $0x7  }
0x125: {  	[tilespmem:v3+s26+$0x0] =	vst.idx.add.f32.msk @!p0 $0xffff, v2  }
0x126: {  	v3 =	vld @!p0 [tilespmem:$0xB60];
	_ =	sdelay $0x7  }
0x127: {  	[tilespmem:v3+s26+$0x0] =	vst.idx.add.f32.msk @!p0 $0xffff, v2  }
0x128: {  	v3 =	vld @!p0 [tilespmem:$0xB70];
	_ =	sdelay $0x7  }
0x129: {  	[tilespmem:v3+s26+$0x0] =	vst.idx.add.f32.msk @!p0 $0xffff, v2  }
0x12a: {  	_ =	swait.ge [sflag:s21], $0x4000  }
0x12b: {  	[sflag:s21] =	ssyncset.done $0x0  }
0x12c: {  	[sflag:s21] =	ssyncadd.s32 $0xFFFFC000  }
0x12d: {  	_ =	swait.ge [sflag:s10], $0x4000  }
0x12e: {  	[sflag:s10] =	ssyncset.done $0x0  }
0x12f: {  	s19 =	simm.s32 $0x500;
	[sflag:s10] =	ssyncadd.s32 $0xFFFFC000  }
0x130: {  	[tilespmem:s7], [sflag:$0x2] =	stream.indirect.gather [hbm4b:s1+s30], $0x80, s19, s30, $0xb8;
	[tilespmem:$0x1F380] =	vst v63  }
0x131: {  	s19 =	simm.s32 $0xC00  }
0x132: {  	[spmem:s2] =	stream.indirect.scatter.add.f32 [tilespmem:s0], [sflag:$0x3], $0x80, s19, s30, $0xb8;
	[tilespmem:$0x1F380] =	vst v63  }
0x133: {  	_ =	swait.ge @p0 [sflag:s11], $0x4000  }
0x134: {  	[sflag:s11] =	ssyncset.done @p0 $0x0  }
0x135: {  	[sflag:s11] =	ssyncadd.s32 @p0 $0xFFFFC000  }
0x136: {  	_ =	swait.ge @p0 [sflag:s12], $0x4000  }
0x137: {  	[sflag:s12] =	ssyncset.done @p0 $0x0  }
0x138: {  	s11 =	simm.s32 @p0 $0x600;
	[sflag:s12] =	ssyncadd.s32 @p0 $0xFFFFC000  }
0x139: {  	[tilespmem:s14], [sflag:$0x1] =	stream.indirect.gather @p0 [hbm4b:s1+s13], $0x80, s11, s13, $0xb8;
	[tilespmem:$0x1F380] =	vst v63  }
0x13a: {  	s11 =	simm.s32 @p0 $0xD00  }
0x13b: {  	[spmem:s2] =	stream.indirect.scatter.add.f32 @p0 [tilespmem:s15], [sflag:$0x4], $0x80, s11, s13, $0xb8;
	[tilespmem:$0x1F380] =	vst v63  }
0x13c: {  	v3 =	vld @!p0 [tilespmem:$0xC00];
	_ =	sdelay $0x7  }
0x13d: {  	[tilespmem:v3+s26+$0x0] =	vst.idx.add.f32.msk @!p0 $0xffff, v2  }
0x13e: {  	v3 =	vld @!p0 [tilespmem:$0xC10];
	_ =	sdelay $0x7  }
0x13f: {  	[tilespmem:v3+s26+$0x0] =	vst.idx.add.f32.msk @!p0 $0xffff, v2  }
0x140: {  	v3 =	vld @!p0 [tilespmem:$0xC20];
	_ =	sdelay $0x7  }
0x141: {  	[tilespmem:v3+s26+$0x0] =	vst.idx.add.f32.msk @!p0 $0xffff, v2  }
0x142: {  	v3 =	vld @!p0 [tilespmem:$0xC30];
	_ =	sdelay $0x7  }
0x143: {  	[tilespmem:v3+s26+$0x0] =	vst.idx.add.f32.msk @!p0 $0xffff, v2  }
0x144: {  	v3 =	vld @!p0 [tilespmem:$0xC40];
	_ =	sdelay $0x7  }
0x145: {  	[tilespmem:v3+s26+$0x0] =	vst.idx.add.f32.msk @!p0 $0xffff, v2  }
0x146: {  	v3 =	vld @!p0 [tilespmem:$0xC50];
	_ =	sdelay $0x7  }
0x147: {  	[tilespmem:v3+s26+$0x0] =	vst.idx.add.f32.msk @!p0 $0xffff, v2  }
0x148: {  	v3 =	vld @!p0 [tilespmem:$0xC60];
	_ =	sdelay $0x7  }
0x149: {  	[tilespmem:v3+s26+$0x0] =	vst.idx.add.f32.msk @!p0 $0xffff, v2  }
0x14a: {  	v3 =	vld @!p0 [tilespmem:$0xC70];
	_ =	sdelay $0x7  }
0x14b: {  	[tilespmem:v3+s26+$0x0] =	vst.idx.add.f32.msk @!p0 $0xffff, v2  }
0x14c: {  	_ =	swait.ge @!p0 [sflag:s20], $0x4000  }
0x14d: {  	[sflag:s20] =	ssyncset.done @!p0 $0x0  }
0x14e: {  	[sflag:s20] =	ssyncadd.s32 @!p0 $0xFFFFC000  }
0x14f: {  	_ =	swait.ge @!p0 [sflag:s8], $0x4000  }
0x150: {  	[sflag:s8] =	ssyncset.done @!p0 $0x0  }
0x151: {  	[sflag:s8] =	ssyncadd.s32 @!p0 $0xFFFFC000;
	s8 =	simm.s32 @!p0 $0x600  }
0x152: {  	[tilespmem:s9], [sflag:$0x1] =	stream.indirect.gather @!p0 [hbm4b:s1+s16], $0x80, s8, s16, $0xb8;
	[tilespmem:$0x1F380] =	vst v63  }
0x153: {  	s8 =	simm.s32 @!p0 $0xD00  }
0x154: {  	[spmem:s2] =	stream.indirect.scatter.add.f32 @!p0 [tilespmem:s17], [sflag:$0x4], $0x80, s8, s16, $0xb8;
	[tilespmem:$0x1F380] =	vst v63  }
0x155: {  	v3 =	vld @!p0 [tilespmem:$0xD00];
	_ =	sdelay $0x7  }
0x156: {  	[tilespmem:v3+s26+$0x0] =	vst.idx.add.f32.msk @!p0 $0xffff, v2  }
0x157: {  	v3 =	vld @!p0 [tilespmem:$0xD10];
	_ =	sdelay $0x7  }
0x158: {  	[tilespmem:v3+s26+$0x0] =	vst.idx.add.f32.msk @!p0 $0xffff, v2  }
0x159: {  	v3 =	vld @!p0 [tilespmem:$0xD20];
	_ =	sdelay $0x7  }
0x15a: {  	[tilespmem:v3+s26+$0x0] =	vst.idx.add.f32.msk @!p0 $0xffff, v2  }
0x15b: {  	v3 =	vld @!p0 [tilespmem:$0xD30];
	_ =	sdelay $0x7  }
0x15c: {  	[tilespmem:v3+s26+$0x0] =	vst.idx.add.f32.msk @!p0 $0xffff, v2  }
0x15d: {  	v3 =	vld @!p0 [tilespmem:$0xD40];
	_ =	sdelay $0x7  }
0x15e: {  	[tilespmem:v3+s26+$0x0] =	vst.idx.add.f32.msk @!p0 $0xffff, v2  }
0x15f: {  	v3 =	vld @!p0 [tilespmem:$0xD50];
	_ =	sdelay $0x7  }
0x160: {  	[tilespmem:v3+s26+$0x0] =	vst.idx.add.f32.msk @!p0 $0xffff, v2  }
0x161: {  	v3 =	vld @!p0 [tilespmem:$0xD60];
	_ =	sdelay $0x7  }
0x162: {  	[tilespmem:v3+s26+$0x0] =	vst.idx.add.f32.msk @!p0 $0xffff, v2  }
0x163: {  	v3 =	vld @!p0 [tilespmem:$0xD70];
	_ =	sdelay $0x7  }
0x164: {  	[tilespmem:v3+s26+$0x0] =	vst.idx.add.f32.msk @!p0 $0xffff, v2  }
0x165: {  	_ =	swait.ge [sflag:s21], $0x4000  }
0x166: {  	[sflag:s21] =	ssyncset.done $0x0  }
0x167: {  	[sflag:s21] =	ssyncadd.s32 $0xFFFFC000  }
0x168: {  	_ =	swait.ge [sflag:s10], $0x4000  }
.Ltmp8:
0x169: {  	[sflag:s10] =	ssyncset.done $0x0;
	(pc) =	sbr.rel @!p1 .LBB2_11-.Ltmp8, $4  }
0x16a: {  	s20 =	simm.s32 $0x700;
	[sflag:s10] =	ssyncadd.s32 $0xFFFFC000  }
0x16b: {  	[tilespmem:s7], [sflag:$0x2] =	stream.indirect.gather [hbm4b:s1+s30], $0x80, s20, s30, $0xb8;
	[tilespmem:$0x1F380] =	vst v63  }
0x16c: {  	s26 =	simm.s32 $0xE00  }
0x16d: {  	[spmem:s2] =	stream.indirect.scatter.add.f32 [tilespmem:s0], [sflag:$0x3], $0x80, s26, s30, $0xb8;
	[tilespmem:$0x1F380] =	vst v63  }
0x16e: {  	v2 =	vld [tilespmem:$0xE00];
	_ =	sdelay $0x7  }
0x16f: {  	[tilespmem:v2+s25+$0x0] =	vst.idx.add.f32.msk $0xffff, v1  }
0x170: {  	v2 =	vld [tilespmem:$0xE10];
	_ =	sdelay $0x7  }
0x171: {  	[tilespmem:v2+s25+$0x0] =	vst.idx.add.f32.msk $0xffff, v1  }
0x172: {  	v2 =	vld [tilespmem:$0xE20];
	_ =	sdelay $0x7  }
0x173: {  	[tilespmem:v2+s25+$0x0] =	vst.idx.add.f32.msk $0xffff, v1  }
0x174: {  	v2 =	vld [tilespmem:$0xE30];
	_ =	sdelay $0x7  }
0x175: {  	[tilespmem:v2+s25+$0x0] =	vst.idx.add.f32.msk $0xffff, v1  }
0x176: {  	v2 =	vld [tilespmem:$0xE40];
	_ =	sdelay $0x7  }
0x177: {  	[tilespmem:v2+s25+$0x0] =	vst.idx.add.f32.msk $0xffff, v1  }
0x178: {  	v2 =	vld [tilespmem:$0xE50];
	_ =	sdelay $0x7  }
0x179: {  	[tilespmem:v2+s25+$0x0] =	vst.idx.add.f32.msk $0xffff, v1  }
0x17a: {  	v2 =	vld [tilespmem:$0xE60];
	_ =	sdelay $0x7  }
0x17b: {  	[tilespmem:v2+s25+$0x0] =	vst.idx.add.f32.msk $0xffff, v1  }
0x17c: {  	v2 =	vld [tilespmem:$0xE70];
	_ =	sdelay $0x7  }
0x17d: {  	[tilespmem:v2+s25+$0x0] =	vst.idx.add.f32.msk $0xffff, v1  }
0x17e: {  	_ =	swait.ge [sflag:s22], $0x4000  }
0x17f: {  	[sflag:s22] =	ssyncset.done $0x0  }
0x180: {  	s8 =	simm.s32 $0x5;
	[sflag:s22] =	ssyncadd.s32 $0xFFFFC000  }
0x181: {  	_ =	swait.ge [sflag:s8], $0x400  }
0x182: {  	[sflag:s8] =	ssyncset.done $0x0  }
0x183: {  	s20 =	simm.s32 $0x6;
	[sflag:s8] =	ssyncadd.s32 $0xFFFFFC00  }
0x184: {  	_ =	swait.ge [sflag:s20], $0x400  }
0x185: {  	[sflag:s20] =	ssyncset.done $0x0  }
0x186: {  	[sflag:s20] =	ssyncadd.s32 $0xFFFFFC00;
	s20 =	simm.s32 $0x3  }
0x187: {  	_ =	swait.ge [sflag:s20], $0x4000  }
0x188: {  	[sflag:s20] =	ssyncset.done $0x0  }
0x189: {  	[sflag:s20] =	ssyncadd.s32 $0xFFFFC000  }
0x18a: {  	[tilespmem:s0], [sflag:$0x1] =	stream.indirect.gather [hbm4b:s1+s30], $0x80, s30, s30, $0xb8;
	[tilespmem:$0x1F380] =	vst v63  }
0x18b: {  	s26 =	simm.s32 $0xF00  }
0x18c: {  	[spmem:s2] =	stream.indirect.scatter.add.f32 [tilespmem:s7], [sflag:$0x4], $0x80, s26, s30, $0xb8;
	[tilespmem:$0x1F380] =	vst v63  }
0x18d: {  	v2 =	vld [tilespmem:$0xF00];
	_ =	sdelay $0x7  }
0x18e: {  	[tilespmem:v2+s25+$0x0] =	vst.idx.add.f32.msk $0xffff, v1  }
0x18f: {  	v2 =	vld [tilespmem:$0xF10];
	_ =	sdelay $0x7  }
0x190: {  	[tilespmem:v2+s25+$0x0] =	vst.idx.add.f32.msk $0xffff, v1  }
0x191: {  	v2 =	vld [tilespmem:$0xF20];
	_ =	sdelay $0x7  }
0x192: {  	[tilespmem:v2+s25+$0x0] =	vst.idx.add.f32.msk $0xffff, v1  }
0x193: {  	v2 =	vld [tilespmem:$0xF30];
	_ =	sdelay $0x7  }
0x194: {  	[tilespmem:v2+s25+$0x0] =	vst.idx.add.f32.msk $0xffff, v1  }
0x195: {  	v2 =	vld [tilespmem:$0xF40];
	_ =	sdelay $0x7  }
0x196: {  	[tilespmem:v2+s25+$0x0] =	vst.idx.add.f32.msk $0xffff, v1  }
0x197: {  	v2 =	vld [tilespmem:$0xF50];
	_ =	sdelay $0x7  }
0x198: {  	[tilespmem:v2+s25+$0x0] =	vst.idx.add.f32.msk $0xffff, v1  }
0x199: {  	v2 =	vld [tilespmem:$0xF60];
	_ =	sdelay $0x7  }
0x19a: {  	[tilespmem:v2+s25+$0x0] =	vst.idx.add.f32.msk $0xffff, v1  }
0x19b: {  	v2 =	vld [tilespmem:$0xF70];
	_ =	sdelay $0x7  }
0x19c: {  	[tilespmem:v2+s25+$0x0] =	vst.idx.add.f32.msk $0xffff, v1  }
0x19d: {  	_ =	swait.ge [sflag:s21], $0x4000  }
0x19e: {  	[sflag:s21] =	ssyncset.done $0x0  }
0x19f: {  	[sflag:s21] =	ssyncadd.s32 $0xFFFFC000  }
0x1a0: {  	_ =	swait.ge [sflag:s10], $0x4000  }
0x1a1: {  	[sflag:s10] =	ssyncset.done $0x0  }
0x1a2: {  	[sflag:s10] =	ssyncadd.s32 $0xFFFFC000  }
0x1a3: {  	[tilespmem:s7], [sflag:$0x2] =	stream.indirect.gather [hbm4b:s1+s30], $0x80, s5, s30, $0xb8;
	[tilespmem:$0x1F380] =	vst v63  }
0x1a4: {  	_ = 	snop  }
0x1a5: {  	[spmem:s2] =	stream.indirect.scatter.add.f32 [tilespmem:s0], [sflag:$0x3], $0x80, s23, s30, $0xb8;
	[tilespmem:$0x1F380] =	vst v63  }
0x1a6: {  	v2 =	vld [tilespmem:$0x880];
	_ =	sdelay $0x7  }
0x1a7: {  	[tilespmem:v2+s25+$0x0] =	vst.idx.add.f32.msk $0xffff, v1  }
0x1a8: {  	v2 =	vld [tilespmem:$0x890];
	_ =	sdelay $0x7  }
0x1a9: {  	[tilespmem:v2+s25+$0x0] =	vst.idx.add.f32.msk $0xffff, v1  }
0x1aa: {  	v2 =	vld [tilespmem:$0x8A0];
	_ =	sdelay $0x7  }
0x1ab: {  	[tilespmem:v2+s25+$0x0] =	vst.idx.add.f32.msk $0xffff, v1  }
0x1ac: {  	v2 =	vld [tilespmem:$0x8B0];
	_ =	sdelay $0x7  }
0x1ad: {  	[tilespmem:v2+s25+$0x0] =	vst.idx.add.f32.msk $0xffff, v1  }
0x1ae: {  	v2 =	vld [tilespmem:$0x8C0];
	_ =	sdelay $0x7  }
0x1af: {  	[tilespmem:v2+s25+$0x0] =	vst.idx.add.f32.msk $0xffff, v1  }
0x1b0: {  	v2 =	vld [tilespmem:$0x8D0];
	_ =	sdelay $0x7  }
0x1b1: {  	[tilespmem:v2+s25+$0x0] =	vst.idx.add.f32.msk $0xffff, v1  }
0x1b2: {  	v2 =	vld [tilespmem:$0x8E0];
	_ =	sdelay $0x7  }
0x1b3: {  	[tilespmem:v2+s25+$0x0] =	vst.idx.add.f32.msk $0xffff, v1  }
0x1b4: {  	v2 =	vld [tilespmem:$0x8F0];
	_ =	sdelay $0x3  }
.Ltmp9:
0x1b5: {  	_ = 	snop;
	(pc) =	sbr.rel .LBB2_14-.Ltmp9, $2  }
0x1b6: {  	_ =	sdelay $0x2  }
0x1b7: {  	s23 =	smov.u32 s6;
	[tilespmem:v2+s25+$0x0] =	vst.idx.add.f32.msk $0xffff, v1  }
.LBB2_11:
0x1b8: {  	_ =	swait.ge [sflag:s22], $0x4000  }
0x1b9: {  	[sflag:s22] =	ssyncset.done $0x0  }
0x1ba: {  	s5 =	simm.s32 $0x5;
	[sflag:s22] =	ssyncadd.s32 $0xFFFFC000  }
0x1bb: {  	_ =	swait.ge [sflag:s5], $0x400  }
0x1bc: {  	[sflag:s5] =	ssyncset.done $0x0  }
0x1bd: {  	s26 =	simm.s32 $0x6;
	[sflag:s5] =	ssyncadd.s32 $0xFFFFFC00  }
0x1be: {  	s8 =	simm.s32 $0x0;
	_ =	swait.ge [sflag:s26], $0x400  }
0x1bf: {  	s9 =	sand.u32 $0x70, s8;
	s8 =	sand.u32 $0x700, s8;
	[sflag:s26] =	ssyncset.done $0x0  }
0x1c0: {  	s8 =	sor.u32 s9, s8;
	[sflag:s26] =	ssyncadd.s32 $0xFFFFFC00  }
0x1c1: {  	v2 =	vld [tilespmem:s8+$0x80];
	_ =	sdelay $0x2  }
0x1c2: {  	s14 =	simm.s32 $0x880  }
0x1c3: {  	s11 =	simm.s32 $0x10;
	s20 =	simm.s32 $0x3;
	s9 =	simm.s32 $0x20  }
0x1c4: {  	s12 =	sand.u32 $0x70, s11;
	s11 =	simm.s32 $0x20;
	s13 =	sand.u32 $0x700, s9;
	v2 =	vadd.s32 $0x1, v2  }
.LBB2_12:
0x1c5: {  	p2 =	seq.s32 s11, $0x3F0;
	[tilespmem:s8+$0x80] =	vst v2;
	s8 =	sor.u32 s12, s13  }
0x1c6: {  	v2 =	vld [tilespmem:s8+$0x80]  }
.Ltmp10:
0x1c7: {  	(pc) =	sbr.rel @!p2 .LBB2_12-.Ltmp10, $3  }
0x1c8: {  	_ =	sdelay $0x1  }
0x1c9: {  	s9 =	sadd.s32 $0x20, s9  }
0x1ca: {  	s12 =	sand.u32 $0x70, s11;
	s11 =	sadd.s32 $0x10, s11;
	s13 =	sand.u32 $0x700, s9;
	v2 =	vadd.s32 $0x1, v2  }
0x1cb: {  	s9 =	sor.u32 s12, s13;
	[tilespmem:s8+$0x80] =	vst v2  }
0x1cc: {  	v2 =	vld [tilespmem:s9+$0x80];
	_ =	sdelay $0x4  }
0x1cd: {  	v2 =	vadd.s32 $0x1, v2  }
0x1ce: {  	[tilespmem:s9+$0x80] =	vst v2  }
0x1cf: {  	_ =	swait.ge [sflag:s20], $0x4000  }
0x1d0: {  	[sflag:s20] =	ssyncset.done $0x0  }
0x1d1: {  	[sflag:s20] =	ssyncadd.s32 $0xFFFFC000  }
0x1d2: {  	[tilespmem:s0], [sflag:$0x1] =	stream.indirect.gather [hbm4b:s1+s30], $0x80, s30, s30, $0xb8;
	[tilespmem:$0x1F380] =	vst v63  }
0x1d3: {  	s26 =	simm.s32 $0xF00  }
0x1d4: {  	[spmem:s2] =	stream.indirect.scatter.add.f32 [tilespmem:s7], [sflag:$0x4], $0x80, s26, s30, $0xb8;
	[tilespmem:$0x1F380] =	vst v63  }
0x1d5: {  	_ =	swait.ge [sflag:s21], $0x4000  }
0x1d6: {  	[sflag:s21] =	ssyncset.done $0x0  }
0x1d7: {  	[sflag:s21] =	ssyncadd.s32 $0xFFFFC000  }
0x1d8: {  	_ =	swait.ge [sflag:s10], $0x4000  }
0x1d9: {  	[sflag:s10] =	ssyncset.done $0x0  }
0x1da: {  	s5 =	simm.s32 $0x180;
	[sflag:s10] =	ssyncadd.s32 $0xFFFFC000  }
0x1db: {  	[tilespmem:s7], [sflag:$0x2] =	stream.indirect.gather [hbm4b:s1+s30], $0x80, s5, s30, $0xb8;
	[tilespmem:$0x1F380] =	vst v63  }
0x1dc: {  	s23 =	smov.u32 s6  }
0x1dd: {  	[spmem:s2] =	stream.indirect.scatter.add.f32 [tilespmem:s0], [sflag:$0x3], $0x80, s14, s30, $0xb8;
	[tilespmem:$0x1F380] =	vst v63  }
.LBB2_14:
0x1de: {  	_ =	swait.ge [sflag:s22], $0x4000  }
0x1df: {  	[sflag:s22] =	ssyncset.done $0x0  }
0x1e0: {  	[sflag:s22] =	ssyncadd.s32 $0xFFFFC000  }
0x1e1: {  	_ =	swait.ge [sflag:s20], $0x4000  }
0x1e2: {  	[sflag:s20] =	ssyncset.done $0x0  }
0x1e3: {  	s5 =	simm.s32 $0x280;
	[sflag:s20] =	ssyncadd.s32 $0xFFFFC000  }
0x1e4: {  	[tilespmem:s0], [sflag:$0x1] =	stream.indirect.gather [hbm4b:s1+s30], $0x80, s5, s30, $0xb8;
	[tilespmem:$0x1F380] =	vst v63  }
0x1e5: {  	s15 =	simm.s32 $0x980  }
0x1e6: {  	[spmem:s2] =	stream.indirect.scatter.add.f32 [tilespmem:s7], [sflag:$0x4], $0x80, s15, s30, $0xb8;
	[tilespmem:$0x1F380] =	vst v63  }
0x1e7: {  	v3 =	vld @!p0 [tilespmem:$0x980];
	_ =	sdelay $0x6  }
0x1e8: {  	v2 =	vimm.f32 @!p0 $1.000000000e+00;
	s26 =	simm.s32 @!p0 $0x9000  }
0x1e9: {  	[tilespmem:v3+s26+$0x0] =	vst.idx.add.f32.msk @!p0 $0xffff, v2  }
0x1ea: {  	v3 =	vld @!p0 [tilespmem:$0x990];
	_ =	sdelay $0x7  }
0x1eb: {  	[tilespmem:v3+s26+$0x0] =	vst.idx.add.f32.msk @!p0 $0xffff, v2  }
0x1ec: {  	v3 =	vld @!p0 [tilespmem:$0x9A0];
	_ =	sdelay $0x7  }
0x1ed: {  	[tilespmem:v3+s26+$0x0] =	vst.idx.add.f32.msk @!p0 $0xffff, v2  }
0x1ee: {  	v3 =	vld @!p0 [tilespmem:$0x9B0];
	_ =	sdelay $0x7  }
0x1ef: {  	[tilespmem:v3+s26+$0x0] =	vst.idx.add.f32.msk @!p0 $0xffff, v2  }
0x1f0: {  	v3 =	vld @!p0 [tilespmem:$0x9C0];
	_ =	sdelay $0x7  }
0x1f1: {  	[tilespmem:v3+s26+$0x0] =	vst.idx.add.f32.msk @!p0 $0xffff, v2  }
0x1f2: {  	v3 =	vld @!p0 [tilespmem:$0x9D0];
	_ =	sdelay $0x7  }
0x1f3: {  	[tilespmem:v3+s26+$0x0] =	vst.idx.add.f32.msk @!p0 $0xffff, v2  }
0x1f4: {  	v3 =	vld @!p0 [tilespmem:$0x9E0];
	_ =	sdelay $0x7  }
0x1f5: {  	[tilespmem:v3+s26+$0x0] =	vst.idx.add.f32.msk @!p0 $0xffff, v2  }
0x1f6: {  	v3 =	vld @!p0 [tilespmem:$0x9F0];
	_ =	sdelay $0x7  }
0x1f7: {  	[tilespmem:v3+s26+$0x0] =	vst.idx.add.f32.msk @!p0 $0xffff, v2  }
0x1f8: {  	_ =	swait.ge [sflag:s21], $0x4000  }
0x1f9: {  	p2 =	seq.s32 s3, $0x4;
	s8 =	rddreg [dreg:$0x9]  }
0x1fa: {  	s8 =	sadd.s32 @!p2 s24, s8  }
0x1fb: {  	[sflag:s21] =	ssyncset.done $0x0;
	s8 =	sshll.u32 @!p2 s8, $0x7  }
0x1fc: {  	s11 =	simm.s32 @!p2 $0x0;
	[sflag:s21] =	ssyncadd.s32 $0xFFFFC000;
	s9 =	sadd.s32 @!p2 s23, s8  }
0x1fd: {  	[tilespmem:s11], [sflag:$0x5] =	stream.linear.gather @!p2 [hbm4b:s9+s11], $0x80, $0x38;
	[tilespmem:$0x1F380] =	vst v63  }
0x1fe: {  	s13 =	simm.s32 @!p2 $0x100;
	s12 =	sadd.s32 @!p2 $0x10, s9  }
0x1ff: {  	[tilespmem:s13], [sflag:$0x5] =	stream.linear.gather @!p2 [hbm4b:s12+s11], $0x80, $0x38;
	[tilespmem:$0x1F380] =	vst v63  }
0x200: {  	s12 =	sadd.s32 @!p2 $0x20, s9;
	s13 =	simm.s32 @!p2 $0x200  }
0x201: {  	[tilespmem:s13], [sflag:$0x5] =	stream.linear.gather @!p2 [hbm4b:s12+s11], $0x80, $0x38;
	[tilespmem:$0x1F380] =	vst v63  }
0x202: {  	s12 =	sadd.s32 @!p2 $0x30, s9;
	s13 =	simm.s32 @!p2 $0x300  }
0x203: {  	[tilespmem:s13], [sflag:$0x5] =	stream.linear.gather @!p2 [hbm4b:s12+s11], $0x80, $0x38;
	[tilespmem:$0x1F380] =	vst v63  }
0x204: {  	s12 =	sadd.s32 @!p2 $0x40, s9;
	s13 =	simm.s32 @!p2 $0x400  }
0x205: {  	[tilespmem:s13], [sflag:$0x5] =	stream.linear.gather @!p2 [hbm4b:s12+s11], $0x80, $0x38;
	[tilespmem:$0x1F380] =	vst v63  }
0x206: {  	s12 =	sadd.s32 @!p2 $0x50, s9;
	s13 =	simm.s32 @!p2 $0x500  }
0x207: {  	[tilespmem:s13], [sflag:$0x5] =	stream.linear.gather @!p2 [hbm4b:s12+s11], $0x80, $0x38;
	[tilespmem:$0x1F380] =	vst v63  }
0x208: {  	s12 =	sadd.s32 @!p2 $0x60, s9;
	s13 =	simm.s32 @!p2 $0x600  }
0x209: {  	[tilespmem:s13], [sflag:$0x5] =	stream.linear.gather @!p2 [hbm4b:s12+s11], $0x80, $0x38;
	[tilespmem:$0x1F380] =	vst v63  }
0x20a: {  	s5 =	rddreg [dreg:$0x11];
	s9 =	sadd.s32 @!p2 $0x70, s9;
	s12 =	simm.s32 @!p2 $0x700  }
0x20b: {  	[tilespmem:s12], [sflag:$0x5] =	stream.linear.gather @!p2 [hbm4b:s9+s11], $0x80, $0x38;
	[tilespmem:$0x1F380] =	vst v63  }
0x20c: {  	s8 =	sadd.s32 @!p2 s5, s8;
	s9 =	simm.s32 @!p2 $0x800  }
0x20d: {  	[tilespmem:s9], [sflag:$0x6] =	stream.linear.gather @!p2 [hbm4b:s8+s11], $0x80, $0x38;
	[tilespmem:$0x1F380] =	vst v63  }
0x20e: {  	s12 =	simm.s32 @!p2 $0x900;
	s9 =	sadd.s32 @!p2 $0x10, s8  }
0x20f: {  	[tilespmem:s12], [sflag:$0x6] =	stream.linear.gather @!p2 [hbm4b:s9+s11], $0x80, $0x38;
	[tilespmem:$0x1F380] =	vst v63  }
0x210: {  	s9 =	sadd.s32 @!p2 $0x20, s8;
	s12 =	simm.s32 @!p2 $0xA00  }
0x211: {  	[tilespmem:s12], [sflag:$0x6] =	stream.linear.gather @!p2 [hbm4b:s9+s11], $0x80, $0x38;
	[tilespmem:$0x1F380] =	vst v63  }
0x212: {  	s9 =	sadd.s32 @!p2 $0x30, s8;
	s12 =	simm.s32 @!p2 $0xB00  }
0x213: {  	[tilespmem:s12], [sflag:$0x6] =	stream.linear.gather @!p2 [hbm4b:s9+s11], $0x80, $0x38;
	[tilespmem:$0x1F380] =	vst v63  }
0x214: {  	s9 =	sadd.s32 @!p2 $0x40, s8;
	s12 =	simm.s32 @!p2 $0xC00  }
0x215: {  	[tilespmem:s12], [sflag:$0x6] =	stream.linear.gather @!p2 [hbm4b:s9+s11], $0x80, $0x38;
	[tilespmem:$0x1F380] =	vst v63  }
0x216: {  	s9 =	sadd.s32 @!p2 $0x50, s8;
	s12 =	simm.s32 @!p2 $0xD00  }
0x217: {  	[tilespmem:s12], [sflag:$0x6] =	stream.linear.gather @!p2 [hbm4b:s9+s11], $0x80, $0x38;
	[tilespmem:$0x1F380] =	vst v63  }
0x218: {  	s9 =	sadd.s32 @!p2 $0x60, s8;
	s12 =	simm.s32 @!p2 $0xE00  }
0x219: {  	[tilespmem:s12], [sflag:$0x6] =	stream.linear.gather @!p2 [hbm4b:s9+s11], $0x80, $0x38;
	[tilespmem:$0x1F380] =	vst v63  }
0x21a: {  	s8 =	sadd.s32 @!p2 $0x70, s8;
	s9 =	simm.s32 @!p2 $0xF00  }
0x21b: {  	[tilespmem:s9], [sflag:$0x6] =	stream.linear.gather @!p2 [hbm4b:s8+s11], $0x80, $0x38;
	[tilespmem:$0x1F380] =	vst v63  }
0x21c: {  	_ =	swait.ge [sflag:s10], $0x4000  }
0x21d: {  	[sflag:s10] =	ssyncset.done $0x0  }
0x21e: {  	s16 =	simm.s32 $0x380;
	[sflag:s10] =	ssyncadd.s32 $0xFFFFC000  }
0x21f: {  	[tilespmem:s7], [sflag:$0x2] =	stream.indirect.gather [hbm4b:s1+s30], $0x80, s16, s30, $0xb8;
	[tilespmem:$0x1F380] =	vst v63  }
0x220: {  	s8 =	simm.s32 @p0 $0x2  }
0x221: {  	[spmem:s2] =	stream.indirect.scatter.add.f32 [tilespmem:s0], [sflag:$0x3], $0x80, s29, s30, $0xb8;
	[tilespmem:$0x1F380] =	vst v63  }
0x222: {  	_ =	swait.ge @p0 [sflag:s8], $0x4000  }
0x223: {  	[sflag:s8] =	ssyncset.done @p0 $0x0  }
0x224: {  	s9 =	simm.s32 @p0 $0x3;
	[sflag:s8] =	ssyncadd.s32 @p0 $0xFFFFC000  }
0x225: {  	_ =	swait.ge @p0 [sflag:s9], $0x4000  }
0x226: {  	s13 =	simm.s32 @p0 $0x480;
	[sflag:s9] =	ssyncset.done @p0 $0x0  }
0x227: {  	s12 =	simm.s32 @p0 $0x1000;
	s11 =	simm.s32 @p0 $0x80;
	[sflag:s9] =	ssyncadd.s32 @p0 $0xFFFFC000  }
0x228: {  	[tilespmem:s12], [sflag:$0x1] =	stream.indirect.gather @p0 [hbm4b:s1+s11], $0x80, s13, s11, $0xb8;
	[tilespmem:$0x1F380] =	vst v63  }
0x229: {  	s14 =	simm.s32 @p0 $0x5000;
	s13 =	simm.s32 @p0 $0xB80  }
0x22a: {  	[spmem:s2] =	stream.indirect.scatter.add.f32 @p0 [tilespmem:s14], [sflag:$0x4], $0x80, s13, s11, $0xb8;
	[tilespmem:$0x1F380] =	vst v63  }
0x22b: {  	v3 =	vld @!p0 [tilespmem:$0xA80];
	_ =	sdelay $0x7  }
0x22c: {  	[tilespmem:v3+s26+$0x0] =	vst.idx.add.f32.msk @!p0 $0xffff, v2  }
0x22d: {  	v3 =	vld @!p0 [tilespmem:$0xA90];
	_ =	sdelay $0x7  }
0x22e: {  	[tilespmem:v3+s26+$0x0] =	vst.idx.add.f32.msk @!p0 $0xffff, v2  }
0x22f: {  	v3 =	vld @!p0 [tilespmem:$0xAA0];
	_ =	sdelay $0x7  }
0x230: {  	[tilespmem:v3+s26+$0x0] =	vst.idx.add.f32.msk @!p0 $0xffff, v2  }
0x231: {  	v3 =	vld @!p0 [tilespmem:$0xAB0];
	_ =	sdelay $0x7  }
0x232: {  	[tilespmem:v3+s26+$0x0] =	vst.idx.add.f32.msk @!p0 $0xffff, v2  }
0x233: {  	v3 =	vld @!p0 [tilespmem:$0xAC0];
	_ =	sdelay $0x7  }
0x234: {  	[tilespmem:v3+s26+$0x0] =	vst.idx.add.f32.msk @!p0 $0xffff, v2  }
0x235: {  	v3 =	vld @!p0 [tilespmem:$0xAD0];
	_ =	sdelay $0x7  }
0x236: {  	[tilespmem:v3+s26+$0x0] =	vst.idx.add.f32.msk @!p0 $0xffff, v2  }
0x237: {  	v3 =	vld @!p0 [tilespmem:$0xAE0];
	_ =	sdelay $0x7  }
0x238: {  	[tilespmem:v3+s26+$0x0] =	vst.idx.add.f32.msk @!p0 $0xffff, v2  }
0x239: {  	v3 =	vld @!p0 [tilespmem:$0xAF0];
	_ =	sdelay $0x7  }
0x23a: {  	s13 =	simm.s32 @!p0 $0x2;
	[tilespmem:v3+s26+$0x0] =	vst.idx.add.f32.msk @!p0 $0xffff, v2  }
0x23b: {  	_ =	swait.ge @!p0 [sflag:s13], $0x4000  }
0x23c: {  	[sflag:s13] =	ssyncset.done @!p0 $0x0  }
0x23d: {  	s15 =	simm.s32 @!p0 $0x3;
	[sflag:s13] =	ssyncadd.s32 @!p0 $0xFFFFC000  }
0x23e: {  	_ =	swait.ge @!p0 [sflag:s15], $0x4000  }
0x23f: {  	s17 =	simm.s32 @!p0 $0x480;
	[sflag:s15] =	ssyncset.done @!p0 $0x0  }
0x240: {  	s18 =	simm.s32 @!p0 $0x1000;
	s16 =	simm.s32 @!p0 $0x80;
	[sflag:s15] =	ssyncadd.s32 @!p0 $0xFFFFC000  }
0x241: {  	[tilespmem:s18], [sflag:$0x1] =	stream.indirect.gather @!p0 [hbm4b:s1+s16], $0x80, s17, s16, $0xb8;
	[tilespmem:$0x1F380] =	vst v63  }
0x242: {  	s19 =	simm.s32 @!p0 $0x5000;
	s17 =	simm.s32 @!p0 $0xB80  }
0x243: {  	[spmem:s2] =	stream.indirect.scatter.add.f32 @!p0 [tilespmem:s19], [sflag:$0x4], $0x80, s17, s16, $0xb8;
	[tilespmem:$0x1F380] =	vst v63  }
0x244: {  	v3 =	vld @!p0 [tilespmem:$0xB80];
	_ =	sdelay $0x7  }
0x245: {  	[tilespmem:v3+s26+$0x0] =	vst.idx.add.f32.msk @!p0 $0xffff, v2  }
0x246: {  	v3 =	vld @!p0 [tilespmem:$0xB90];
	_ =	sdelay $0x7  }
0x247: {  	[tilespmem:v3+s26+$0x0] =	vst.idx.add.f32.msk @!p0 $0xffff, v2  }
0x248: {  	v3 =	vld @!p0 [tilespmem:$0xBA0];
	_ =	sdelay $0x7  }
0x249: {  	[tilespmem:v3+s26+$0x0] =	vst.idx.add.f32.msk @!p0 $0xffff, v2  }
0x24a: {  	v3 =	vld @!p0 [tilespmem:$0xBB0];
	_ =	sdelay $0x7  }
0x24b: {  	[tilespmem:v3+s26+$0x0] =	vst.idx.add.f32.msk @!p0 $0xffff, v2  }
0x24c: {  	v3 =	vld @!p0 [tilespmem:$0xBC0];
	_ =	sdelay $0x7  }
0x24d: {  	[tilespmem:v3+s26+$0x0] =	vst.idx.add.f32.msk @!p0 $0xffff, v2  }
0x24e: {  	v3 =	vld @!p0 [tilespmem:$0xBD0];
	_ =	sdelay $0x7  }
0x24f: {  	[tilespmem:v3+s26+$0x0] =	vst.idx.add.f32.msk @!p0 $0xffff, v2  }
0x250: {  	v3 =	vld @!p0 [tilespmem:$0xBE0];
	_ =	sdelay $0x7  }
0x251: {  	[tilespmem:v3+s26+$0x0] =	vst.idx.add.f32.msk @!p0 $0xffff, v2  }
0x252: {  	v3 =	vld @!p0 [tilespmem:$0xBF0];
	_ =	sdelay $0x7  }
0x253: {  	[tilespmem:v3+s26+$0x0] =	vst.idx.add.f32.msk @!p0 $0xffff, v2  }
0x254: {  	_ =	swait.ge [sflag:s21], $0x4000  }
0x255: {  	[sflag:s21] =	ssyncset.done $0x0  }
0x256: {  	[sflag:s21] =	ssyncadd.s32 $0xFFFFC000  }
0x257: {  	_ =	swait.ge [sflag:s10], $0x4000  }
0x258: {  	[sflag:s10] =	ssyncset.done $0x0  }
0x259: {  	s17 =	simm.s32 $0x580;
	[sflag:s10] =	ssyncadd.s32 $0xFFFFC000  }
0x25a: {  	[tilespmem:s7], [sflag:$0x2] =	stream.indirect.gather [hbm4b:s1+s30], $0x80, s17, s30, $0xb8;
	[tilespmem:$0x1F380] =	vst v63  }
0x25b: {  	s24 =	simm.s32 $0xC80  }
0x25c: {  	[spmem:s2] =	stream.indirect.scatter.add.f32 [tilespmem:s0], [sflag:$0x3], $0x80, s24, s30, $0xb8;
	[tilespmem:$0x1F380] =	vst v63  }
0x25d: {  	_ =	swait.ge @p0 [sflag:s8], $0x4000  }
0x25e: {  	[sflag:s8] =	ssyncset.done @p0 $0x0  }
0x25f: {  	[sflag:s8] =	ssyncadd.s32 @p0 $0xFFFFC000  }
0x260: {  	_ =	swait.ge @p0 [sflag:s9], $0x4000  }
0x261: {  	[sflag:s9] =	ssyncset.done @p0 $0x0  }
0x262: {  	s8 =	simm.s32 @p0 $0x680;
	[sflag:s9] =	ssyncadd.s32 @p0 $0xFFFFC000  }
0x263: {  	[tilespmem:s12], [sflag:$0x1] =	stream.indirect.gather @p0 [hbm4b:s1+s11], $0x80, s8, s11, $0xb8;
	[tilespmem:$0x1F380] =	vst v63  }
0x264: {  	s8 =	simm.s32 @p0 $0xD80  }
0x265: {  	[spmem:s2] =	stream.indirect.scatter.add.f32 @p0 [tilespmem:s14], [sflag:$0x4], $0x80, s8, s11, $0xb8;
	[tilespmem:$0x1F380] =	vst v63  }
0x266: {  	v3 =	vld @!p0 [tilespmem:$0xC80];
	_ =	sdelay $0x7  }
0x267: {  	[tilespmem:v3+s26+$0x0] =	vst.idx.add.f32.msk @!p0 $0xffff, v2  }
0x268: {  	v3 =	vld @!p0 [tilespmem:$0xC90];
	_ =	sdelay $0x7  }
0x269: {  	[tilespmem:v3+s26+$0x0] =	vst.idx.add.f32.msk @!p0 $0xffff, v2  }
0x26a: {  	v3 =	vld @!p0 [tilespmem:$0xCA0];
	_ =	sdelay $0x7  }
0x26b: {  	[tilespmem:v3+s26+$0x0] =	vst.idx.add.f32.msk @!p0 $0xffff, v2  }
0x26c: {  	v3 =	vld @!p0 [tilespmem:$0xCB0];
	_ =	sdelay $0x7  }
0x26d: {  	[tilespmem:v3+s26+$0x0] =	vst.idx.add.f32.msk @!p0 $0xffff, v2  }
0x26e: {  	v3 =	vld @!p0 [tilespmem:$0xCC0];
	_ =	sdelay $0x7  }
0x26f: {  	[tilespmem:v3+s26+$0x0] =	vst.idx.add.f32.msk @!p0 $0xffff, v2  }
0x270: {  	v3 =	vld @!p0 [tilespmem:$0xCD0];
	_ =	sdelay $0x7  }
0x271: {  	[tilespmem:v3+s26+$0x0] =	vst.idx.add.f32.msk @!p0 $0xffff, v2  }
0x272: {  	v3 =	vld @!p0 [tilespmem:$0xCE0];
	_ =	sdelay $0x7  }
0x273: {  	[tilespmem:v3+s26+$0x0] =	vst.idx.add.f32.msk @!p0 $0xffff, v2  }
0x274: {  	v3 =	vld @!p0 [tilespmem:$0xCF0];
	_ =	sdelay $0x7  }
0x275: {  	[tilespmem:v3+s26+$0x0] =	vst.idx.add.f32.msk @!p0 $0xffff, v2  }
0x276: {  	_ =	swait.ge @!p0 [sflag:s13], $0x4000  }
0x277: {  	[sflag:s13] =	ssyncset.done @!p0 $0x0  }
0x278: {  	[sflag:s13] =	ssyncadd.s32 @!p0 $0xFFFFC000  }
0x279: {  	_ =	swait.ge @!p0 [sflag:s15], $0x4000  }
0x27a: {  	[sflag:s15] =	ssyncset.done @!p0 $0x0  }
0x27b: {  	s8 =	simm.s32 @!p0 $0x680;
	[sflag:s15] =	ssyncadd.s32 @!p0 $0xFFFFC000  }
0x27c: {  	[tilespmem:s18], [sflag:$0x1] =	stream.indirect.gather @!p0 [hbm4b:s1+s16], $0x80, s8, s16, $0xb8;
	[tilespmem:$0x1F380] =	vst v63  }
0x27d: {  	s8 =	simm.s32 @!p0 $0xD80  }
0x27e: {  	[spmem:s2] =	stream.indirect.scatter.add.f32 @!p0 [tilespmem:s19], [sflag:$0x4], $0x80, s8, s16, $0xb8;
	[tilespmem:$0x1F380] =	vst v63  }
0x27f: {  	v3 =	vld @!p0 [tilespmem:$0xD80];
	_ =	sdelay $0x7  }
0x280: {  	[tilespmem:v3+s26+$0x0] =	vst.idx.add.f32.msk @!p0 $0xffff, v2  }
0x281: {  	v3 =	vld @!p0 [tilespmem:$0xD90];
	_ =	sdelay $0x7  }
0x282: {  	[tilespmem:v3+s26+$0x0] =	vst.idx.add.f32.msk @!p0 $0xffff, v2  }
0x283: {  	v3 =	vld @!p0 [tilespmem:$0xDA0];
	_ =	sdelay $0x7  }
0x284: {  	[tilespmem:v3+s26+$0x0] =	vst.idx.add.f32.msk @!p0 $0xffff, v2  }
0x285: {  	v3 =	vld @!p0 [tilespmem:$0xDB0];
	_ =	sdelay $0x7  }
0x286: {  	[tilespmem:v3+s26+$0x0] =	vst.idx.add.f32.msk @!p0 $0xffff, v2  }
0x287: {  	v3 =	vld @!p0 [tilespmem:$0xDC0];
	_ =	sdelay $0x7  }
0x288: {  	[tilespmem:v3+s26+$0x0] =	vst.idx.add.f32.msk @!p0 $0xffff, v2  }
0x289: {  	v3 =	vld @!p0 [tilespmem:$0xDD0];
	_ =	sdelay $0x7  }
0x28a: {  	[tilespmem:v3+s26+$0x0] =	vst.idx.add.f32.msk @!p0 $0xffff, v2  }
0x28b: {  	v3 =	vld @!p0 [tilespmem:$0xDE0];
	_ =	sdelay $0x7  }
0x28c: {  	[tilespmem:v3+s26+$0x0] =	vst.idx.add.f32.msk @!p0 $0xffff, v2  }
0x28d: {  	v3 =	vld @!p0 [tilespmem:$0xDF0];
	_ =	sdelay $0x7  }
0x28e: {  	[tilespmem:v3+s26+$0x0] =	vst.idx.add.f32.msk @!p0 $0xffff, v2  }
0x28f: {  	_ =	swait.ge [sflag:s21], $0x4000  }
0x290: {  	[sflag:s21] =	ssyncset.done $0x0  }
0x291: {  	[sflag:s21] =	ssyncadd.s32 $0xFFFFC000  }
0x292: {  	_ =	swait.ge [sflag:s10], $0x4000  }
0x293: {  	[sflag:s10] =	ssyncset.done $0x0  }
0x294: {  	s29 =	simm.s32 $0x780;
	[sflag:s10] =	ssyncadd.s32 $0xFFFFC000  }
0x295: {  	[tilespmem:s7], [sflag:$0x2] =	stream.indirect.gather [hbm4b:s1+s30], $0x80, s29, s30, $0xb8;
	[tilespmem:$0x1F380] =	vst v63  }
0x296: {  	_ = 	snop  }
0x297: {  	[spmem:s2] =	stream.indirect.scatter.add.f32 [tilespmem:s0], [sflag:$0x3], $0x80, s28, s30, $0xb8;
	[tilespmem:$0x1F380] =	vst v63  }
0x298: {  	v3 =	vld @!p0 [tilespmem:$0xE80];
	_ =	sdelay $0x7  }
0x299: {  	[tilespmem:v3+s26+$0x0] =	vst.idx.add.f32.msk @!p0 $0xffff, v2  }
0x29a: {  	v3 =	vld @!p0 [tilespmem:$0xE90];
	_ =	sdelay $0x7  }
0x29b: {  	[tilespmem:v3+s26+$0x0] =	vst.idx.add.f32.msk @!p0 $0xffff, v2  }
0x29c: {  	v3 =	vld @!p0 [tilespmem:$0xEA0];
	_ =	sdelay $0x7  }
0x29d: {  	[tilespmem:v3+s26+$0x0] =	vst.idx.add.f32.msk @!p0 $0xffff, v2  }
0x29e: {  	v3 =	vld @!p0 [tilespmem:$0xEB0];
	_ =	sdelay $0x7  }
0x29f: {  	[tilespmem:v3+s26+$0x0] =	vst.idx.add.f32.msk @!p0 $0xffff, v2  }
0x2a0: {  	v3 =	vld @!p0 [tilespmem:$0xEC0];
	_ =	sdelay $0x7  }
0x2a1: {  	[tilespmem:v3+s26+$0x0] =	vst.idx.add.f32.msk @!p0 $0xffff, v2  }
0x2a2: {  	v3 =	vld @!p0 [tilespmem:$0xED0];
	_ =	sdelay $0x7  }
0x2a3: {  	[tilespmem:v3+s26+$0x0] =	vst.idx.add.f32.msk @!p0 $0xffff, v2  }
0x2a4: {  	v3 =	vld @!p0 [tilespmem:$0xEE0];
	_ =	sdelay $0x7  }
0x2a5: {  	[tilespmem:v3+s26+$0x0] =	vst.idx.add.f32.msk @!p0 $0xffff, v2  }
0x2a6: {  	v3 =	vld @!p0 [tilespmem:$0xEF0];
	_ =	sdelay $0x6  }
.Ltmp11:
0x2a7: {  	_ = 	snop;
	(pc) =	sbr.rel @p2 .LBB2_20-.Ltmp11, $4  }
0x2a8: {  	[tilespmem:v3+s26+$0x0] =	vst.idx.add.f32.msk @!p0 $0xffff, v2  }
0x2a9: {  	_ =	swait.ge [sflag:s22], $0x4000  }
0x2aa: {  	[sflag:s22] =	ssyncset.done $0x0  }
0x2ab: {  	s5 =	simm.s32 $0xF80;
	[sflag:s22] =	ssyncadd.s32 $0xFFFFC000  }
0x2ac: {  	s6 =	simm.s32 $0x5  }
0x2ad: {  	_ =	swait.ge [sflag:s6], $0x400  }
.Ltmp12:
0x2ae: {  	[sflag:s6] =	ssyncset.done $0x0;
	(pc) =	sbr.rel @p1 .LBB2_19-.Ltmp12, $4  }
0x2af: {  	s29 =	simm.s32 $0x6;
	[sflag:s6] =	ssyncadd.s32 $0xFFFFFC00  }
0x2b0: {  	_ =	swait.ge [sflag:s29], $0x400  }
0x2b1: {  	[sflag:s29] =	ssyncset.done $0x0  }
0x2b2: {  	s9 =	simm.s32 $0x0;
	[sflag:s29] =	ssyncadd.s32 $0xFFFFFC00  }
0x2b3: {  	s8 =	sand.u32 $0x70, s9;
	s11 =	sand.u32 $0x700, s9  }
0x2b4: {  	s8 =	sor.u32 s8, s11  }
0x2b5: {  	v3 =	vld [tilespmem:s8+$0x0];
	_ =	sdelay $0x3  }
0x2b6: {  	s29 =	sadd.s32 $0x10, s9;
	s9 =	sadd.s32 $0x20, s9  }
0x2b7: {  	s12 =	sand.u32 $0x70, s29;
	s13 =	sand.u32 $0x700, s9;
	s11 =	sadd.s32 $0x10, s29;
	v3 =	vadd.s32 $0x1, v3  }
.LBB2_17:
0x2b8: {  	p2 =	sne.s32 s11, $0x3F0;
	[tilespmem:s8+$0x0] =	vst v3;
	s8 =	sor.u32 s12, s13  }
0x2b9: {  	v3 =	vld [tilespmem:s8+$0x0]  }
.Ltmp13:
0x2ba: {  	(pc) =	sbr.rel @p2 .LBB2_17-.Ltmp13, $3  }
0x2bb: {  	_ =	sdelay $0x1  }
0x2bc: {  	s9 =	sadd.s32 $0x20, s9  }
0x2bd: {  	s12 =	sand.u32 $0x70, s11;
	s11 =	sadd.s32 $0x10, s11;
	s13 =	sand.u32 $0x700, s9;
	v3 =	vadd.s32 $0x1, v3  }
0x2be: {  	s9 =	sor.u32 s12, s13;
	[tilespmem:s8+$0x0] =	vst v3  }
0x2bf: {  	v3 =	vld [tilespmem:s9+$0x0];
	_ =	sdelay $0x1  }
.Ltmp14:
0x2c0: {  	_ = 	snop;
	(pc) =	sbr.rel .LBB2_19-.Ltmp14, $3  }
0x2c1: {  	_ =	sdelay $0x1  }
0x2c2: {  	v3 =	vadd.s32 $0x1, v3  }
0x2c3: {  	[tilespmem:s9+$0x0] =	vst v3  }
.LBB2_22:
0x2c4: {  	_ =	sfence.sel $0x180000  }
0x2c5: {  	[bflag:$0x0] =	sbarrier.arrive $0xFFFF  }
0x2c6: {  	_ =	strace $0x90000047  }
0x2c7: {  	s0 =	stileid.u32;
	[bflag:$0x2] =	sbarrier.arrive $0xFFFF  }
0x2c8: {  	p0 =	sne.s32 s0, $0x0;
	s0 =	rddreg [dreg:$0x3]  }
0x2c9: {  	s0 =	sadd.s32 @!p0 $0x100000, s0  }
0x2ca: {  	[sflag:s0] =	ssyncadd.tile.s32 @!p0 $0x1;
	_ =	shalt  }
.Lfunc_end2:
_tile_overlayer_lowered:
.L_overlay_start_2:
0x2cb: {  	(tag) =	ssettag $0x2  }
0x2cc: {  	s0 =	rddreg [dreg:$0x0];
	s2 =	stileid.u32  }
0x2cd: {  	s1 =	rddreg [dreg:$0x1];
	p0 =	sne.s32 s2, $0x0  }
0x2ce: {  	s3 =	rddreg [dreg:$0x2];
	[bflag:$0x3] =	sbarrier.arrive $0xFFFF;
	s2 =	simm.s32 @!p0 $0x1C07  }
0x2cf: {  	[timem:s3], [sflag:s2] =	dma.local @!p0 [hbm:s0], s1  }
0x2d0: {  	s0 =	simm.s32 @!p0 $0x7  }
0x2d1: {  	_ =	swait.ge @!p0 [sflag:s0], s1  }
0x2d2: {  	s1 =	ssub.s32 @!p0 $0x0, s1;
	[sflag:s0] =	ssyncset.done @!p0 $0x0  }
0x2d3: {  	[sflag:s0] =	ssyncadd.s32 @!p0 s1  }
0x2d4: {  	[bflag:$0x3] =	sbarrier.arrive $0xFFFF  }
0x2d5: {  	_ =	shalt  }

</sc_bundles>
